<compile_context>
chip_gen: v7x
topology: tpu7x:2x2x1
jax: 0.10.2.dev20260603
libtpu: 0.0.44.dev20260713+nightly
codegen_flags: <defaults>
</compile_context>

<pallas_src>
import functools
import math

import jax
import jax.numpy as jnp
from jax import lax
from jax.experimental import pallas as pl
from jax.experimental.pallas import tpu as pltpu
from jax.experimental.pallas import tpu_sc as plsc

N = 10000
D = 256
E = 160000
H = 4
C = D // H

ROW_BLK = 400
N_BLKS = N // ROW_BLK

NC = 2
NS = 16
DH = D // 2
NP = 10240
RPT = NP // NS
DUMP = 10100
EPAD = 161280
PT_SC = EPAD // NS
BSC = 80

EB = 640
E_BLKS = EPAD // EB

_MESH = plsc.VectorSubcoreMesh(core_axis_name="c", subcore_axis_name="s",
                               num_cores=NC, num_subcores=NS)


def _f32(shape):
    return jax.ShapeDtypeStruct(shape, jnp.float32)


def _gin_agg(h0, h1, src, dst, z128):

    @functools.partial(
        pl.kernel,
        out_type=[_f32((NP, DH)), _f32((NP, DH))],
        mesh=_MESH,
        compiler_params=pltpu.CompilerParams(needs_layout_passes=False),
        scratch_types=[
            pltpu.VMEM_SHARED((NP, DH), jnp.float32),
            pltpu.VMEM((BSC,), jnp.int32),
            pltpu.VMEM((BSC,), jnp.int32),
            pltpu.VMEM((BSC, DH), jnp.float32),
            pltpu.VMEM((BSC,), jnp.int32),
            pltpu.VMEM((BSC,), jnp.int32),
            pltpu.VMEM((BSC, DH), jnp.float32),
            pltpu.SemaphoreType.DMA,
            pltpu.SemaphoreType.DMA,
        ],
    )
    def body(h0_h, h1_h, src_h, dst_h, z_h, o0_h, o1_h,
             acc, idx_a, dst_a, rows_a, idx_b, dst_b, rows_b, sem_a, sem_b):
        c = lax.axis_index("c")
        s = lax.axis_index("s")
        pltpu.sync_copy(z_h.at[pl.ds(s * RPT, RPT)], acc.at[pl.ds(s * RPT, RPT)])
        plsc.subcore_barrier()
        for cid, tbl, out in ((0, h0_h, o0_h), (1, h1_h, o1_h)):
            @pl.when(c == cid)
            def _():
                def step(i, carry):
                    base = s * PT_SC + 2 * i * BSC
                    pltpu.sync_copy(src_h.at[pl.ds(base, BSC)], idx_a)
                    pltpu.sync_copy(dst_h.at[pl.ds(base, BSC)], dst_a)
                    ca = pltpu.async_copy(tbl.at[idx_a], rows_a, sem_a)
                    pltpu.sync_copy(src_h.at[pl.ds(base + BSC, BSC)], idx_b)
                    pltpu.sync_copy(dst_h.at[pl.ds(base + BSC, BSC)], dst_b)
                    cb = pltpu.async_copy(tbl.at[idx_b], rows_b, sem_b)
                    ca.wait()
                    pltpu.sync_copy(rows_a, acc.at[dst_a], add=True)
                    cb.wait()
                    pltpu.sync_copy(rows_b, acc.at[dst_b], add=True)
                    return carry
                lax.fori_loop(0, PT_SC // (2 * BSC), step, 0)
                plsc.subcore_barrier()
                pltpu.sync_copy(acc.at[pl.ds(s * RPT, RPT)],
                                out.at[pl.ds(s * RPT, RPT)])

    return body(h0, h1, src, dst, z128)


def _gather3(q0, q1, k, v, gd, gs):

    @functools.partial(
        pl.kernel,
        out_type=[_f32((EPAD, DH)), _f32((EPAD, DH)),
                  _f32((EPAD, D)), _f32((EPAD, D))],
        mesh=_MESH,
        compiler_params=pltpu.CompilerParams(needs_layout_passes=False),
        scratch_types=[
            pltpu.VMEM((BSC,), jnp.int32),
            pltpu.VMEM((BSC,), jnp.int32),
            pltpu.VMEM((BSC, DH), jnp.float32),
            pltpu.VMEM((BSC, D), jnp.float32),
            pltpu.VMEM((BSC,), jnp.int32),
            pltpu.VMEM((BSC,), jnp.int32),
            pltpu.VMEM((BSC, DH), jnp.float32),
            pltpu.VMEM((BSC, D), jnp.float32),
            pltpu.SemaphoreType.DMA,
            pltpu.SemaphoreType.DMA,
            pltpu.SemaphoreType.DMA,
            pltpu.SemaphoreType.DMA,
        ],
    )
    def body(q0_h, q1_h, k_h, v_h, gd_h, gs_h,
             oq0, oq1, oke, ove,
             gdv_a, gsv_a, rq_a, rw_a, gdv_b, gsv_b, rq_b, rw_b,
             semq_a, semw_a, semq_b, semw_b):
        c = lax.axis_index("c")
        s = lax.axis_index("s")
        for cid, tq, tw, oq, ow in ((0, q0_h, k_h, oq0, oke),
                                    (1, q1_h, v_h, oq1, ove)):
            @pl.when(c == cid)
            def _():
                def step(i, carry):
                    base = s * PT_SC + 2 * i * BSC
                    pltpu.sync_copy(gd_h.at[pl.ds(base, BSC)], gdv_a)
                    pltpu.sync_copy(gs_h.at[pl.ds(base, BSC)], gsv_a)
                    cqa = pltpu.async_copy(tq.at[gdv_a], rq_a, semq_a)
                    cwa = pltpu.async_copy(tw.at[gsv_a], rw_a, semw_a)
                    pltpu.sync_copy(gd_h.at[pl.ds(base + BSC, BSC)], gdv_b)
                    pltpu.sync_copy(gs_h.at[pl.ds(base + BSC, BSC)], gsv_b)
                    cqb = pltpu.async_copy(tq.at[gdv_b], rq_b, semq_b)
                    cwb = pltpu.async_copy(tw.at[gsv_b], rw_b, semw_b)
                    cqa.wait()
                    pltpu.sync_copy(rq_a, oq.at[pl.ds(base, BSC)])
                    cwa.wait()
                    pltpu.sync_copy(rw_a, ow.at[pl.ds(base, BSC)])
                    cqb.wait()
                    pltpu.sync_copy(rq_b, oq.at[pl.ds(base + BSC, BSC)])
                    cwb.wait()
                    pltpu.sync_copy(rw_b, ow.at[pl.ds(base + BSC, BSC)])
                    return carry
                lax.fori_loop(0, PT_SC // (2 * BSC), step, 0)

    return body(q0, q1, k, v, gd, gs)


PT_DN = EPAD // (NC * NS)


def _den_agg(exd, dst, z128):

    @functools.partial(
        pl.kernel,
        out_type=[_f32((NP, DH)), _f32((NP, DH))],
        mesh=_MESH,
        compiler_params=pltpu.CompilerParams(needs_layout_passes=False),
        scratch_types=[
            pltpu.VMEM_SHARED((NP, DH), jnp.float32),
            pltpu.VMEM((BSC,), jnp.int32),
            pltpu.VMEM((BSC, DH), jnp.float32),
            pltpu.VMEM((BSC,), jnp.int32),
            pltpu.VMEM((BSC, DH), jnp.float32),
            pltpu.SemaphoreType.DMA,
            pltpu.SemaphoreType.DMA,
        ],
    )
    def body(exd_h, dst_h, z_h, d0_h, d1_h,
             acc, dst_a, rows_a, dst_b, rows_b, sem_a, sem_b):
        c = lax.axis_index("c")
        s = lax.axis_index("s")
        pltpu.sync_copy(z_h.at[pl.ds(s * RPT, RPT)], acc.at[pl.ds(s * RPT, RPT)])
        plsc.subcore_barrier()
        tile0 = c * (NS * PT_DN) + s * PT_DN

        def step(i, carry):
            base = tile0 + 2 * i * BSC
            pltpu.sync_copy(dst_h.at[pl.ds(base, BSC)], dst_a)
            ca = pltpu.async_copy(exd_h.at[pl.ds(base, BSC)], rows_a, sem_a)
            pltpu.sync_copy(dst_h.at[pl.ds(base + BSC, BSC)], dst_b)
            cb = pltpu.async_copy(exd_h.at[pl.ds(base + BSC, BSC)], rows_b, sem_b)
            ca.wait()
            pltpu.sync_copy(rows_a, acc.at[dst_a], add=True)
            cb.wait()
            pltpu.sync_copy(rows_b, acc.at[dst_b], add=True)
            return carry

        lax.fori_loop(0, PT_DN // (2 * BSC), step, 0)
        base = tile0 + (PT_DN // (2 * BSC)) * 2 * BSC
        pltpu.sync_copy(dst_h.at[pl.ds(base, BSC)], dst_a)
        pltpu.sync_copy(exd_h.at[pl.ds(base, BSC)], rows_a)
        pltpu.sync_copy(rows_a, acc.at[dst_a], add=True)
        plsc.subcore_barrier()
        for cid, out in ((0, d0_h), (1, d1_h)):
            @pl.when(c == cid)
            def _():
                pltpu.sync_copy(acc.at[pl.ds(s * RPT, RPT)],
                                out.at[pl.ds(s * RPT, RPT)])

    return body(exd, dst, z128)


def _edge_body(qe_ref, ke_ref, ve_ref, m_ref, p_ref, we_ref, exd_ref):
    prod = qe_ref[...] * ke_ref[...]
    s = jnp.dot(prod, m_ref[...], preferred_element_type=jnp.float32)
    exf = jnp.exp(s * (1.0 / math.sqrt(C)))
    we_ref[...] = exf * ve_ref[...]
    exd_ref[...] = jnp.dot(exf, p_ref[...], preferred_element_type=jnp.float32)


def _edge_tc(qe, ke, ve, mmat, pmat):
    row = pl.BlockSpec((EB, D), lambda i: (i, 0))
    rowh = pl.BlockSpec((EB, DH), lambda i: (i, 0))
    msp = pl.BlockSpec((D, D), lambda i: (0, 0))
    psp = pl.BlockSpec((D, DH), lambda i: (0, 0))
    out = jax.ShapeDtypeStruct((EPAD, D), jnp.float32)
    outh = jax.ShapeDtypeStruct((EPAD, DH), jnp.float32)
    return pl.pallas_call(
        _edge_body,
        grid=(E_BLKS,),
        in_specs=[row, row, row, msp, psp],
        out_specs=[row, rowh],
        out_shape=[out, outh],
    )(qe, ke, ve, mmat, pmat)


def _proj_body(low_ref, wq, bq, wk, bk, wv, bv, ws, bs, q_o, k_o, v_o, s_o):
    x = low_ref[...]
    q_o[...] = jnp.dot(x, wq[...], preferred_element_type=jnp.float32) + bq[...]
    k_o[...] = jnp.dot(x, wk[...], preferred_element_type=jnp.float32) + bk[...]
    v_o[...] = jnp.dot(x, wv[...], preferred_element_type=jnp.float32) + bv[...]
    s_o[...] = jnp.dot(x, ws[...], preferred_element_type=jnp.float32) + bs[...]


def _proj(low_emb, p):
    row = pl.BlockSpec((ROW_BLK, D), lambda i: (i, 0))
    wsp = pl.BlockSpec((D, D), lambda i: (0, 0))
    bsp = pl.BlockSpec((1, D), lambda i: (0, 0))
    out = jax.ShapeDtypeStruct((N, D), jnp.float32)
    return pl.pallas_call(
        _proj_body,
        grid=(N_BLKS,),
        in_specs=[row, wsp, bsp, wsp, bsp, wsp, bsp, wsp, bsp],
        out_specs=[row, row, row, row],
        out_shape=[out, out, out, out],
    )(low_emb,
      p['tc_wq'], p['tc_bq'].reshape(1, D),
      p['tc_wk'], p['tc_bk'].reshape(1, D),
      p['tc_wv'], p['tc_bv'].reshape(1, D),
      p['tc_wskip'], p['tc_bskip'].reshape(1, D))


def _ln(x, g, b):
    mu = jnp.mean(x, axis=-1, keepdims=True)
    var = jnp.mean((x - mu) ** 2, axis=-1, keepdims=True)
    return (x - mu) * jax.lax.rsqrt(var + 1e-5) * g + b


def _fused_body(high_ref, low_ref, agg_ref, num_ref, rinv_ref, skip_ref,
                eps_row, w1, b1, w2, b2, gln_g, gln_b, tln_g, tln_b,
                h2l_qw, h2l_qb, h2l_kw, h2l_kb, h2l_vw, h2l_vb,
                l2h_qw, l2h_qb, l2h_kw, l2h_kb, l2h_vw, l2h_vb,
                nh_g, nh_b, nl_g, nl_b,
                high_new_ref, low_new_ref):
    high = high_ref[...]
    low = low_ref[...]
    h = eps_row[...] * high + agg_ref[...]
    h = jnp.dot(h, w1[...], preferred_element_type=jnp.float32) + b1[...]
    h = 0.5 * h * (1.0 + lax.erf(h * (1.0 / math.sqrt(2.0))))
    h = jnp.dot(h, w2[...], preferred_element_type=jnp.float32) + b2[...]
    high_out = _ln(h, gln_g[...], gln_b[...])
    out = num_ref[...] * rinv_ref[...] + skip_ref[...]
    low_out = _ln(out, tln_g[...], tln_b[...])
    scale = D ** (-0.5)
    q_h2l = jnp.dot(high_out, h2l_qw[...], preferred_element_type=jnp.float32) + h2l_qb[...]
    k_h2l = jnp.dot(low_out, h2l_kw[...], preferred_element_type=jnp.float32) + h2l_kb[...]
    v_h2l = jnp.dot(low_out, h2l_vw[...], preferred_element_type=jnp.float32) + h2l_vb[...]
    a_h2l = jax.nn.sigmoid(jnp.sum(q_h2l * k_h2l, axis=-1, keepdims=True) * scale)
    high_cross = a_h2l * v_h2l
    q_l2h = jnp.dot(low_out, l2h_qw[...], preferred_element_type=jnp.float32) + l2h_qb[...]
    k_l2h = jnp.dot(high_out, l2h_kw[...], preferred_element_type=jnp.float32) + l2h_kb[...]
    v_l2h = jnp.dot(high_out, l2h_vw[...], preferred_element_type=jnp.float32) + l2h_vb[...]
    a_l2h = jax.nn.sigmoid(jnp.sum(q_l2h * k_l2h, axis=-1, keepdims=True) * scale)
    low_cross = a_l2h * v_l2h
    high_new_ref[...] = _ln(high + high_out + high_cross, nh_g[...], nh_b[...])
    low_new_ref[...] = _ln(low + low_out + low_cross, nl_g[...], nl_b[...])


def _fused(high_emb, low_emb, agg, num, rinv, skip, p):
    row = pl.BlockSpec((ROW_BLK, D), lambda i: (i, 0))
    w1sp = pl.BlockSpec((D, 2 * D), lambda i: (0, 0))
    b1sp = pl.BlockSpec((1, 2 * D), lambda i: (0, 0))
    w2sp = pl.BlockSpec((2 * D, D), lambda i: (0, 0))
    wsp = pl.BlockSpec((D, D), lambda i: (0, 0))
    bsp = pl.BlockSpec((1, D), lambda i: (0, 0))
    out = jax.ShapeDtypeStruct((N, D), jnp.float32)
    b = lambda name: p[name].reshape(1, -1)
    return pl.pallas_call(
        _fused_body,
        grid=(N_BLKS,),
        in_specs=[row, row, row, row, row, row,
                  bsp, w1sp, b1sp, w2sp, bsp, bsp, bsp, bsp, bsp,
                  wsp, bsp, wsp, bsp, wsp, bsp,
                  wsp, bsp, wsp, bsp, wsp, bsp,
                  bsp, bsp, bsp, bsp],
        out_specs=[row, row],
        out_shape=[out, out],
    )(high_emb, low_emb, agg, num, rinv, skip,
      jnp.broadcast_to(1.0 + p['gin_eps'], (1, D)), p['gin_w1'], b('gin_b1'), p['gin_w2'], b('gin_b2'),
      b('gin_ln_g'), b('gin_ln_b'), b('tc_ln_g'), b('tc_ln_b'),
      p['c_h2l_qw'], b('c_h2l_qb'), p['c_h2l_kw'], b('c_h2l_kb'),
      p['c_h2l_vw'], b('c_h2l_vb'),
      p['c_l2h_qw'], b('c_l2h_qb'), p['c_l2h_kw'], b('c_l2h_kb'),
      p['c_l2h_vw'], b('c_l2h_vb'),
      b('nh_g'), b('nh_b'), b('nl_g'), b('nl_b'))


def kernel(high_emb, low_emb, spatial_edge_index, grn_edge_index, params):
    p = params
    src, dst = spatial_edge_index[0], spatial_edge_index[1]
    gs, gd = grn_edge_index[0], grn_edge_index[1]

    q, k, v, skip = _proj(low_emb, p)

    padn = EPAD - E
    src_p = jnp.pad(src, (0, padn))
    dst_p = jnp.pad(dst, (0, padn), constant_values=DUMP)
    gs_p = jnp.pad(gs, (0, padn))
    gdg_p = jnp.pad(gd, (0, padn))
    gd_p = jnp.pad(gd, (0, padn), constant_values=DUMP)
    z128 = jnp.zeros((NP, DH), jnp.float32)

    a0, a1 = _gin_agg(high_emb[:, :DH], high_emb[:, DH:], src_p, dst_p, z128)
    agg = jnp.concatenate([a0[:N], a1[:N]], axis=1)

    qe0, qe1, ke, ve = _gather3(q[:, :DH], q[:, DH:], k, v, gdg_p, gs_p)
    qe = jnp.concatenate([qe0, qe1], axis=1)

    lane = jnp.arange(D, dtype=jnp.int32)
    mmat = (lane[:, None] // C == lane[None, :] // C).astype(jnp.float32)
    pmat = ((lane[:, None] % C == 0) &
            (lane[None, :DH] == lane[:, None] // C)).astype(jnp.float32)

    we, exd = _edge_tc(qe, ke, ve, mmat, pmat)

    iota_e = jnp.arange(EPAD, dtype=jnp.int32)
    n0, n1 = _gin_agg(we[:, :DH], we[:, DH:], iota_e, gd_p, z128)
    num = jnp.concatenate([n0[:N], n1[:N]], axis=1)
    d0, d1 = _den_agg(exd, gd_p, z128)
    denom = (d0 + d1)[:N, :H]

    rinv = jnp.repeat(1.0 / jnp.maximum(denom, 1e-16), C, axis=1)
    high_new, low_new = _fused(high_emb, low_emb, agg, num, rinv, skip, p)
    return high_new, low_new

# --- scband reference (transcript-rebuilt; emitter-appended) ---
"""Pipeline reference for scband-multi-level-graph-layer-85143431675973 (READ-ONLY COPY).

The authoritative reference and input builder live on the scoring server;
editing this copy changes nothing except your own understanding.
"""

import jax, jax.numpy as jnp
import numpy as np
import math

N = 10000
D = 256
E = 160000
H = 4
C = D // H


def _layer_norm(x, g, b):
    mu = jnp.mean(x, axis=-1, keepdims=True)
    var = jnp.mean((x - mu) ** 2, axis=-1, keepdims=True)
    return (x - mu) / jnp.sqrt(var + 1e-5) * g + b


def setup_inputs(seed: int = 0) -> dict:
    key = jax.random.key(seed)
    ks = jax.random.split(key, 40)
    it = iter(range(40))
    def nrm(shape, scale):
        return (jax.random.normal(ks[next(it)], shape, dtype=jnp.float32) * scale)
    high_emb = jax.random.normal(ks[next(it)], (N, D), dtype=jnp.float32)
    low_emb = jax.random.normal(ks[next(it)], (N, D), dtype=jnp.float32)
    spatial_edge_index = jax.random.randint(ks[next(it)], (2, E), 0, N, dtype=jnp.int64 if jax.config.jax_enable_x64 else jnp.int32).astype(jnp.int32)
    grn_edge_index = jax.random.randint(ks[next(it)], (2, E), 0, N, dtype=jnp.int32)
    s = 1.0 / math.sqrt(D)
    params = {
        'gin_eps': jnp.zeros((), dtype=jnp.float32),
        'gin_w1': nrm((D, 2 * D), s), 'gin_b1': jnp.zeros((2 * D,), jnp.float32),
        'gin_w2': nrm((2 * D, D), 1.0 / math.sqrt(2 * D)), 'gin_b2': jnp.zeros((D,), jnp.float32),
        'gin_ln_g': jnp.ones((D,), jnp.float32), 'gin_ln_b': jnp.zeros((D,), jnp.float32),
        'tc_wq': nrm((D, D), s), 'tc_bq': jnp.zeros((D,), jnp.float32),
        'tc_wk': nrm((D, D), s), 'tc_bk': jnp.zeros((D,), jnp.float32),
        'tc_wv': nrm((D, D), s), 'tc_bv': jnp.zeros((D,), jnp.float32),
        'tc_wskip': nrm((D, D), s), 'tc_bskip': jnp.zeros((D,), jnp.float32),
        'tc_ln_g': jnp.ones((D,), jnp.float32), 'tc_ln_b': jnp.zeros((D,), jnp.float32),
        'c_h2l_qw': nrm((D, D), s), 'c_h2l_qb': jnp.zeros((D,), jnp.float32),
        'c_h2l_kw': nrm((D, D), s), 'c_h2l_kb': jnp.zeros((D,), jnp.float32),
        'c_h2l_vw': nrm((D, D), s), 'c_h2l_vb': jnp.zeros((D,), jnp.float32),
        'c_l2h_qw': nrm((D, D), s), 'c_l2h_qb': jnp.zeros((D,), jnp.float32),
        'c_l2h_kw': nrm((D, D), s), 'c_l2h_kb': jnp.zeros((D,), jnp.float32),
        'c_l2h_vw': nrm((D, D), s), 'c_l2h_vb': jnp.zeros((D,), jnp.float32),
        'nh_g': jnp.ones((D,), jnp.float32), 'nh_b': jnp.zeros((D,), jnp.float32),
        'nl_g': jnp.ones((D,), jnp.float32), 'nl_b': jnp.zeros((D,), jnp.float32),
    }
    return {'high_emb': high_emb, 'low_emb': low_emb,
            'spatial_edge_index': spatial_edge_index, 'grn_edge_index': grn_edge_index,
            'params': params}


def _forward(high_emb, low_emb, spatial_edge_index, grn_edge_index, p):
    n, d = high_emb.shape
    # SpatialGINConv: sum-aggregate neighbors, MLP, LayerNorm (dropout is eval no-op)
    src, dst = spatial_edge_index[0], spatial_edge_index[1]
    agg = jnp.zeros_like(high_emb).at[dst].add(high_emb[src])
    h = (1.0 + p['gin_eps']) * high_emb + agg
    h = jax.nn.gelu(h @ p['gin_w1'] + p['gin_b1'], approximate=False)
    h = h @ p['gin_w2'] + p['gin_b2']
    high_out = _layer_norm(h, p['gin_ln_g'], p['gin_ln_b'])
    # GeneTransformerConv: PyG TransformerConv (concat heads, root skip), LayerNorm
    gs, gd = grn_edge_index[0], grn_edge_index[1]
    q = (low_emb @ p['tc_wq'] + p['tc_bq']).reshape(n, H, C)
    k = (low_emb @ p['tc_wk'] + p['tc_bk']).reshape(n, H, C)
    v = (low_emb @ p['tc_wv'] + p['tc_bv']).reshape(n, H, C)
    alpha = jnp.sum(q[gd] * k[gs], axis=-1) / math.sqrt(C)  # [E, H]
    m = jax.ops.segment_max(alpha, gd, num_segments=n)
    m = jnp.where(jnp.isfinite(m), m, 0.0)
    ex = jnp.exp(alpha - m[gd])
    denom = jax.ops.segment_sum(ex, gd, num_segments=n)
    num = jax.ops.segment_sum(ex[:, :, None] * v[gs], gd, num_segments=n)
    attn_out = num / jnp.maximum(denom, 1e-16)[:, :, None]
    out = attn_out.reshape(n, d) + (low_emb @ p['tc_wskip'] + p['tc_bskip'])
    low_out = _layer_norm(out, p['tc_ln_g'], p['tc_ln_b'])
    # CrossMessagePassing
    scale = d ** (-0.5)
    q_h2l = high_out @ p['c_h2l_qw'] + p['c_h2l_qb']
    k_h2l = low_out @ p['c_h2l_kw'] + p['c_h2l_kb']
    v_h2l = low_out @ p['c_h2l_vw'] + p['c_h2l_vb']
    a_h2l = jax.nn.sigmoid(jnp.sum(q_h2l * k_h2l, axis=-1, keepdims=True) * scale)
    high_cross = a_h2l * v_h2l
    q_l2h = low_out @ p['c_l2h_qw'] + p['c_l2h_qb']
    k_l2h = high_out @ p['c_l2h_kw'] + p['c_l2h_kb']
    v_l2h = high_out @ p['c_l2h_vw'] + p['c_l2h_vb']
    a_l2h = jax.nn.sigmoid(jnp.sum(q_l2h * k_l2h, axis=-1, keepdims=True) * scale)
    low_cross = a_l2h * v_l2h
    high_new = _layer_norm(high_emb + high_out + high_cross, p['nh_g'], p['nh_b'])
    low_new = _layer_norm(low_emb + low_out + low_cross, p['nl_g'], p['nl_b'])
    return high_new, low_new


def reference(high_emb, low_emb, spatial_edge_index, grn_edge_index, params):
    return _forward(high_emb, low_emb, spatial_edge_index, grn_edge_index, params)

if __name__ == "__main__":
    import jax
    _d = setup_inputs()
    print(jax.jit(kernel)(*tuple(_d.values())))

</pallas_src>

<mosaic_0001>
#map = affine_map<(d0, d1) -> (0, 0)>
#map1 = affine_map<(d0, d1) -> (0)>
module attributes {stable_mosaic.version = 14 : i64} {
  func.func @body(%arg0: i32, %arg1: i32, %arg2: memref<10000x128xf32, #tpu.memory_space<hbm>>, %arg3: memref<10000x128xf32, #tpu.memory_space<hbm>>, %arg4: memref<10000x256xf32, #tpu.memory_space<hbm>>, %arg5: memref<10000x256xf32, #tpu.memory_space<hbm>>, %arg6: memref<161280xi32, #tpu.memory_space<hbm>>, %arg7: memref<161280xi32, #tpu.memory_space<hbm>>, %arg8: memref<161280x128xf32, #tpu.memory_space<hbm>>, %arg9: memref<161280x128xf32, #tpu.memory_space<hbm>>, %arg10: memref<161280x256xf32, #tpu.memory_space<hbm>>, %arg11: memref<161280x256xf32, #tpu.memory_space<hbm>>, %arg12: memref<80xi32, #tpu.memory_space<vmem>>, %arg13: memref<80xi32, #tpu.memory_space<vmem>>, %arg14: memref<80x128xf32, #tpu.memory_space<vmem>>, %arg15: memref<80x256xf32, #tpu.memory_space<vmem>>, %arg16: memref<80xi32, #tpu.memory_space<vmem>>, %arg17: memref<80xi32, #tpu.memory_space<vmem>>, %arg18: memref<80x128xf32, #tpu.memory_space<vmem>>, %arg19: memref<80x256xf32, #tpu.memory_space<vmem>>, %arg20: memref<!tpu.dma_semaphore, #tpu.memory_space<semaphore_mem>>, %arg21: memref<!tpu.dma_semaphore, #tpu.memory_space<semaphore_mem>>, %arg22: memref<!tpu.dma_semaphore, #tpu.memory_space<semaphore_mem>>, %arg23: memref<!tpu.dma_semaphore, #tpu.memory_space<semaphore_mem>>) attributes {dimension_semantics = [#tpu.dimension_semantics<core_parallel>, #tpu.dimension_semantics<subcore_parallel>], iteration_bounds = array<i64: 2, 16>, scalar_prefetch = 0 : i64, scratch_operands = 12 : i64, tpu.core_type = #tpu.core_type<sc_vector_subcore>, window_params = [{transform_indices = #map}, {transform_indices = #map}, {transform_indices = #map}, {transform_indices = #map}, {transform_indices = #map1}, {transform_indices = #map1}, {transform_indices = #map}, {transform_indices = #map}, {transform_indices = #map}, {transform_indices = #map}]} {
    %eq3A = arith.constant 0 : i32
    %eq3A_0 = arith.cmpi eq, %arg0, %eq3A : i32
    %convert_element_type3A = arith.extui %eq3A_0 : i1 to i32
    %cond3A = arith.constant 0 : i32
    %cond3A_1 = arith.cmpi ne, %convert_element_type3A, %cond3A : i32
    scf.if %cond3A_1 {
      %scan3A = arith.constant 0 : i32
      %scan3A_7 = arith.constant 0 : i32
      %scan3A_8 = arith.constant 63 : i32
      %scan3A_9 = arith.addi %scan3A_7, %scan3A_8 : i32
      %scan3A_10 = arith.constant 1 : i32
      scf.for %scan3A_12 = %scan3A_7 to %scan3A_9 step %scan3A_10  : i32 {
        %mul3A = arith.constant 10080 : i32
        %mul3A_13 = arith.muli %arg1, %mul3A : i32
        %mul3A_14 = arith.constant 2 : i32
        %mul3A_15 = arith.muli %mul3A_14, %scan3A_12 : i32
        %mul3A_16 = arith.constant 80 : i32
        %mul3A_17 = arith.muli %mul3A_15, %mul3A_16 : i32
        %add3A = arith.addi %mul3A_13, %mul3A_17 : i32
        "tpu.region"() ({
          %run_scoped3A = tpu.sem_alloc : memref<!tpu.dma_semaphore, #tpu.memory_space<semaphore_mem>>
          %dma_start3A_48 = tpu.memref_slice %arg6[%add3A] : memref<161280xi32, #tpu.memory_space<hbm>> -> memref<80xi32, #tpu.memory_space<hbm>>
          %dma_start3A_49 = tpu.memref_slice %arg6[%add3A] : memref<161280xi32, #tpu.memory_space<hbm>> -> memref<80xi32, #tpu.memory_space<hbm>>
          tpu.enqueue_dma source(%dma_start3A_49 : memref<80xi32, #tpu.memory_space<hbm>>) target(%arg12 : memref<80xi32, #tpu.memory_space<vmem>>) target_semaphore(%run_scoped3A : memref<!tpu.dma_semaphore, #tpu.memory_space<semaphore_mem>>)
          %dma_wait3A_50 = tpu.memref_slice %arg6[%add3A] : memref<161280xi32, #tpu.memory_space<hbm>> -> memref<80xi32, #tpu.memory_space<hbm>>
          %dma_wait3A_51 = tpu.memref_slice %arg6[%add3A] : memref<161280xi32, #tpu.memory_space<hbm>> -> memref<80xi32, #tpu.memory_space<hbm>>
          tpu.wait_dma2 semaphore(%run_scoped3A : memref<!tpu.dma_semaphore, #tpu.memory_space<semaphore_mem>>) src(%dma_wait3A_51 : memref<80xi32, #tpu.memory_space<hbm>>) dst(%arg12 : memref<80xi32, #tpu.memory_space<vmem>>)
          tpu.yield
        }) : () -> ()
        "tpu.region"() ({
          %run_scoped3A = tpu.sem_alloc : memref<!tpu.dma_semaphore, #tpu.memory_space<semaphore_mem>>
          %dma_start3A_48 = tpu.memref_slice %arg7[%add3A] : memref<161280xi32, #tpu.memory_space<hbm>> -> memref<80xi32, #tpu.memory_space<hbm>>
          %dma_start3A_49 = tpu.memref_slice %arg7[%add3A] : memref<161280xi32, #tpu.memory_space<hbm>> -> memref<80xi32, #tpu.memory_space<hbm>>
          tpu.enqueue_dma source(%dma_start3A_49 : memref<80xi32, #tpu.memory_space<hbm>>) target(%arg13 : memref<80xi32, #tpu.memory_space<vmem>>) target_semaphore(%run_scoped3A : memref<!tpu.dma_semaphore, #tpu.memory_space<semaphore_mem>>)
          %dma_wait3A_50 = tpu.memref_slice %arg7[%add3A] : memref<161280xi32, #tpu.memory_space<hbm>> -> memref<80xi32, #tpu.memory_space<hbm>>
          %dma_wait3A_51 = tpu.memref_slice %arg7[%add3A] : memref<161280xi32, #tpu.memory_space<hbm>> -> memref<80xi32, #tpu.memory_space<hbm>>
          tpu.wait_dma2 semaphore(%run_scoped3A : memref<!tpu.dma_semaphore, #tpu.memory_space<semaphore_mem>>) src(%dma_wait3A_51 : memref<80xi32, #tpu.memory_space<hbm>>) dst(%arg13 : memref<80xi32, #tpu.memory_space<vmem>>)
          tpu.yield
        }) : () -> ()
        %dma_start3A = arith.constant 0 : i32
        %dma_start3A_18 = arith.constant 0 : i32
        %dma_start3A_19 = tpu.memref_slice %arg2[%dma_start3A, %dma_start3A_18] : memref<10000x128xf32, #tpu.memory_space<hbm>> -> memref<10000x128xf32, #tpu.memory_space<hbm>>
        tpu.enqueue_indirect_dma source(%dma_start3A_19 : memref<10000x128xf32, #tpu.memory_space<hbm>>) target(%arg14 : memref<80x128xf32, #tpu.memory_space<vmem>>) offsets(%arg12 : memref<80xi32, #tpu.memory_space<vmem>>) semaphore(%arg20 : memref<!tpu.dma_semaphore, #tpu.memory_space<semaphore_mem>>)
        %dma_start3A_20 = arith.constant 0 : i32
        %dma_start3A_21 = arith.constant 0 : i32
        %dma_start3A_22 = tpu.memref_slice %arg4[%dma_start3A_20, %dma_start3A_21] : memref<10000x256xf32, #tpu.memory_space<hbm>> -> memref<10000x256xf32, #tpu.memory_space<hbm>>
        tpu.enqueue_indirect_dma source(%dma_start3A_22 : memref<10000x256xf32, #tpu.memory_space<hbm>>) target(%arg15 : memref<80x256xf32, #tpu.memory_space<vmem>>) offsets(%arg13 : memref<80xi32, #tpu.memory_space<vmem>>) semaphore(%arg21 : memref<!tpu.dma_semaphore, #tpu.memory_space<semaphore_mem>>)
        %add3A_23 = arith.constant 80 : i32
        %add3A_24 = arith.addi %add3A, %add3A_23 : i32
        "tpu.region"() ({
          %run_scoped3A = tpu.sem_alloc : memref<!tpu.dma_semaphore, #tpu.memory_space<semaphore_mem>>
          %dma_start3A_48 = tpu.memref_slice %arg6[%add3A_24] : memref<161280xi32, #tpu.memory_space<hbm>> -> memref<80xi32, #tpu.memory_space<hbm>>
          %dma_start3A_49 = tpu.memref_slice %arg6[%add3A_24] : memref<161280xi32, #tpu.memory_space<hbm>> -> memref<80xi32, #tpu.memory_space<hbm>>
          tpu.enqueue_dma source(%dma_start3A_49 : memref<80xi32, #tpu.memory_space<hbm>>) target(%arg16 : memref<80xi32, #tpu.memory_space<vmem>>) target_semaphore(%run_scoped3A : memref<!tpu.dma_semaphore, #tpu.memory_space<semaphore_mem>>)
          %dma_wait3A_50 = tpu.memref_slice %arg6[%add3A_24] : memref<161280xi32, #tpu.memory_space<hbm>> -> memref<80xi32, #tpu.memory_space<hbm>>
          %dma_wait3A_51 = tpu.memref_slice %arg6[%add3A_24] : memref<161280xi32, #tpu.memory_space<hbm>> -> memref<80xi32, #tpu.memory_space<hbm>>
          tpu.wait_dma2 semaphore(%run_scoped3A : memref<!tpu.dma_semaphore, #tpu.memory_space<semaphore_mem>>) src(%dma_wait3A_51 : memref<80xi32, #tpu.memory_space<hbm>>) dst(%arg16 : memref<80xi32, #tpu.memory_space<vmem>>)
          tpu.yield
        }) : () -> ()
        %add3A_25 = arith.constant 80 : i32
        %add3A_26 = arith.addi %add3A, %add3A_25 : i32
        "tpu.region"() ({
          %run_scoped3A = tpu.sem_alloc : memref<!tpu.dma_semaphore, #tpu.memory_space<semaphore_mem>>
          %dma_start3A_48 = tpu.memref_slice %arg7[%add3A_26] : memref<161280xi32, #tpu.memory_space<hbm>> -> memref<80xi32, #tpu.memory_space<hbm>>
          %dma_start3A_49 = tpu.memref_slice %arg7[%add3A_26] : memref<161280xi32, #tpu.memory_space<hbm>> -> memref<80xi32, #tpu.memory_space<hbm>>
          tpu.enqueue_dma source(%dma_start3A_49 : memref<80xi32, #tpu.memory_space<hbm>>) target(%arg17 : memref<80xi32, #tpu.memory_space<vmem>>) target_semaphore(%run_scoped3A : memref<!tpu.dma_semaphore, #tpu.memory_space<semaphore_mem>>)
          %dma_wait3A_50 = tpu.memref_slice %arg7[%add3A_26] : memref<161280xi32, #tpu.memory_space<hbm>> -> memref<80xi32, #tpu.memory_space<hbm>>
          %dma_wait3A_51 = tpu.memref_slice %arg7[%add3A_26] : memref<161280xi32, #tpu.memory_space<hbm>> -> memref<80xi32, #tpu.memory_space<hbm>>
          tpu.wait_dma2 semaphore(%run_scoped3A : memref<!tpu.dma_semaphore, #tpu.memory_space<semaphore_mem>>) src(%dma_wait3A_51 : memref<80xi32, #tpu.memory_space<hbm>>) dst(%arg17 : memref<80xi32, #tpu.memory_space<vmem>>)
          tpu.yield
        }) : () -> ()
        %dma_start3A_27 = arith.constant 0 : i32
        %dma_start3A_28 = arith.constant 0 : i32
        %dma_start3A_29 = tpu.memref_slice %arg2[%dma_start3A_27, %dma_start3A_28] : memref<10000x128xf32, #tpu.memory_space<hbm>> -> memref<10000x128xf32, #tpu.memory_space<hbm>>
        tpu.enqueue_indirect_dma source(%dma_start3A_29 : memref<10000x128xf32, #tpu.memory_space<hbm>>) target(%arg18 : memref<80x128xf32, #tpu.memory_space<vmem>>) offsets(%arg16 : memref<80xi32, #tpu.memory_space<vmem>>) semaphore(%arg22 : memref<!tpu.dma_semaphore, #tpu.memory_space<semaphore_mem>>)
        %dma_start3A_30 = arith.constant 0 : i32
        %dma_start3A_31 = arith.constant 0 : i32
        %dma_start3A_32 = tpu.memref_slice %arg4[%dma_start3A_30, %dma_start3A_31] : memref<10000x256xf32, #tpu.memory_space<hbm>> -> memref<10000x256xf32, #tpu.memory_space<hbm>>
        tpu.enqueue_indirect_dma source(%dma_start3A_32 : memref<10000x256xf32, #tpu.memory_space<hbm>>) target(%arg19 : memref<80x256xf32, #tpu.memory_space<vmem>>) offsets(%arg17 : memref<80xi32, #tpu.memory_space<vmem>>) semaphore(%arg23 : memref<!tpu.dma_semaphore, #tpu.memory_space<semaphore_mem>>)
        %dma_wait3A = arith.constant 0 : i32
        %dma_wait3A_33 = arith.constant 0 : i32
        %dma_wait3A_34 = tpu.memref_slice %arg2[%dma_wait3A, %dma_wait3A_33] : memref<10000x128xf32, #tpu.memory_space<hbm>> -> memref<10000x128xf32, #tpu.memory_space<hbm>>
        tpu.wait_indirect_dma semaphore(%arg20 : memref<!tpu.dma_semaphore, #tpu.memory_space<semaphore_mem>>) src(%dma_wait3A_34 : memref<10000x128xf32, #tpu.memory_space<hbm>>) dst(%arg14 : memref<80x128xf32, #tpu.memory_space<vmem>>)
        "tpu.region"() ({
          %run_scoped3A = tpu.sem_alloc : memref<!tpu.dma_semaphore, #tpu.memory_space<semaphore_mem>>
          %dma_start3A_48 = arith.constant 0 : i32
          %dma_start3A_49 = tpu.memref_slice %arg8[%add3A, %dma_start3A_48] : memref<161280x128xf32, #tpu.memory_space<hbm>> -> memref<80x128xf32, #tpu.memory_space<hbm>>
          %dma_start3A_50 = arith.constant 0 : i32
          %dma_start3A_51 = tpu.memref_slice %arg8[%add3A, %dma_start3A_50] : memref<161280x128xf32, #tpu.memory_space<hbm>> -> memref<80x128xf32, #tpu.memory_space<hbm>>
          tpu.enqueue_dma source(%arg14 : memref<80x128xf32, #tpu.memory_space<vmem>>) target(%dma_start3A_51 : memref<80x128xf32, #tpu.memory_space<hbm>>) target_semaphore(%run_scoped3A : memref<!tpu.dma_semaphore, #tpu.memory_space<semaphore_mem>>)
          %dma_wait3A_52 = arith.constant 0 : i32
          %dma_wait3A_53 = tpu.memref_slice %arg8[%add3A, %dma_wait3A_52] : memref<161280x128xf32, #tpu.memory_space<hbm>> -> memref<80x128xf32, #tpu.memory_space<hbm>>
          %dma_wait3A_54 = arith.constant 0 : i32
          %dma_wait3A_55 = tpu.memref_slice %arg8[%add3A, %dma_wait3A_54] : memref<161280x128xf32, #tpu.memory_space<hbm>> -> memref<80x128xf32, #tpu.memory_space<hbm>>
          tpu.wait_dma2 semaphore(%run_scoped3A : memref<!tpu.dma_semaphore, #tpu.memory_space<semaphore_mem>>) src(%arg14 : memref<80x128xf32, #tpu.memory_space<vmem>>) dst(%dma_wait3A_55 : memref<80x128xf32, #tpu.memory_space<hbm>>)
          tpu.yield
        }) : () -> ()
        %dma_wait3A_35 = arith.constant 0 : i32
        %dma_wait3A_36 = arith.constant 0 : i32
        %dma_wait3A_37 = tpu.memref_slice %arg4[%dma_wait3A_35, %dma_wait3A_36] : memref<10000x256xf32, #tpu.memory_space<hbm>> -> memref<10000x256xf32, #tpu.memory_space<hbm>>
        tpu.wait_indirect_dma semaphore(%arg21 : memref<!tpu.dma_semaphore, #tpu.memory_space<semaphore_mem>>) src(%dma_wait3A_37 : memref<10000x256xf32, #tpu.memory_space<hbm>>) dst(%arg15 : memref<80x256xf32, #tpu.memory_space<vmem>>)
        "tpu.region"() ({
          %run_scoped3A = tpu.sem_alloc : memref<!tpu.dma_semaphore, #tpu.memory_space<semaphore_mem>>
          %dma_start3A_48 = arith.constant 0 : i32
          %dma_start3A_49 = tpu.memref_slice %arg10[%add3A, %dma_start3A_48] : memref<161280x256xf32, #tpu.memory_space<hbm>> -> memref<80x256xf32, #tpu.memory_space<hbm>>
          %dma_start3A_50 = arith.constant 0 : i32
          %dma_start3A_51 = tpu.memref_slice %arg10[%add3A, %dma_start3A_50] : memref<161280x256xf32, #tpu.memory_space<hbm>> -> memref<80x256xf32, #tpu.memory_space<hbm>>
          tpu.enqueue_dma source(%arg15 : memref<80x256xf32, #tpu.memory_space<vmem>>) target(%dma_start3A_51 : memref<80x256xf32, #tpu.memory_space<hbm>>) target_semaphore(%run_scoped3A : memref<!tpu.dma_semaphore, #tpu.memory_space<semaphore_mem>>)
          %dma_wait3A_52 = arith.constant 0 : i32
          %dma_wait3A_53 = tpu.memref_slice %arg10[%add3A, %dma_wait3A_52] : memref<161280x256xf32, #tpu.memory_space<hbm>> -> memref<80x256xf32, #tpu.memory_space<hbm>>
          %dma_wait3A_54 = arith.constant 0 : i32
          %dma_wait3A_55 = tpu.memref_slice %arg10[%add3A, %dma_wait3A_54] : memref<161280x256xf32, #tpu.memory_space<hbm>> -> memref<80x256xf32, #tpu.memory_space<hbm>>
          tpu.wait_dma2 semaphore(%run_scoped3A : memref<!tpu.dma_semaphore, #tpu.memory_space<semaphore_mem>>) src(%arg15 : memref<80x256xf32, #tpu.memory_space<vmem>>) dst(%dma_wait3A_55 : memref<80x256xf32, #tpu.memory_space<hbm>>)
          tpu.yield
        }) : () -> ()
        %dma_wait3A_38 = arith.constant 0 : i32
        %dma_wait3A_39 = arith.constant 0 : i32
        %dma_wait3A_40 = tpu.memref_slice %arg2[%dma_wait3A_38, %dma_wait3A_39] : memref<10000x128xf32, #tpu.memory_space<hbm>> -> memref<10000x128xf32, #tpu.memory_space<hbm>>
        tpu.wait_indirect_dma semaphore(%arg22 : memref<!tpu.dma_semaphore, #tpu.memory_space<semaphore_mem>>) src(%dma_wait3A_40 : memref<10000x128xf32, #tpu.memory_space<hbm>>) dst(%arg18 : memref<80x128xf32, #tpu.memory_space<vmem>>)
        %add3A_41 = arith.constant 80 : i32
        %add3A_42 = arith.addi %add3A, %add3A_41 : i32
        "tpu.region"() ({
          %run_scoped3A = tpu.sem_alloc : memref<!tpu.dma_semaphore, #tpu.memory_space<semaphore_mem>>
          %dma_start3A_48 = arith.constant 0 : i32
          %dma_start3A_49 = tpu.memref_slice %arg8[%add3A_42, %dma_start3A_48] : memref<161280x128xf32, #tpu.memory_space<hbm>> -> memref<80x128xf32, #tpu.memory_space<hbm>>
          %dma_start3A_50 = arith.constant 0 : i32
          %dma_start3A_51 = tpu.memref_slice %arg8[%add3A_42, %dma_start3A_50] : memref<161280x128xf32, #tpu.memory_space<hbm>> -> memref<80x128xf32, #tpu.memory_space<hbm>>
          tpu.enqueue_dma source(%arg18 : memref<80x128xf32, #tpu.memory_space<vmem>>) target(%dma_start3A_51 : memref<80x128xf32, #tpu.memory_space<hbm>>) target_semaphore(%run_scoped3A : memref<!tpu.dma_semaphore, #tpu.memory_space<semaphore_mem>>)
          %dma_wait3A_52 = arith.constant 0 : i32
          %dma_wait3A_53 = tpu.memref_slice %arg8[%add3A_42, %dma_wait3A_52] : memref<161280x128xf32, #tpu.memory_space<hbm>> -> memref<80x128xf32, #tpu.memory_space<hbm>>
          %dma_wait3A_54 = arith.constant 0 : i32
          %dma_wait3A_55 = tpu.memref_slice %arg8[%add3A_42, %dma_wait3A_54] : memref<161280x128xf32, #tpu.memory_space<hbm>> -> memref<80x128xf32, #tpu.memory_space<hbm>>
          tpu.wait_dma2 semaphore(%run_scoped3A : memref<!tpu.dma_semaphore, #tpu.memory_space<semaphore_mem>>) src(%arg18 : memref<80x128xf32, #tpu.memory_space<vmem>>) dst(%dma_wait3A_55 : memref<80x128xf32, #tpu.memory_space<hbm>>)
          tpu.yield
        }) : () -> ()
        %dma_wait3A_43 = arith.constant 0 : i32
        %dma_wait3A_44 = arith.constant 0 : i32
        %dma_wait3A_45 = tpu.memref_slice %arg4[%dma_wait3A_43, %dma_wait3A_44] : memref<10000x256xf32, #tpu.memory_space<hbm>> -> memref<10000x256xf32, #tpu.memory_space<hbm>>
        tpu.wait_indirect_dma semaphore(%arg23 : memref<!tpu.dma_semaphore, #tpu.memory_space<semaphore_mem>>) src(%dma_wait3A_45 : memref<10000x256xf32, #tpu.memory_space<hbm>>) dst(%arg19 : memref<80x256xf32, #tpu.memory_space<vmem>>)
        %add3A_46 = arith.constant 80 : i32
        %add3A_47 = arith.addi %add3A, %add3A_46 : i32
        "tpu.region"() ({
          %run_scoped3A = tpu.sem_alloc : memref<!tpu.dma_semaphore, #tpu.memory_space<semaphore_mem>>
          %dma_start3A_48 = arith.constant 0 : i32
          %dma_start3A_49 = tpu.memref_slice %arg10[%add3A_47, %dma_start3A_48] : memref<161280x256xf32, #tpu.memory_space<hbm>> -> memref<80x256xf32, #tpu.memory_space<hbm>>
          %dma_start3A_50 = arith.constant 0 : i32
          %dma_start3A_51 = tpu.memref_slice %arg10[%add3A_47, %dma_start3A_50] : memref<161280x256xf32, #tpu.memory_space<hbm>> -> memref<80x256xf32, #tpu.memory_space<hbm>>
          tpu.enqueue_dma source(%arg19 : memref<80x256xf32, #tpu.memory_space<vmem>>) target(%dma_start3A_51 : memref<80x256xf32, #tpu.memory_space<hbm>>) target_semaphore(%run_scoped3A : memref<!tpu.dma_semaphore, #tpu.memory_space<semaphore_mem>>)
          %dma_wait3A_52 = arith.constant 0 : i32
          %dma_wait3A_53 = tpu.memref_slice %arg10[%add3A_47, %dma_wait3A_52] : memref<161280x256xf32, #tpu.memory_space<hbm>> -> memref<80x256xf32, #tpu.memory_space<hbm>>
          %dma_wait3A_54 = arith.constant 0 : i32
          %dma_wait3A_55 = tpu.memref_slice %arg10[%add3A_47, %dma_wait3A_54] : memref<161280x256xf32, #tpu.memory_space<hbm>> -> memref<80x256xf32, #tpu.memory_space<hbm>>
          tpu.wait_dma2 semaphore(%run_scoped3A : memref<!tpu.dma_semaphore, #tpu.memory_space<semaphore_mem>>) src(%arg19 : memref<80x256xf32, #tpu.memory_space<vmem>>) dst(%dma_wait3A_55 : memref<80x256xf32, #tpu.memory_space<hbm>>)
          tpu.yield
        }) : () -> ()
      }
      %scan3A_11 = arith.constant 63 : i32
    } else {
    }
    %eq3A_2 = arith.constant 1 : i32
    %eq3A_3 = arith.cmpi eq, %arg0, %eq3A_2 : i32
    %convert_element_type3A_4 = arith.extui %eq3A_3 : i1 to i32
    %cond3A_5 = arith.constant 0 : i32
    %cond3A_6 = arith.cmpi ne, %convert_element_type3A_4, %cond3A_5 : i32
    scf.if %cond3A_6 {
      %scan3A = arith.constant 0 : i32
      %scan3A_7 = arith.constant 0 : i32
      %scan3A_8 = arith.constant 63 : i32
      %scan3A_9 = arith.addi %scan3A_7, %scan3A_8 : i32
      %scan3A_10 = arith.constant 1 : i32
      scf.for %scan3A_12 = %scan3A_7 to %scan3A_9 step %scan3A_10  : i32 {
        %mul3A = arith.constant 10080 : i32
        %mul3A_13 = arith.muli %arg1, %mul3A : i32
        %mul3A_14 = arith.constant 2 : i32
        %mul3A_15 = arith.muli %mul3A_14, %scan3A_12 : i32
        %mul3A_16 = arith.constant 80 : i32
        %mul3A_17 = arith.muli %mul3A_15, %mul3A_16 : i32
        %add3A = arith.addi %mul3A_13, %mul3A_17 : i32
        "tpu.region"() ({
          %run_scoped3A = tpu.sem_alloc : memref<!tpu.dma_semaphore, #tpu.memory_space<semaphore_mem>>
          %dma_start3A_48 = tpu.memref_slice %arg6[%add3A] : memref<161280xi32, #tpu.memory_space<hbm>> -> memref<80xi32, #tpu.memory_space<hbm>>
          %dma_start3A_49 = tpu.memref_slice %arg6[%add3A] : memref<161280xi32, #tpu.memory_space<hbm>> -> memref<80xi32, #tpu.memory_space<hbm>>
          tpu.enqueue_dma source(%dma_start3A_49 : memref<80xi32, #tpu.memory_space<hbm>>) target(%arg12 : memref<80xi32, #tpu.memory_space<vmem>>) target_semaphore(%run_scoped3A : memref<!tpu.dma_semaphore, #tpu.memory_space<semaphore_mem>>)
          %dma_wait3A_50 = tpu.memref_slice %arg6[%add3A] : memref<161280xi32, #tpu.memory_space<hbm>> -> memref<80xi32, #tpu.memory_space<hbm>>
          %dma_wait3A_51 = tpu.memref_slice %arg6[%add3A] : memref<161280xi32, #tpu.memory_space<hbm>> -> memref<80xi32, #tpu.memory_space<hbm>>
          tpu.wait_dma2 semaphore(%run_scoped3A : memref<!tpu.dma_semaphore, #tpu.memory_space<semaphore_mem>>) src(%dma_wait3A_51 : memref<80xi32, #tpu.memory_space<hbm>>) dst(%arg12 : memref<80xi32, #tpu.memory_space<vmem>>)
          tpu.yield
        }) : () -> ()
        "tpu.region"() ({
          %run_scoped3A = tpu.sem_alloc : memref<!tpu.dma_semaphore, #tpu.memory_space<semaphore_mem>>
          %dma_start3A_48 = tpu.memref_slice %arg7[%add3A] : memref<161280xi32, #tpu.memory_space<hbm>> -> memref<80xi32, #tpu.memory_space<hbm>>
          %dma_start3A_49 = tpu.memref_slice %arg7[%add3A] : memref<161280xi32, #tpu.memory_space<hbm>> -> memref<80xi32, #tpu.memory_space<hbm>>
          tpu.enqueue_dma source(%dma_start3A_49 : memref<80xi32, #tpu.memory_space<hbm>>) target(%arg13 : memref<80xi32, #tpu.memory_space<vmem>>) target_semaphore(%run_scoped3A : memref<!tpu.dma_semaphore, #tpu.memory_space<semaphore_mem>>)
          %dma_wait3A_50 = tpu.memref_slice %arg7[%add3A] : memref<161280xi32, #tpu.memory_space<hbm>> -> memref<80xi32, #tpu.memory_space<hbm>>
          %dma_wait3A_51 = tpu.memref_slice %arg7[%add3A] : memref<161280xi32, #tpu.memory_space<hbm>> -> memref<80xi32, #tpu.memory_space<hbm>>
          tpu.wait_dma2 semaphore(%run_scoped3A : memref<!tpu.dma_semaphore, #tpu.memory_space<semaphore_mem>>) src(%dma_wait3A_51 : memref<80xi32, #tpu.memory_space<hbm>>) dst(%arg13 : memref<80xi32, #tpu.memory_space<vmem>>)
          tpu.yield
        }) : () -> ()
        %dma_start3A = arith.constant 0 : i32
        %dma_start3A_18 = arith.constant 0 : i32
        %dma_start3A_19 = tpu.memref_slice %arg3[%dma_start3A, %dma_start3A_18] : memref<10000x128xf32, #tpu.memory_space<hbm>> -> memref<10000x128xf32, #tpu.memory_space<hbm>>
        tpu.enqueue_indirect_dma source(%dma_start3A_19 : memref<10000x128xf32, #tpu.memory_space<hbm>>) target(%arg14 : memref<80x128xf32, #tpu.memory_space<vmem>>) offsets(%arg12 : memref<80xi32, #tpu.memory_space<vmem>>) semaphore(%arg20 : memref<!tpu.dma_semaphore, #tpu.memory_space<semaphore_mem>>)
        %dma_start3A_20 = arith.constant 0 : i32
        %dma_start3A_21 = arith.constant 0 : i32
        %dma_start3A_22 = tpu.memref_slice %arg5[%dma_start3A_20, %dma_start3A_21] : memref<10000x256xf32, #tpu.memory_space<hbm>> -> memref<10000x256xf32, #tpu.memory_space<hbm>>
        tpu.enqueue_indirect_dma source(%dma_start3A_22 : memref<10000x256xf32, #tpu.memory_space<hbm>>) target(%arg15 : memref<80x256xf32, #tpu.memory_space<vmem>>) offsets(%arg13 : memref<80xi32, #tpu.memory_space<vmem>>) semaphore(%arg21 : memref<!tpu.dma_semaphore, #tpu.memory_space<semaphore_mem>>)
        %add3A_23 = arith.constant 80 : i32
        %add3A_24 = arith.addi %add3A, %add3A_23 : i32
        "tpu.region"() ({
          %run_scoped3A = tpu.sem_alloc : memref<!tpu.dma_semaphore, #tpu.memory_space<semaphore_mem>>
          %dma_start3A_48 = tpu.memref_slice %arg6[%add3A_24] : memref<161280xi32, #tpu.memory_space<hbm>> -> memref<80xi32, #tpu.memory_space<hbm>>
          %dma_start3A_49 = tpu.memref_slice %arg6[%add3A_24] : memref<161280xi32, #tpu.memory_space<hbm>> -> memref<80xi32, #tpu.memory_space<hbm>>
          tpu.enqueue_dma source(%dma_start3A_49 : memref<80xi32, #tpu.memory_space<hbm>>) target(%arg16 : memref<80xi32, #tpu.memory_space<vmem>>) target_semaphore(%run_scoped3A : memref<!tpu.dma_semaphore, #tpu.memory_space<semaphore_mem>>)
          %dma_wait3A_50 = tpu.memref_slice %arg6[%add3A_24] : memref<161280xi32, #tpu.memory_space<hbm>> -> memref<80xi32, #tpu.memory_space<hbm>>
          %dma_wait3A_51 = tpu.memref_slice %arg6[%add3A_24] : memref<161280xi32, #tpu.memory_space<hbm>> -> memref<80xi32, #tpu.memory_space<hbm>>
          tpu.wait_dma2 semaphore(%run_scoped3A : memref<!tpu.dma_semaphore, #tpu.memory_space<semaphore_mem>>) src(%dma_wait3A_51 : memref<80xi32, #tpu.memory_space<hbm>>) dst(%arg16 : memref<80xi32, #tpu.memory_space<vmem>>)
          tpu.yield
        }) : () -> ()
        %add3A_25 = arith.constant 80 : i32
        %add3A_26 = arith.addi %add3A, %add3A_25 : i32
        "tpu.region"() ({
          %run_scoped3A = tpu.sem_alloc : memref<!tpu.dma_semaphore, #tpu.memory_space<semaphore_mem>>
          %dma_start3A_48 = tpu.memref_slice %arg7[%add3A_26] : memref<161280xi32, #tpu.memory_space<hbm>> -> memref<80xi32, #tpu.memory_space<hbm>>
          %dma_start3A_49 = tpu.memref_slice %arg7[%add3A_26] : memref<161280xi32, #tpu.memory_space<hbm>> -> memref<80xi32, #tpu.memory_space<hbm>>
          tpu.enqueue_dma source(%dma_start3A_49 : memref<80xi32, #tpu.memory_space<hbm>>) target(%arg17 : memref<80xi32, #tpu.memory_space<vmem>>) target_semaphore(%run_scoped3A : memref<!tpu.dma_semaphore, #tpu.memory_space<semaphore_mem>>)
          %dma_wait3A_50 = tpu.memref_slice %arg7[%add3A_26] : memref<161280xi32, #tpu.memory_space<hbm>> -> memref<80xi32, #tpu.memory_space<hbm>>
          %dma_wait3A_51 = tpu.memref_slice %arg7[%add3A_26] : memref<161280xi32, #tpu.memory_space<hbm>> -> memref<80xi32, #tpu.memory_space<hbm>>
          tpu.wait_dma2 semaphore(%run_scoped3A : memref<!tpu.dma_semaphore, #tpu.memory_space<semaphore_mem>>) src(%dma_wait3A_51 : memref<80xi32, #tpu.memory_space<hbm>>) dst(%arg17 : memref<80xi32, #tpu.memory_space<vmem>>)
          tpu.yield
        }) : () -> ()
        %dma_start3A_27 = arith.constant 0 : i32
        %dma_start3A_28 = arith.constant 0 : i32
        %dma_start3A_29 = tpu.memref_slice %arg3[%dma_start3A_27, %dma_start3A_28] : memref<10000x128xf32, #tpu.memory_space<hbm>> -> memref<10000x128xf32, #tpu.memory_space<hbm>>
        tpu.enqueue_indirect_dma source(%dma_start3A_29 : memref<10000x128xf32, #tpu.memory_space<hbm>>) target(%arg18 : memref<80x128xf32, #tpu.memory_space<vmem>>) offsets(%arg16 : memref<80xi32, #tpu.memory_space<vmem>>) semaphore(%arg22 : memref<!tpu.dma_semaphore, #tpu.memory_space<semaphore_mem>>)
        %dma_start3A_30 = arith.constant 0 : i32
        %dma_start3A_31 = arith.constant 0 : i32
        %dma_start3A_32 = tpu.memref_slice %arg5[%dma_start3A_30, %dma_start3A_31] : memref<10000x256xf32, #tpu.memory_space<hbm>> -> memref<10000x256xf32, #tpu.memory_space<hbm>>
        tpu.enqueue_indirect_dma source(%dma_start3A_32 : memref<10000x256xf32, #tpu.memory_space<hbm>>) target(%arg19 : memref<80x256xf32, #tpu.memory_space<vmem>>) offsets(%arg17 : memref<80xi32, #tpu.memory_space<vmem>>) semaphore(%arg23 : memref<!tpu.dma_semaphore, #tpu.memory_space<semaphore_mem>>)
        %dma_wait3A = arith.constant 0 : i32
        %dma_wait3A_33 = arith.constant 0 : i32
        %dma_wait3A_34 = tpu.memref_slice %arg3[%dma_wait3A, %dma_wait3A_33] : memref<10000x128xf32, #tpu.memory_space<hbm>> -> memref<10000x128xf32, #tpu.memory_space<hbm>>
        tpu.wait_indirect_dma semaphore(%arg20 : memref<!tpu.dma_semaphore, #tpu.memory_space<semaphore_mem>>) src(%dma_wait3A_34 : memref<10000x128xf32, #tpu.memory_space<hbm>>) dst(%arg14 : memref<80x128xf32, #tpu.memory_space<vmem>>)
        "tpu.region"() ({
          %run_scoped3A = tpu.sem_alloc : memref<!tpu.dma_semaphore, #tpu.memory_space<semaphore_mem>>
          %dma_start3A_48 = arith.constant 0 : i32
          %dma_start3A_49 = tpu.memref_slice %arg9[%add3A, %dma_start3A_48] : memref<161280x128xf32, #tpu.memory_space<hbm>> -> memref<80x128xf32, #tpu.memory_space<hbm>>
          %dma_start3A_50 = arith.constant 0 : i32
          %dma_start3A_51 = tpu.memref_slice %arg9[%add3A, %dma_start3A_50] : memref<161280x128xf32, #tpu.memory_space<hbm>> -> memref<80x128xf32, #tpu.memory_space<hbm>>
          tpu.enqueue_dma source(%arg14 : memref<80x128xf32, #tpu.memory_space<vmem>>) target(%dma_start3A_51 : memref<80x128xf32, #tpu.memory_space<hbm>>) target_semaphore(%run_scoped3A : memref<!tpu.dma_semaphore, #tpu.memory_space<semaphore_mem>>)
          %dma_wait3A_52 = arith.constant 0 : i32
          %dma_wait3A_53 = tpu.memref_slice %arg9[%add3A, %dma_wait3A_52] : memref<161280x128xf32, #tpu.memory_space<hbm>> -> memref<80x128xf32, #tpu.memory_space<hbm>>
          %dma_wait3A_54 = arith.constant 0 : i32
          %dma_wait3A_55 = tpu.memref_slice %arg9[%add3A, %dma_wait3A_54] : memref<161280x128xf32, #tpu.memory_space<hbm>> -> memref<80x128xf32, #tpu.memory_space<hbm>>
          tpu.wait_dma2 semaphore(%run_scoped3A : memref<!tpu.dma_semaphore, #tpu.memory_space<semaphore_mem>>) src(%arg14 : memref<80x128xf32, #tpu.memory_space<vmem>>) dst(%dma_wait3A_55 : memref<80x128xf32, #tpu.memory_space<hbm>>)
          tpu.yield
        }) : () -> ()
        %dma_wait3A_35 = arith.constant 0 : i32
        %dma_wait3A_36 = arith.constant 0 : i32
        %dma_wait3A_37 = tpu.memref_slice %arg5[%dma_wait3A_35, %dma_wait3A_36] : memref<10000x256xf32, #tpu.memory_space<hbm>> -> memref<10000x256xf32, #tpu.memory_space<hbm>>
        tpu.wait_indirect_dma semaphore(%arg21 : memref<!tpu.dma_semaphore, #tpu.memory_space<semaphore_mem>>) src(%dma_wait3A_37 : memref<10000x256xf32, #tpu.memory_space<hbm>>) dst(%arg15 : memref<80x256xf32, #tpu.memory_space<vmem>>)
        "tpu.region"() ({
          %run_scoped3A = tpu.sem_alloc : memref<!tpu.dma_semaphore, #tpu.memory_space<semaphore_mem>>
          %dma_start3A_48 = arith.constant 0 : i32
          %dma_start3A_49 = tpu.memref_slice %arg11[%add3A, %dma_start3A_48] : memref<161280x256xf32, #tpu.memory_space<hbm>> -> memref<80x256xf32, #tpu.memory_space<hbm>>
          %dma_start3A_50 = arith.constant 0 : i32
          %dma_start3A_51 = tpu.memref_slice %arg11[%add3A, %dma_start3A_50] : memref<161280x256xf32, #tpu.memory_space<hbm>> -> memref<80x256xf32, #tpu.memory_space<hbm>>
          tpu.enqueue_dma source(%arg15 : memref<80x256xf32, #tpu.memory_space<vmem>>) target(%dma_start3A_51 : memref<80x256xf32, #tpu.memory_space<hbm>>) target_semaphore(%run_scoped3A : memref<!tpu.dma_semaphore, #tpu.memory_space<semaphore_mem>>)
          %dma_wait3A_52 = arith.constant 0 : i32
          %dma_wait3A_53 = tpu.memref_slice %arg11[%add3A, %dma_wait3A_52] : memref<161280x256xf32, #tpu.memory_space<hbm>> -> memref<80x256xf32, #tpu.memory_space<hbm>>
          %dma_wait3A_54 = arith.constant 0 : i32
          %dma_wait3A_55 = tpu.memref_slice %arg11[%add3A, %dma_wait3A_54] : memref<161280x256xf32, #tpu.memory_space<hbm>> -> memref<80x256xf32, #tpu.memory_space<hbm>>
          tpu.wait_dma2 semaphore(%run_scoped3A : memref<!tpu.dma_semaphore, #tpu.memory_space<semaphore_mem>>) src(%arg15 : memref<80x256xf32, #tpu.memory_space<vmem>>) dst(%dma_wait3A_55 : memref<80x256xf32, #tpu.memory_space<hbm>>)
          tpu.yield
        }) : () -> ()
        %dma_wait3A_38 = arith.constant 0 : i32
        %dma_wait3A_39 = arith.constant 0 : i32
        %dma_wait3A_40 = tpu.memref_slice %arg3[%dma_wait3A_38, %dma_wait3A_39] : memref<10000x128xf32, #tpu.memory_space<hbm>> -> memref<10000x128xf32, #tpu.memory_space<hbm>>
        tpu.wait_indirect_dma semaphore(%arg22 : memref<!tpu.dma_semaphore, #tpu.memory_space<semaphore_mem>>) src(%dma_wait3A_40 : memref<10000x128xf32, #tpu.memory_space<hbm>>) dst(%arg18 : memref<80x128xf32, #tpu.memory_space<vmem>>)
        %add3A_41 = arith.constant 80 : i32
        %add3A_42 = arith.addi %add3A, %add3A_41 : i32
        "tpu.region"() ({
          %run_scoped3A = tpu.sem_alloc : memref<!tpu.dma_semaphore, #tpu.memory_space<semaphore_mem>>
          %dma_start3A_48 = arith.constant 0 : i32
          %dma_start3A_49 = tpu.memref_slice %arg9[%add3A_42, %dma_start3A_48] : memref<161280x128xf32, #tpu.memory_space<hbm>> -> memref<80x128xf32, #tpu.memory_space<hbm>>
          %dma_start3A_50 = arith.constant 0 : i32
          %dma_start3A_51 = tpu.memref_slice %arg9[%add3A_42, %dma_start3A_50] : memref<161280x128xf32, #tpu.memory_space<hbm>> -> memref<80x128xf32, #tpu.memory_space<hbm>>
          tpu.enqueue_dma source(%arg18 : memref<80x128xf32, #tpu.memory_space<vmem>>) target(%dma_start3A_51 : memref<80x128xf32, #tpu.memory_space<hbm>>) target_semaphore(%run_scoped3A : memref<!tpu.dma_semaphore, #tpu.memory_space<semaphore_mem>>)
          %dma_wait3A_52 = arith.constant 0 : i32
          %dma_wait3A_53 = tpu.memref_slice %arg9[%add3A_42, %dma_wait3A_52] : memref<161280x128xf32, #tpu.memory_space<hbm>> -> memref<80x128xf32, #tpu.memory_space<hbm>>
          %dma_wait3A_54 = arith.constant 0 : i32
          %dma_wait3A_55 = tpu.memref_slice %arg9[%add3A_42, %dma_wait3A_54] : memref<161280x128xf32, #tpu.memory_space<hbm>> -> memref<80x128xf32, #tpu.memory_space<hbm>>
          tpu.wait_dma2 semaphore(%run_scoped3A : memref<!tpu.dma_semaphore, #tpu.memory_space<semaphore_mem>>) src(%arg18 : memref<80x128xf32, #tpu.memory_space<vmem>>) dst(%dma_wait3A_55 : memref<80x128xf32, #tpu.memory_space<hbm>>)
          tpu.yield
        }) : () -> ()
        %dma_wait3A_43 = arith.constant 0 : i32
        %dma_wait3A_44 = arith.constant 0 : i32
        %dma_wait3A_45 = tpu.memref_slice %arg5[%dma_wait3A_43, %dma_wait3A_44] : memref<10000x256xf32, #tpu.memory_space<hbm>> -> memref<10000x256xf32, #tpu.memory_space<hbm>>
        tpu.wait_indirect_dma semaphore(%arg23 : memref<!tpu.dma_semaphore, #tpu.memory_space<semaphore_mem>>) src(%dma_wait3A_45 : memref<10000x256xf32, #tpu.memory_space<hbm>>) dst(%arg19 : memref<80x256xf32, #tpu.memory_space<vmem>>)
        %add3A_46 = arith.constant 80 : i32
        %add3A_47 = arith.addi %add3A, %add3A_46 : i32
        "tpu.region"() ({
          %run_scoped3A = tpu.sem_alloc : memref<!tpu.dma_semaphore, #tpu.memory_space<semaphore_mem>>
          %dma_start3A_48 = arith.constant 0 : i32
          %dma_start3A_49 = tpu.memref_slice %arg11[%add3A_47, %dma_start3A_48] : memref<161280x256xf32, #tpu.memory_space<hbm>> -> memref<80x256xf32, #tpu.memory_space<hbm>>
          %dma_start3A_50 = arith.constant 0 : i32
          %dma_start3A_51 = tpu.memref_slice %arg11[%add3A_47, %dma_start3A_50] : memref<161280x256xf32, #tpu.memory_space<hbm>> -> memref<80x256xf32, #tpu.memory_space<hbm>>
          tpu.enqueue_dma source(%arg19 : memref<80x256xf32, #tpu.memory_space<vmem>>) target(%dma_start3A_51 : memref<80x256xf32, #tpu.memory_space<hbm>>) target_semaphore(%run_scoped3A : memref<!tpu.dma_semaphore, #tpu.memory_space<semaphore_mem>>)
          %dma_wait3A_52 = arith.constant 0 : i32
          %dma_wait3A_53 = tpu.memref_slice %arg11[%add3A_47, %dma_wait3A_52] : memref<161280x256xf32, #tpu.memory_space<hbm>> -> memref<80x256xf32, #tpu.memory_space<hbm>>
          %dma_wait3A_54 = arith.constant 0 : i32
          %dma_wait3A_55 = tpu.memref_slice %arg11[%add3A_47, %dma_wait3A_54] : memref<161280x256xf32, #tpu.memory_space<hbm>> -> memref<80x256xf32, #tpu.memory_space<hbm>>
          tpu.wait_dma2 semaphore(%run_scoped3A : memref<!tpu.dma_semaphore, #tpu.memory_space<semaphore_mem>>) src(%arg19 : memref<80x256xf32, #tpu.memory_space<vmem>>) dst(%dma_wait3A_55 : memref<80x256xf32, #tpu.memory_space<hbm>>)
          tpu.yield
        }) : () -> ()
      }
      %scan3A_11 = arith.constant 63 : i32
    } else {
    }
    return
  }
}

#map = affine_map<(d0, d1) -> (0, 0)>
#map1 = affine_map<(d0, d1) -> (0)>
module attributes {stable_mosaic.version = 14 : i64} {
  func.func @body(%arg0: i32, %arg1: i32, %arg2: memref<10000x128xf32, #tpu.memory_space<hbm>>, %arg3: memref<10000x128xf32, #tpu.memory_space<hbm>>, %arg4: memref<161280xi32, #tpu.memory_space<hbm>>, %arg5: memref<161280xi32, #tpu.memory_space<hbm>>, %arg6: memref<10240x128xf32, #tpu.memory_space<hbm>>, %arg7: memref<10240x128xf32, #tpu.memory_space<hbm>>, %arg8: memref<10240x128xf32, #tpu.memory_space<hbm>>, %arg9: memref<10240x128xf32, #tpu.memory_space<vmem_shared>>, %arg10: memref<80xi32, #tpu.memory_space<vmem>>, %arg11: memref<80xi32, #tpu.memory_space<vmem>>, %arg12: memref<80x128xf32, #tpu.memory_space<vmem>>, %arg13: memref<80xi32, #tpu.memory_space<vmem>>, %arg14: memref<80xi32, #tpu.memory_space<vmem>>, %arg15: memref<80x128xf32, #tpu.memory_space<vmem>>, %arg16: memref<!tpu.dma_semaphore, #tpu.memory_space<semaphore_mem>>, %arg17: memref<!tpu.dma_semaphore, #tpu.memory_space<semaphore_mem>>) attributes {dimension_semantics = [#tpu.dimension_semantics<core_parallel>, #tpu.dimension_semantics<subcore_parallel>], iteration_bounds = array<i64: 2, 16>, scalar_prefetch = 0 : i64, scratch_operands = 9 : i64, tpu.core_type = #tpu.core_type<sc_vector_subcore>, window_params = [{transform_indices = #map}, {transform_indices = #map}, {transform_indices = #map1}, {transform_indices = #map1}, {transform_indices = #map}, {transform_indices = #map}, {transform_indices = #map}]} {
    %mul3A = arith.constant 640 : i32
    %mul3A_0 = arith.muli %arg1, %mul3A : i32
    %mul3A_1 = arith.constant 640 : i32
    %mul3A_2 = arith.muli %arg1, %mul3A_1 : i32
    "tpu.region"() ({
      %run_scoped3A = tpu.sem_alloc : memref<!tpu.dma_semaphore, #tpu.memory_space<semaphore_mem>>
      %dma_start3A = arith.constant 0 : i32
      %dma_start3A_10 = tpu.memref_slice %arg9[%mul3A_2, %dma_start3A] : memref<10240x128xf32, #tpu.memory_space<vmem_shared>> -> memref<640x128xf32, #tpu.memory_space<vmem_shared>>
      %dma_start3A_11 = arith.constant 0 : i32
      %dma_start3A_12 = tpu.memref_slice %arg6[%mul3A_0, %dma_start3A_11] : memref<10240x128xf32, #tpu.memory_space<hbm>> -> memref<640x128xf32, #tpu.memory_space<hbm>>
      tpu.enqueue_dma source(%dma_start3A_12 : memref<640x128xf32, #tpu.memory_space<hbm>>) target(%dma_start3A_10 : memref<640x128xf32, #tpu.memory_space<vmem_shared>>) target_semaphore(%run_scoped3A : memref<!tpu.dma_semaphore, #tpu.memory_space<semaphore_mem>>)
      %dma_wait3A = arith.constant 0 : i32
      %dma_wait3A_13 = tpu.memref_slice %arg9[%mul3A_2, %dma_wait3A] : memref<10240x128xf32, #tpu.memory_space<vmem_shared>> -> memref<640x128xf32, #tpu.memory_space<vmem_shared>>
      %dma_wait3A_14 = arith.constant 0 : i32
      %dma_wait3A_15 = tpu.memref_slice %arg6[%mul3A_0, %dma_wait3A_14] : memref<10240x128xf32, #tpu.memory_space<hbm>> -> memref<640x128xf32, #tpu.memory_space<hbm>>
      tpu.wait_dma2 semaphore(%run_scoped3A : memref<!tpu.dma_semaphore, #tpu.memory_space<semaphore_mem>>) src(%dma_wait3A_15 : memref<640x128xf32, #tpu.memory_space<hbm>>) dst(%dma_wait3A_13 : memref<640x128xf32, #tpu.memory_space<vmem_shared>>)
      tpu.yield
    }) : () -> ()
    %barrier3A = arith.constant 0 : index
    tpu.barrier barrier_id(%barrier3A)
    %eq3A = arith.constant 0 : i32
    %eq3A_3 = arith.cmpi eq, %arg0, %eq3A : i32
    %convert_element_type3A = arith.extui %eq3A_3 : i1 to i32
    %cond3A = arith.constant 0 : i32
    %cond3A_4 = arith.cmpi ne, %convert_element_type3A, %cond3A : i32
    scf.if %cond3A_4 {
      %scan3A = arith.constant 0 : i32
      %scan3A_10 = arith.constant 0 : i32
      %scan3A_11 = arith.constant 63 : i32
      %scan3A_12 = arith.addi %scan3A_10, %scan3A_11 : i32
      %scan3A_13 = arith.constant 1 : i32
      scf.for %scan3A_20 = %scan3A_10 to %scan3A_12 step %scan3A_13  : i32 {
        %mul3A_21 = arith.constant 10080 : i32
        %mul3A_22 = arith.muli %arg1, %mul3A_21 : i32
        %mul3A_23 = arith.constant 2 : i32
        %mul3A_24 = arith.muli %mul3A_23, %scan3A_20 : i32
        %mul3A_25 = arith.constant 80 : i32
        %mul3A_26 = arith.muli %mul3A_24, %mul3A_25 : i32
        %add3A = arith.addi %mul3A_22, %mul3A_26 : i32
        "tpu.region"() ({
          %run_scoped3A = tpu.sem_alloc : memref<!tpu.dma_semaphore, #tpu.memory_space<semaphore_mem>>
          %dma_start3A_41 = tpu.memref_slice %arg4[%add3A] : memref<161280xi32, #tpu.memory_space<hbm>> -> memref<80xi32, #tpu.memory_space<hbm>>
          %dma_start3A_42 = tpu.memref_slice %arg4[%add3A] : memref<161280xi32, #tpu.memory_space<hbm>> -> memref<80xi32, #tpu.memory_space<hbm>>
          tpu.enqueue_dma source(%dma_start3A_42 : memref<80xi32, #tpu.memory_space<hbm>>) target(%arg10 : memref<80xi32, #tpu.memory_space<vmem>>) target_semaphore(%run_scoped3A : memref<!tpu.dma_semaphore, #tpu.memory_space<semaphore_mem>>)
          %dma_wait3A_43 = tpu.memref_slice %arg4[%add3A] : memref<161280xi32, #tpu.memory_space<hbm>> -> memref<80xi32, #tpu.memory_space<hbm>>
          %dma_wait3A_44 = tpu.memref_slice %arg4[%add3A] : memref<161280xi32, #tpu.memory_space<hbm>> -> memref<80xi32, #tpu.memory_space<hbm>>
          tpu.wait_dma2 semaphore(%run_scoped3A : memref<!tpu.dma_semaphore, #tpu.memory_space<semaphore_mem>>) src(%dma_wait3A_44 : memref<80xi32, #tpu.memory_space<hbm>>) dst(%arg10 : memref<80xi32, #tpu.memory_space<vmem>>)
          tpu.yield
        }) : () -> ()
        "tpu.region"() ({
          %run_scoped3A = tpu.sem_alloc : memref<!tpu.dma_semaphore, #tpu.memory_space<semaphore_mem>>
          %dma_start3A_41 = tpu.memref_slice %arg5[%add3A] : memref<161280xi32, #tpu.memory_space<hbm>> -> memref<80xi32, #tpu.memory_space<hbm>>
          %dma_start3A_42 = tpu.memref_slice %arg5[%add3A] : memref<161280xi32, #tpu.memory_space<hbm>> -> memref<80xi32, #tpu.memory_space<hbm>>
          tpu.enqueue_dma source(%dma_start3A_42 : memref<80xi32, #tpu.memory_space<hbm>>) target(%arg11 : memref<80xi32, #tpu.memory_space<vmem>>) target_semaphore(%run_scoped3A : memref<!tpu.dma_semaphore, #tpu.memory_space<semaphore_mem>>)
          %dma_wait3A_43 = tpu.memref_slice %arg5[%add3A] : memref<161280xi32, #tpu.memory_space<hbm>> -> memref<80xi32, #tpu.memory_space<hbm>>
          %dma_wait3A_44 = tpu.memref_slice %arg5[%add3A] : memref<161280xi32, #tpu.memory_space<hbm>> -> memref<80xi32, #tpu.memory_space<hbm>>
          tpu.wait_dma2 semaphore(%run_scoped3A : memref<!tpu.dma_semaphore, #tpu.memory_space<semaphore_mem>>) src(%dma_wait3A_44 : memref<80xi32, #tpu.memory_space<hbm>>) dst(%arg11 : memref<80xi32, #tpu.memory_space<vmem>>)
          tpu.yield
        }) : () -> ()
        %dma_start3A = arith.constant 0 : i32
        %dma_start3A_27 = arith.constant 0 : i32
        %dma_start3A_28 = tpu.memref_slice %arg2[%dma_start3A, %dma_start3A_27] : memref<10000x128xf32, #tpu.memory_space<hbm>> -> memref<10000x128xf32, #tpu.memory_space<hbm>>
        tpu.enqueue_indirect_dma source(%dma_start3A_28 : memref<10000x128xf32, #tpu.memory_space<hbm>>) target(%arg12 : memref<80x128xf32, #tpu.memory_space<vmem>>) offsets(%arg10 : memref<80xi32, #tpu.memory_space<vmem>>) semaphore(%arg16 : memref<!tpu.dma_semaphore, #tpu.memory_space<semaphore_mem>>)
        %add3A_29 = arith.constant 80 : i32
        %add3A_30 = arith.addi %add3A, %add3A_29 : i32
        "tpu.region"() ({
          %run_scoped3A = tpu.sem_alloc : memref<!tpu.dma_semaphore, #tpu.memory_space<semaphore_mem>>
          %dma_start3A_41 = tpu.memref_slice %arg4[%add3A_30] : memref<161280xi32, #tpu.memory_space<hbm>> -> memref<80xi32, #tpu.memory_space<hbm>>
          %dma_start3A_42 = tpu.memref_slice %arg4[%add3A_30] : memref<161280xi32, #tpu.memory_space<hbm>> -> memref<80xi32, #tpu.memory_space<hbm>>
          tpu.enqueue_dma source(%dma_start3A_42 : memref<80xi32, #tpu.memory_space<hbm>>) target(%arg13 : memref<80xi32, #tpu.memory_space<vmem>>) target_semaphore(%run_scoped3A : memref<!tpu.dma_semaphore, #tpu.memory_space<semaphore_mem>>)
          %dma_wait3A_43 = tpu.memref_slice %arg4[%add3A_30] : memref<161280xi32, #tpu.memory_space<hbm>> -> memref<80xi32, #tpu.memory_space<hbm>>
          %dma_wait3A_44 = tpu.memref_slice %arg4[%add3A_30] : memref<161280xi32, #tpu.memory_space<hbm>> -> memref<80xi32, #tpu.memory_space<hbm>>
          tpu.wait_dma2 semaphore(%run_scoped3A : memref<!tpu.dma_semaphore, #tpu.memory_space<semaphore_mem>>) src(%dma_wait3A_44 : memref<80xi32, #tpu.memory_space<hbm>>) dst(%arg13 : memref<80xi32, #tpu.memory_space<vmem>>)
          tpu.yield
        }) : () -> ()
        %add3A_31 = arith.constant 80 : i32
        %add3A_32 = arith.addi %add3A, %add3A_31 : i32
        "tpu.region"() ({
          %run_scoped3A = tpu.sem_alloc : memref<!tpu.dma_semaphore, #tpu.memory_space<semaphore_mem>>
          %dma_start3A_41 = tpu.memref_slice %arg5[%add3A_32] : memref<161280xi32, #tpu.memory_space<hbm>> -> memref<80xi32, #tpu.memory_space<hbm>>
          %dma_start3A_42 = tpu.memref_slice %arg5[%add3A_32] : memref<161280xi32, #tpu.memory_space<hbm>> -> memref<80xi32, #tpu.memory_space<hbm>>
          tpu.enqueue_dma source(%dma_start3A_42 : memref<80xi32, #tpu.memory_space<hbm>>) target(%arg14 : memref<80xi32, #tpu.memory_space<vmem>>) target_semaphore(%run_scoped3A : memref<!tpu.dma_semaphore, #tpu.memory_space<semaphore_mem>>)
          %dma_wait3A_43 = tpu.memref_slice %arg5[%add3A_32] : memref<161280xi32, #tpu.memory_space<hbm>> -> memref<80xi32, #tpu.memory_space<hbm>>
          %dma_wait3A_44 = tpu.memref_slice %arg5[%add3A_32] : memref<161280xi32, #tpu.memory_space<hbm>> -> memref<80xi32, #tpu.memory_space<hbm>>
          tpu.wait_dma2 semaphore(%run_scoped3A : memref<!tpu.dma_semaphore, #tpu.memory_space<semaphore_mem>>) src(%dma_wait3A_44 : memref<80xi32, #tpu.memory_space<hbm>>) dst(%arg14 : memref<80xi32, #tpu.memory_space<vmem>>)
          tpu.yield
        }) : () -> ()
        %dma_start3A_33 = arith.constant 0 : i32
        %dma_start3A_34 = arith.constant 0 : i32
        %dma_start3A_35 = tpu.memref_slice %arg2[%dma_start3A_33, %dma_start3A_34] : memref<10000x128xf32, #tpu.memory_space<hbm>> -> memref<10000x128xf32, #tpu.memory_space<hbm>>
        tpu.enqueue_indirect_dma source(%dma_start3A_35 : memref<10000x128xf32, #tpu.memory_space<hbm>>) target(%arg15 : memref<80x128xf32, #tpu.memory_space<vmem>>) offsets(%arg13 : memref<80xi32, #tpu.memory_space<vmem>>) semaphore(%arg17 : memref<!tpu.dma_semaphore, #tpu.memory_space<semaphore_mem>>)
        %dma_wait3A = arith.constant 0 : i32
        %dma_wait3A_36 = arith.constant 0 : i32
        %dma_wait3A_37 = tpu.memref_slice %arg2[%dma_wait3A, %dma_wait3A_36] : memref<10000x128xf32, #tpu.memory_space<hbm>> -> memref<10000x128xf32, #tpu.memory_space<hbm>>
        tpu.wait_indirect_dma semaphore(%arg16 : memref<!tpu.dma_semaphore, #tpu.memory_space<semaphore_mem>>) src(%dma_wait3A_37 : memref<10000x128xf32, #tpu.memory_space<hbm>>) dst(%arg12 : memref<80x128xf32, #tpu.memory_space<vmem>>)
        "tpu.region"() ({
          %run_scoped3A = tpu.sem_alloc : memref<!tpu.dma_semaphore, #tpu.memory_space<semaphore_mem>>
          %dma_start3A_41 = arith.constant 0 : i32
          %dma_start3A_42 = arith.constant 0 : i32
          %dma_start3A_43 = tpu.memref_slice %arg9[%dma_start3A_41, %dma_start3A_42] : memref<10240x128xf32, #tpu.memory_space<vmem_shared>> -> memref<10240x128xf32, #tpu.memory_space<vmem_shared>>
          tpu.enqueue_indirect_dma source(%arg12 : memref<80x128xf32, #tpu.memory_space<vmem>>) target(%dma_start3A_43 : memref<10240x128xf32, #tpu.memory_space<vmem_shared>>) offsets(%arg11 : memref<80xi32, #tpu.memory_space<vmem>>) semaphore(%run_scoped3A : memref<!tpu.dma_semaphore, #tpu.memory_space<semaphore_mem>>) {add = true}
          %dma_wait3A_44 = arith.constant 0 : i32
          %dma_wait3A_45 = arith.constant 0 : i32
          %dma_wait3A_46 = tpu.memref_slice %arg9[%dma_wait3A_44, %dma_wait3A_45] : memref<10240x128xf32, #tpu.memory_space<vmem_shared>> -> memref<10240x128xf32, #tpu.memory_space<vmem_shared>>
          tpu.wait_indirect_dma semaphore(%run_scoped3A : memref<!tpu.dma_semaphore, #tpu.memory_space<semaphore_mem>>) src(%arg12 : memref<80x128xf32, #tpu.memory_space<vmem>>) dst(%dma_wait3A_46 : memref<10240x128xf32, #tpu.memory_space<vmem_shared>>)
          tpu.yield
        }) : () -> ()
        %dma_wait3A_38 = arith.constant 0 : i32
        %dma_wait3A_39 = arith.constant 0 : i32
        %dma_wait3A_40 = tpu.memref_slice %arg2[%dma_wait3A_38, %dma_wait3A_39] : memref<10000x128xf32, #tpu.memory_space<hbm>> -> memref<10000x128xf32, #tpu.memory_space<hbm>>
        tpu.wait_indirect_dma semaphore(%arg17 : memref<!tpu.dma_semaphore, #tpu.memory_space<semaphore_mem>>) src(%dma_wait3A_40 : memref<10000x128xf32, #tpu.memory_space<hbm>>) dst(%arg15 : memref<80x128xf32, #tpu.memory_space<vmem>>)
        "tpu.region"() ({
          %run_scoped3A = tpu.sem_alloc : memref<!tpu.dma_semaphore, #tpu.memory_space<semaphore_mem>>
          %dma_start3A_41 = arith.constant 0 : i32
          %dma_start3A_42 = arith.constant 0 : i32
          %dma_start3A_43 = tpu.memref_slice %arg9[%dma_start3A_41, %dma_start3A_42] : memref<10240x128xf32, #tpu.memory_space<vmem_shared>> -> memref<10240x128xf32, #tpu.memory_space<vmem_shared>>
          tpu.enqueue_indirect_dma source(%arg15 : memref<80x128xf32, #tpu.memory_space<vmem>>) target(%dma_start3A_43 : memref<10240x128xf32, #tpu.memory_space<vmem_shared>>) offsets(%arg14 : memref<80xi32, #tpu.memory_space<vmem>>) semaphore(%run_scoped3A : memref<!tpu.dma_semaphore, #tpu.memory_space<semaphore_mem>>) {add = true}
          %dma_wait3A_44 = arith.constant 0 : i32
          %dma_wait3A_45 = arith.constant 0 : i32
          %dma_wait3A_46 = tpu.memref_slice %arg9[%dma_wait3A_44, %dma_wait3A_45] : memref<10240x128xf32, #tpu.memory_space<vmem_shared>> -> memref<10240x128xf32, #tpu.memory_space<vmem_shared>>
          tpu.wait_indirect_dma semaphore(%run_scoped3A : memref<!tpu.dma_semaphore, #tpu.memory_space<semaphore_mem>>) src(%arg15 : memref<80x128xf32, #tpu.memory_space<vmem>>) dst(%dma_wait3A_46 : memref<10240x128xf32, #tpu.memory_space<vmem_shared>>)
          tpu.yield
        }) : () -> ()
      }
      %scan3A_14 = arith.constant 63 : i32
      %barrier3A_15 = arith.constant 0 : index
      tpu.barrier barrier_id(%barrier3A_15)
      %mul3A_16 = arith.constant 640 : i32
      %mul3A_17 = arith.muli %arg1, %mul3A_16 : i32
      %mul3A_18 = arith.constant 640 : i32
      %mul3A_19 = arith.muli %arg1, %mul3A_18 : i32
      "tpu.region"() ({
        %run_scoped3A = tpu.sem_alloc : memref<!tpu.dma_semaphore, #tpu.memory_space<semaphore_mem>>
        %dma_start3A = arith.constant 0 : i32
        %dma_start3A_20 = tpu.memref_slice %arg7[%mul3A_19, %dma_start3A] : memref<10240x128xf32, #tpu.memory_space<hbm>> -> memref<640x128xf32, #tpu.memory_space<hbm>>
        %dma_start3A_21 = arith.constant 0 : i32
        %dma_start3A_22 = tpu.memref_slice %arg9[%mul3A_17, %dma_start3A_21] : memref<10240x128xf32, #tpu.memory_space<vmem_shared>> -> memref<640x128xf32, #tpu.memory_space<vmem_shared>>
        tpu.enqueue_dma source(%dma_start3A_22 : memref<640x128xf32, #tpu.memory_space<vmem_shared>>) target(%dma_start3A_20 : memref<640x128xf32, #tpu.memory_space<hbm>>) target_semaphore(%run_scoped3A : memref<!tpu.dma_semaphore, #tpu.memory_space<semaphore_mem>>)
        %dma_wait3A = arith.constant 0 : i32
        %dma_wait3A_23 = tpu.memref_slice %arg7[%mul3A_19, %dma_wait3A] : memref<10240x128xf32, #tpu.memory_space<hbm>> -> memref<640x128xf32, #tpu.memory_space<hbm>>
        %dma_wait3A_24 = arith.constant 0 : i32
        %dma_wait3A_25 = tpu.memref_slice %arg9[%mul3A_17, %dma_wait3A_24] : memref<10240x128xf32, #tpu.memory_space<vmem_shared>> -> memref<640x128xf32, #tpu.memory_space<vmem_shared>>
        tpu.wait_dma2 semaphore(%run_scoped3A : memref<!tpu.dma_semaphore, #tpu.memory_space<semaphore_mem>>) src(%dma_wait3A_25 : memref<640x128xf32, #tpu.memory_space<vmem_shared>>) dst(%dma_wait3A_23 : memref<640x128xf32, #tpu.memory_space<hbm>>)
        tpu.yield
      }) : () -> ()
    } else {
    }
    %eq3A_5 = arith.constant 1 : i32
    %eq3A_6 = arith.cmpi eq, %arg0, %eq3A_5 : i32
    %convert_element_type3A_7 = arith.extui %eq3A_6 : i1 to i32
    %cond3A_8 = arith.constant 0 : i32
    %cond3A_9 = arith.cmpi ne, %convert_element_type3A_7, %cond3A_8 : i32
    scf.if %cond3A_9 {
      %scan3A = arith.constant 0 : i32
      %scan3A_10 = arith.constant 0 : i32
      %scan3A_11 = arith.constant 63 : i32
      %scan3A_12 = arith.addi %scan3A_10, %scan3A_11 : i32
      %scan3A_13 = arith.constant 1 : i32
      scf.for %scan3A_20 = %scan3A_10 to %scan3A_12 step %scan3A_13  : i32 {
        %mul3A_21 = arith.constant 10080 : i32
        %mul3A_22 = arith.muli %arg1, %mul3A_21 : i32
        %mul3A_23 = arith.constant 2 : i32
        %mul3A_24 = arith.muli %mul3A_23, %scan3A_20 : i32
        %mul3A_25 = arith.constant 80 : i32
        %mul3A_26 = arith.muli %mul3A_24, %mul3A_25 : i32
        %add3A = arith.addi %mul3A_22, %mul3A_26 : i32
        "tpu.region"() ({
          %run_scoped3A = tpu.sem_alloc : memref<!tpu.dma_semaphore, #tpu.memory_space<semaphore_mem>>
          %dma_start3A_41 = tpu.memref_slice %arg4[%add3A] : memref<161280xi32, #tpu.memory_space<hbm>> -> memref<80xi32, #tpu.memory_space<hbm>>
          %dma_start3A_42 = tpu.memref_slice %arg4[%add3A] : memref<161280xi32, #tpu.memory_space<hbm>> -> memref<80xi32, #tpu.memory_space<hbm>>
          tpu.enqueue_dma source(%dma_start3A_42 : memref<80xi32, #tpu.memory_space<hbm>>) target(%arg10 : memref<80xi32, #tpu.memory_space<vmem>>) target_semaphore(%run_scoped3A : memref<!tpu.dma_semaphore, #tpu.memory_space<semaphore_mem>>)
          %dma_wait3A_43 = tpu.memref_slice %arg4[%add3A] : memref<161280xi32, #tpu.memory_space<hbm>> -> memref<80xi32, #tpu.memory_space<hbm>>
          %dma_wait3A_44 = tpu.memref_slice %arg4[%add3A] : memref<161280xi32, #tpu.memory_space<hbm>> -> memref<80xi32, #tpu.memory_space<hbm>>
          tpu.wait_dma2 semaphore(%run_scoped3A : memref<!tpu.dma_semaphore, #tpu.memory_space<semaphore_mem>>) src(%dma_wait3A_44 : memref<80xi32, #tpu.memory_space<hbm>>) dst(%arg10 : memref<80xi32, #tpu.memory_space<vmem>>)
          tpu.yield
        }) : () -> ()
        "tpu.region"() ({
          %run_scoped3A = tpu.sem_alloc : memref<!tpu.dma_semaphore, #tpu.memory_space<semaphore_mem>>
          %dma_start3A_41 = tpu.memref_slice %arg5[%add3A] : memref<161280xi32, #tpu.memory_space<hbm>> -> memref<80xi32, #tpu.memory_space<hbm>>
          %dma_start3A_42 = tpu.memref_slice %arg5[%add3A] : memref<161280xi32, #tpu.memory_space<hbm>> -> memref<80xi32, #tpu.memory_space<hbm>>
          tpu.enqueue_dma source(%dma_start3A_42 : memref<80xi32, #tpu.memory_space<hbm>>) target(%arg11 : memref<80xi32, #tpu.memory_space<vmem>>) target_semaphore(%run_scoped3A : memref<!tpu.dma_semaphore, #tpu.memory_space<semaphore_mem>>)
          %dma_wait3A_43 = tpu.memref_slice %arg5[%add3A] : memref<161280xi32, #tpu.memory_space<hbm>> -> memref<80xi32, #tpu.memory_space<hbm>>
          %dma_wait3A_44 = tpu.memref_slice %arg5[%add3A] : memref<161280xi32, #tpu.memory_space<hbm>> -> memref<80xi32, #tpu.memory_space<hbm>>
          tpu.wait_dma2 semaphore(%run_scoped3A : memref<!tpu.dma_semaphore, #tpu.memory_space<semaphore_mem>>) src(%dma_wait3A_44 : memref<80xi32, #tpu.memory_space<hbm>>) dst(%arg11 : memref<80xi32, #tpu.memory_space<vmem>>)
          tpu.yield
        }) : () -> ()
        %dma_start3A = arith.constant 0 : i32
        %dma_start3A_27 = arith.constant 0 : i32
        %dma_start3A_28 = tpu.memref_slice %arg3[%dma_start3A, %dma_start3A_27] : memref<10000x128xf32, #tpu.memory_space<hbm>> -> memref<10000x128xf32, #tpu.memory_space<hbm>>
        tpu.enqueue_indirect_dma source(%dma_start3A_28 : memref<10000x128xf32, #tpu.memory_space<hbm>>) target(%arg12 : memref<80x128xf32, #tpu.memory_space<vmem>>) offsets(%arg10 : memref<80xi32, #tpu.memory_space<vmem>>) semaphore(%arg16 : memref<!tpu.dma_semaphore, #tpu.memory_space<semaphore_mem>>)
        %add3A_29 = arith.constant 80 : i32
        %add3A_30 = arith.addi %add3A, %add3A_29 : i32
        "tpu.region"() ({
          %run_scoped3A = tpu.sem_alloc : memref<!tpu.dma_semaphore, #tpu.memory_space<semaphore_mem>>
          %dma_start3A_41 = tpu.memref_slice %arg4[%add3A_30] : memref<161280xi32, #tpu.memory_space<hbm>> -> memref<80xi32, #tpu.memory_space<hbm>>
          %dma_start3A_42 = tpu.memref_slice %arg4[%add3A_30] : memref<161280xi32, #tpu.memory_space<hbm>> -> memref<80xi32, #tpu.memory_space<hbm>>
          tpu.enqueue_dma source(%dma_start3A_42 : memref<80xi32, #tpu.memory_space<hbm>>) target(%arg13 : memref<80xi32, #tpu.memory_space<vmem>>) target_semaphore(%run_scoped3A : memref<!tpu.dma_semaphore, #tpu.memory_space<semaphore_mem>>)
          %dma_wait3A_43 = tpu.memref_slice %arg4[%add3A_30] : memref<161280xi32, #tpu.memory_space<hbm>> -> memref<80xi32, #tpu.memory_space<hbm>>
          %dma_wait3A_44 = tpu.memref_slice %arg4[%add3A_30] : memref<161280xi32, #tpu.memory_space<hbm>> -> memref<80xi32, #tpu.memory_space<hbm>>
          tpu.wait_dma2 semaphore(%run_scoped3A : memref<!tpu.dma_semaphore, #tpu.memory_space<semaphore_mem>>) src(%dma_wait3A_44 : memref<80xi32, #tpu.memory_space<hbm>>) dst(%arg13 : memref<80xi32, #tpu.memory_space<vmem>>)
          tpu.yield
        }) : () -> ()
        %add3A_31 = arith.constant 80 : i32
        %add3A_32 = arith.addi %add3A, %add3A_31 : i32
        "tpu.region"() ({
          %run_scoped3A = tpu.sem_alloc : memref<!tpu.dma_semaphore, #tpu.memory_space<semaphore_mem>>
          %dma_start3A_41 = tpu.memref_slice %arg5[%add3A_32] : memref<161280xi32, #tpu.memory_space<hbm>> -> memref<80xi32, #tpu.memory_space<hbm>>
          %dma_start3A_42 = tpu.memref_slice %arg5[%add3A_32] : memref<161280xi32, #tpu.memory_space<hbm>> -> memref<80xi32, #tpu.memory_space<hbm>>
          tpu.enqueue_dma source(%dma_start3A_42 : memref<80xi32, #tpu.memory_space<hbm>>) target(%arg14 : memref<80xi32, #tpu.memory_space<vmem>>) target_semaphore(%run_scoped3A : memref<!tpu.dma_semaphore, #tpu.memory_space<semaphore_mem>>)
          %dma_wait3A_43 = tpu.memref_slice %arg5[%add3A_32] : memref<161280xi32, #tpu.memory_space<hbm>> -> memref<80xi32, #tpu.memory_space<hbm>>
          %dma_wait3A_44 = tpu.memref_slice %arg5[%add3A_32] : memref<161280xi32, #tpu.memory_space<hbm>> -> memref<80xi32, #tpu.memory_space<hbm>>
          tpu.wait_dma2 semaphore(%run_scoped3A : memref<!tpu.dma_semaphore, #tpu.memory_space<semaphore_mem>>) src(%dma_wait3A_44 : memref<80xi32, #tpu.memory_space<hbm>>) dst(%arg14 : memref<80xi32, #tpu.memory_space<vmem>>)
          tpu.yield
        }) : () -> ()
        %dma_start3A_33 = arith.constant 0 : i32
        %dma_start3A_34 = arith.constant 0 : i32
        %dma_start3A_35 = tpu.memref_slice %arg3[%dma_start3A_33, %dma_start3A_34] : memref<10000x128xf32, #tpu.memory_space<hbm>> -> memref<10000x128xf32, #tpu.memory_space<hbm>>
        tpu.enqueue_indirect_dma source(%dma_start3A_35 : memref<10000x128xf32, #tpu.memory_space<hbm>>) target(%arg15 : memref<80x128xf32, #tpu.memory_space<vmem>>) offsets(%arg13 : memref<80xi32, #tpu.memory_space<vmem>>) semaphore(%arg17 : memref<!tpu.dma_semaphore, #tpu.memory_space<semaphore_mem>>)
        %dma_wait3A = arith.constant 0 : i32
        %dma_wait3A_36 = arith.constant 0 : i32
        %dma_wait3A_37 = tpu.memref_slice %arg3[%dma_wait3A, %dma_wait3A_36] : memref<10000x128xf32, #tpu.memory_space<hbm>> -> memref<10000x128xf32, #tpu.memory_space<hbm>>
        tpu.wait_indirect_dma semaphore(%arg16 : memref<!tpu.dma_semaphore, #tpu.memory_space<semaphore_mem>>) src(%dma_wait3A_37 : memref<10000x128xf32, #tpu.memory_space<hbm>>) dst(%arg12 : memref<80x128xf32, #tpu.memory_space<vmem>>)
        "tpu.region"() ({
          %run_scoped3A = tpu.sem_alloc : memref<!tpu.dma_semaphore, #tpu.memory_space<semaphore_mem>>
          %dma_start3A_41 = arith.constant 0 : i32
          %dma_start3A_42 = arith.constant 0 : i32
          %dma_start3A_43 = tpu.memref_slice %arg9[%dma_start3A_41, %dma_start3A_42] : memref<10240x128xf32, #tpu.memory_space<vmem_shared>> -> memref<10240x128xf32, #tpu.memory_space<vmem_shared>>
          tpu.enqueue_indirect_dma source(%arg12 : memref<80x128xf32, #tpu.memory_space<vmem>>) target(%dma_start3A_43 : memref<10240x128xf32, #tpu.memory_space<vmem_shared>>) offsets(%arg11 : memref<80xi32, #tpu.memory_space<vmem>>) semaphore(%run_scoped3A : memref<!tpu.dma_semaphore, #tpu.memory_space<semaphore_mem>>) {add = true}
          %dma_wait3A_44 = arith.constant 0 : i32
          %dma_wait3A_45 = arith.constant 0 : i32
          %dma_wait3A_46 = tpu.memref_slice %arg9[%dma_wait3A_44, %dma_wait3A_45] : memref<10240x128xf32, #tpu.memory_space<vmem_shared>> -> memref<10240x128xf32, #tpu.memory_space<vmem_shared>>
          tpu.wait_indirect_dma semaphore(%run_scoped3A : memref<!tpu.dma_semaphore, #tpu.memory_space<semaphore_mem>>) src(%arg12 : memref<80x128xf32, #tpu.memory_space<vmem>>) dst(%dma_wait3A_46 : memref<10240x128xf32, #tpu.memory_space<vmem_shared>>)
          tpu.yield
        }) : () -> ()
        %dma_wait3A_38 = arith.constant 0 : i32
        %dma_wait3A_39 = arith.constant 0 : i32
        %dma_wait3A_40 = tpu.memref_slice %arg3[%dma_wait3A_38, %dma_wait3A_39] : memref<10000x128xf32, #tpu.memory_space<hbm>> -> memref<10000x128xf32, #tpu.memory_space<hbm>>
        tpu.wait_indirect_dma semaphore(%arg17 : memref<!tpu.dma_semaphore, #tpu.memory_space<semaphore_mem>>) src(%dma_wait3A_40 : memref<10000x128xf32, #tpu.memory_space<hbm>>) dst(%arg15 : memref<80x128xf32, #tpu.memory_space<vmem>>)
        "tpu.region"() ({
          %run_scoped3A = tpu.sem_alloc : memref<!tpu.dma_semaphore, #tpu.memory_space<semaphore_mem>>
          %dma_start3A_41 = arith.constant 0 : i32
          %dma_start3A_42 = arith.constant 0 : i32
          %dma_start3A_43 = tpu.memref_slice %arg9[%dma_start3A_41, %dma_start3A_42] : memref<10240x128xf32, #tpu.memory_space<vmem_shared>> -> memref<10240x128xf32, #tpu.memory_space<vmem_shared>>
          tpu.enqueue_indirect_dma source(%arg15 : memref<80x128xf32, #tpu.memory_space<vmem>>) target(%dma_start3A_43 : memref<10240x128xf32, #tpu.memory_space<vmem_shared>>) offsets(%arg14 : memref<80xi32, #tpu.memory_space<vmem>>) semaphore(%run_scoped3A : memref<!tpu.dma_semaphore, #tpu.memory_space<semaphore_mem>>) {add = true}
          %dma_wait3A_44 = arith.constant 0 : i32
          %dma_wait3A_45 = arith.constant 0 : i32
          %dma_wait3A_46 = tpu.memref_slice %arg9[%dma_wait3A_44, %dma_wait3A_45] : memref<10240x128xf32, #tpu.memory_space<vmem_shared>> -> memref<10240x128xf32, #tpu.memory_space<vmem_shared>>
          tpu.wait_indirect_dma semaphore(%run_scoped3A : memref<!tpu.dma_semaphore, #tpu.memory_space<semaphore_mem>>) src(%arg15 : memref<80x128xf32, #tpu.memory_space<vmem>>) dst(%dma_wait3A_46 : memref<10240x128xf32, #tpu.memory_space<vmem_shared>>)
          tpu.yield
        }) : () -> ()
      }
      %scan3A_14 = arith.constant 63 : i32
      %barrier3A_15 = arith.constant 0 : index
      tpu.barrier barrier_id(%barrier3A_15)
      %mul3A_16 = arith.constant 640 : i32
      %mul3A_17 = arith.muli %arg1, %mul3A_16 : i32
      %mul3A_18 = arith.constant 640 : i32
      %mul3A_19 = arith.muli %arg1, %mul3A_18 : i32
      "tpu.region"() ({
        %run_scoped3A = tpu.sem_alloc : memref<!tpu.dma_semaphore, #tpu.memory_space<semaphore_mem>>
        %dma_start3A = arith.constant 0 : i32
        %dma_start3A_20 = tpu.memref_slice %arg8[%mul3A_19, %dma_start3A] : memref<10240x128xf32, #tpu.memory_space<hbm>> -> memref<640x128xf32, #tpu.memory_space<hbm>>
        %dma_start3A_21 = arith.constant 0 : i32
        %dma_start3A_22 = tpu.memref_slice %arg9[%mul3A_17, %dma_start3A_21] : memref<10240x128xf32, #tpu.memory_space<vmem_shared>> -> memref<640x128xf32, #tpu.memory_space<vmem_shared>>
        tpu.enqueue_dma source(%dma_start3A_22 : memref<640x128xf32, #tpu.memory_space<vmem_shared>>) target(%dma_start3A_20 : memref<640x128xf32, #tpu.memory_space<hbm>>) target_semaphore(%run_scoped3A : memref<!tpu.dma_semaphore, #tpu.memory_space<semaphore_mem>>)
        %dma_wait3A = arith.constant 0 : i32
        %dma_wait3A_23 = tpu.memref_slice %arg8[%mul3A_19, %dma_wait3A] : memref<10240x128xf32, #tpu.memory_space<hbm>> -> memref<640x128xf32, #tpu.memory_space<hbm>>
        %dma_wait3A_24 = arith.constant 0 : i32
        %dma_wait3A_25 = tpu.memref_slice %arg9[%mul3A_17, %dma_wait3A_24] : memref<10240x128xf32, #tpu.memory_space<vmem_shared>> -> memref<640x128xf32, #tpu.memory_space<vmem_shared>>
        tpu.wait_dma2 semaphore(%run_scoped3A : memref<!tpu.dma_semaphore, #tpu.memory_space<semaphore_mem>>) src(%dma_wait3A_25 : memref<640x128xf32, #tpu.memory_space<vmem_shared>>) dst(%dma_wait3A_23 : memref<640x128xf32, #tpu.memory_space<hbm>>)
        tpu.yield
      }) : () -> ()
    } else {
    }
    return
  }
}

#map = affine_map<(d0, d1) -> (0, 0)>
#map1 = affine_map<(d0, d1) -> (0)>
module attributes {stable_mosaic.version = 14 : i64} {
  func.func @body(%arg0: i32, %arg1: i32, %arg2: memref<161280x128xf32, #tpu.memory_space<hbm>>, %arg3: memref<161280x128xf32, #tpu.memory_space<hbm>>, %arg4: memref<161280xi32, #tpu.memory_space<hbm>>, %arg5: memref<161280xi32, #tpu.memory_space<hbm>>, %arg6: memref<10240x128xf32, #tpu.memory_space<hbm>>, %arg7: memref<10240x128xf32, #tpu.memory_space<hbm>>, %arg8: memref<10240x128xf32, #tpu.memory_space<hbm>>, %arg9: memref<10240x128xf32, #tpu.memory_space<vmem_shared>>, %arg10: memref<80xi32, #tpu.memory_space<vmem>>, %arg11: memref<80xi32, #tpu.memory_space<vmem>>, %arg12: memref<80x128xf32, #tpu.memory_space<vmem>>, %arg13: memref<80xi32, #tpu.memory_space<vmem>>, %arg14: memref<80xi32, #tpu.memory_space<vmem>>, %arg15: memref<80x128xf32, #tpu.memory_space<vmem>>, %arg16: memref<!tpu.dma_semaphore, #tpu.memory_space<semaphore_mem>>, %arg17: memref<!tpu.dma_semaphore, #tpu.memory_space<semaphore_mem>>) attributes {dimension_semantics = [#tpu.dimension_semantics<core_parallel>, #tpu.dimension_semantics<subcore_parallel>], iteration_bounds = array<i64: 2, 16>, scalar_prefetch = 0 : i64, scratch_operands = 9 : i64, tpu.core_type = #tpu.core_type<sc_vector_subcore>, window_params = [{transform_indices = #map}, {transform_indices = #map}, {transform_indices = #map1}, {transform_indices = #map1}, {transform_indices = #map}, {transform_indices = #map}, {transform_indices = #map}]} {
    %mul3A = arith.constant 640 : i32
    %mul3A_0 = arith.muli %arg1, %mul3A : i32
    %mul3A_1 = arith.constant 640 : i32
    %mul3A_2 = arith.muli %arg1, %mul3A_1 : i32
    "tpu.region"() ({
      %run_scoped3A = tpu.sem_alloc : memref<!tpu.dma_semaphore, #tpu.memory_space<semaphore_mem>>
      %dma_start3A = arith.constant 0 : i32
      %dma_start3A_10 = tpu.memref_slice %arg9[%mul3A_2, %dma_start3A] : memref<10240x128xf32, #tpu.memory_space<vmem_shared>> -> memref<640x128xf32, #tpu.memory_space<vmem_shared>>
      %dma_start3A_11 = arith.constant 0 : i32
      %dma_start3A_12 = tpu.memref_slice %arg6[%mul3A_0, %dma_start3A_11] : memref<10240x128xf32, #tpu.memory_space<hbm>> -> memref<640x128xf32, #tpu.memory_space<hbm>>
      tpu.enqueue_dma source(%dma_start3A_12 : memref<640x128xf32, #tpu.memory_space<hbm>>) target(%dma_start3A_10 : memref<640x128xf32, #tpu.memory_space<vmem_shared>>) target_semaphore(%run_scoped3A : memref<!tpu.dma_semaphore, #tpu.memory_space<semaphore_mem>>)
      %dma_wait3A = arith.constant 0 : i32
      %dma_wait3A_13 = tpu.memref_slice %arg9[%mul3A_2, %dma_wait3A] : memref<10240x128xf32, #tpu.memory_space<vmem_shared>> -> memref<640x128xf32, #tpu.memory_space<vmem_shared>>
      %dma_wait3A_14 = arith.constant 0 : i32
      %dma_wait3A_15 = tpu.memref_slice %arg6[%mul3A_0, %dma_wait3A_14] : memref<10240x128xf32, #tpu.memory_space<hbm>> -> memref<640x128xf32, #tpu.memory_space<hbm>>
      tpu.wait_dma2 semaphore(%run_scoped3A : memref<!tpu.dma_semaphore, #tpu.memory_space<semaphore_mem>>) src(%dma_wait3A_15 : memref<640x128xf32, #tpu.memory_space<hbm>>) dst(%dma_wait3A_13 : memref<640x128xf32, #tpu.memory_space<vmem_shared>>)
      tpu.yield
    }) : () -> ()
    %barrier3A = arith.constant 0 : index
    tpu.barrier barrier_id(%barrier3A)
    %eq3A = arith.constant 0 : i32
    %eq3A_3 = arith.cmpi eq, %arg0, %eq3A : i32
    %convert_element_type3A = arith.extui %eq3A_3 : i1 to i32
    %cond3A = arith.constant 0 : i32
    %cond3A_4 = arith.cmpi ne, %convert_element_type3A, %cond3A : i32
    scf.if %cond3A_4 {
      %scan3A = arith.constant 0 : i32
      %scan3A_10 = arith.constant 0 : i32
      %scan3A_11 = arith.constant 63 : i32
      %scan3A_12 = arith.addi %scan3A_10, %scan3A_11 : i32
      %scan3A_13 = arith.constant 1 : i32
      scf.for %scan3A_20 = %scan3A_10 to %scan3A_12 step %scan3A_13  : i32 {
        %mul3A_21 = arith.constant 10080 : i32
        %mul3A_22 = arith.muli %arg1, %mul3A_21 : i32
        %mul3A_23 = arith.constant 2 : i32
        %mul3A_24 = arith.muli %mul3A_23, %scan3A_20 : i32
        %mul3A_25 = arith.constant 80 : i32
        %mul3A_26 = arith.muli %mul3A_24, %mul3A_25 : i32
        %add3A = arith.addi %mul3A_22, %mul3A_26 : i32
        "tpu.region"() ({
          %run_scoped3A = tpu.sem_alloc : memref<!tpu.dma_semaphore, #tpu.memory_space<semaphore_mem>>
          %dma_start3A_41 = tpu.memref_slice %arg4[%add3A] : memref<161280xi32, #tpu.memory_space<hbm>> -> memref<80xi32, #tpu.memory_space<hbm>>
          %dma_start3A_42 = tpu.memref_slice %arg4[%add3A] : memref<161280xi32, #tpu.memory_space<hbm>> -> memref<80xi32, #tpu.memory_space<hbm>>
          tpu.enqueue_dma source(%dma_start3A_42 : memref<80xi32, #tpu.memory_space<hbm>>) target(%arg10 : memref<80xi32, #tpu.memory_space<vmem>>) target_semaphore(%run_scoped3A : memref<!tpu.dma_semaphore, #tpu.memory_space<semaphore_mem>>)
          %dma_wait3A_43 = tpu.memref_slice %arg4[%add3A] : memref<161280xi32, #tpu.memory_space<hbm>> -> memref<80xi32, #tpu.memory_space<hbm>>
          %dma_wait3A_44 = tpu.memref_slice %arg4[%add3A] : memref<161280xi32, #tpu.memory_space<hbm>> -> memref<80xi32, #tpu.memory_space<hbm>>
          tpu.wait_dma2 semaphore(%run_scoped3A : memref<!tpu.dma_semaphore, #tpu.memory_space<semaphore_mem>>) src(%dma_wait3A_44 : memref<80xi32, #tpu.memory_space<hbm>>) dst(%arg10 : memref<80xi32, #tpu.memory_space<vmem>>)
          tpu.yield
        }) : () -> ()
        "tpu.region"() ({
          %run_scoped3A = tpu.sem_alloc : memref<!tpu.dma_semaphore, #tpu.memory_space<semaphore_mem>>
          %dma_start3A_41 = tpu.memref_slice %arg5[%add3A] : memref<161280xi32, #tpu.memory_space<hbm>> -> memref<80xi32, #tpu.memory_space<hbm>>
          %dma_start3A_42 = tpu.memref_slice %arg5[%add3A] : memref<161280xi32, #tpu.memory_space<hbm>> -> memref<80xi32, #tpu.memory_space<hbm>>
          tpu.enqueue_dma source(%dma_start3A_42 : memref<80xi32, #tpu.memory_space<hbm>>) target(%arg11 : memref<80xi32, #tpu.memory_space<vmem>>) target_semaphore(%run_scoped3A : memref<!tpu.dma_semaphore, #tpu.memory_space<semaphore_mem>>)
          %dma_wait3A_43 = tpu.memref_slice %arg5[%add3A] : memref<161280xi32, #tpu.memory_space<hbm>> -> memref<80xi32, #tpu.memory_space<hbm>>
          %dma_wait3A_44 = tpu.memref_slice %arg5[%add3A] : memref<161280xi32, #tpu.memory_space<hbm>> -> memref<80xi32, #tpu.memory_space<hbm>>
          tpu.wait_dma2 semaphore(%run_scoped3A : memref<!tpu.dma_semaphore, #tpu.memory_space<semaphore_mem>>) src(%dma_wait3A_44 : memref<80xi32, #tpu.memory_space<hbm>>) dst(%arg11 : memref<80xi32, #tpu.memory_space<vmem>>)
          tpu.yield
        }) : () -> ()
        %dma_start3A = arith.constant 0 : i32
        %dma_start3A_27 = arith.constant 0 : i32
        %dma_start3A_28 = tpu.memref_slice %arg2[%dma_start3A, %dma_start3A_27] : memref<161280x128xf32, #tpu.memory_space<hbm>> -> memref<161280x128xf32, #tpu.memory_space<hbm>>
        tpu.enqueue_indirect_dma source(%dma_start3A_28 : memref<161280x128xf32, #tpu.memory_space<hbm>>) target(%arg12 : memref<80x128xf32, #tpu.memory_space<vmem>>) offsets(%arg10 : memref<80xi32, #tpu.memory_space<vmem>>) semaphore(%arg16 : memref<!tpu.dma_semaphore, #tpu.memory_space<semaphore_mem>>)
        %add3A_29 = arith.constant 80 : i32
        %add3A_30 = arith.addi %add3A, %add3A_29 : i32
        "tpu.region"() ({
          %run_scoped3A = tpu.sem_alloc : memref<!tpu.dma_semaphore, #tpu.memory_space<semaphore_mem>>
          %dma_start3A_41 = tpu.memref_slice %arg4[%add3A_30] : memref<161280xi32, #tpu.memory_space<hbm>> -> memref<80xi32, #tpu.memory_space<hbm>>
          %dma_start3A_42 = tpu.memref_slice %arg4[%add3A_30] : memref<161280xi32, #tpu.memory_space<hbm>> -> memref<80xi32, #tpu.memory_space<hbm>>
          tpu.enqueue_dma source(%dma_start3A_42 : memref<80xi32, #tpu.memory_space<hbm>>) target(%arg13 : memref<80xi32, #tpu.memory_space<vmem>>) target_semaphore(%run_scoped3A : memref<!tpu.dma_semaphore, #tpu.memory_space<semaphore_mem>>)
          %dma_wait3A_43 = tpu.memref_slice %arg4[%add3A_30] : memref<161280xi32, #tpu.memory_space<hbm>> -> memref<80xi32, #tpu.memory_space<hbm>>
          %dma_wait3A_44 = tpu.memref_slice %arg4[%add3A_30] : memref<161280xi32, #tpu.memory_space<hbm>> -> memref<80xi32, #tpu.memory_space<hbm>>
          tpu.wait_dma2 semaphore(%run_scoped3A : memref<!tpu.dma_semaphore, #tpu.memory_space<semaphore_mem>>) src(%dma_wait3A_44 : memref<80xi32, #tpu.memory_space<hbm>>) dst(%arg13 : memref<80xi32, #tpu.memory_space<vmem>>)
          tpu.yield
        }) : () -> ()
        %add3A_31 = arith.constant 80 : i32
        %add3A_32 = arith.addi %add3A, %add3A_31 : i32
        "tpu.region"() ({
          %run_scoped3A = tpu.sem_alloc : memref<!tpu.dma_semaphore, #tpu.memory_space<semaphore_mem>>
          %dma_start3A_41 = tpu.memref_slice %arg5[%add3A_32] : memref<161280xi32, #tpu.memory_space<hbm>> -> memref<80xi32, #tpu.memory_space<hbm>>
          %dma_start3A_42 = tpu.memref_slice %arg5[%add3A_32] : memref<161280xi32, #tpu.memory_space<hbm>> -> memref<80xi32, #tpu.memory_space<hbm>>
          tpu.enqueue_dma source(%dma_start3A_42 : memref<80xi32, #tpu.memory_space<hbm>>) target(%arg14 : memref<80xi32, #tpu.memory_space<vmem>>) target_semaphore(%run_scoped3A : memref<!tpu.dma_semaphore, #tpu.memory_space<semaphore_mem>>)
          %dma_wait3A_43 = tpu.memref_slice %arg5[%add3A_32] : memref<161280xi32, #tpu.memory_space<hbm>> -> memref<80xi32, #tpu.memory_space<hbm>>
          %dma_wait3A_44 = tpu.memref_slice %arg5[%add3A_32] : memref<161280xi32, #tpu.memory_space<hbm>> -> memref<80xi32, #tpu.memory_space<hbm>>
          tpu.wait_dma2 semaphore(%run_scoped3A : memref<!tpu.dma_semaphore, #tpu.memory_space<semaphore_mem>>) src(%dma_wait3A_44 : memref<80xi32, #tpu.memory_space<hbm>>) dst(%arg14 : memref<80xi32, #tpu.memory_space<vmem>>)
          tpu.yield
        }) : () -> ()
        %dma_start3A_33 = arith.constant 0 : i32
        %dma_start3A_34 = arith.constant 0 : i32
        %dma_start3A_35 = tpu.memref_slice %arg2[%dma_start3A_33, %dma_start3A_34] : memref<161280x128xf32, #tpu.memory_space<hbm>> -> memref<161280x128xf32, #tpu.memory_space<hbm>>
        tpu.enqueue_indirect_dma source(%dma_start3A_35 : memref<161280x128xf32, #tpu.memory_space<hbm>>) target(%arg15 : memref<80x128xf32, #tpu.memory_space<vmem>>) offsets(%arg13 : memref<80xi32, #tpu.memory_space<vmem>>) semaphore(%arg17 : memref<!tpu.dma_semaphore, #tpu.memory_space<semaphore_mem>>)
        %dma_wait3A = arith.constant 0 : i32
        %dma_wait3A_36 = arith.constant 0 : i32
        %dma_wait3A_37 = tpu.memref_slice %arg2[%dma_wait3A, %dma_wait3A_36] : memref<161280x128xf32, #tpu.memory_space<hbm>> -> memref<161280x128xf32, #tpu.memory_space<hbm>>
        tpu.wait_indirect_dma semaphore(%arg16 : memref<!tpu.dma_semaphore, #tpu.memory_space<semaphore_mem>>) src(%dma_wait3A_37 : memref<161280x128xf32, #tpu.memory_space<hbm>>) dst(%arg12 : memref<80x128xf32, #tpu.memory_space<vmem>>)
        "tpu.region"() ({
          %run_scoped3A = tpu.sem_alloc : memref<!tpu.dma_semaphore, #tpu.memory_space<semaphore_mem>>
          %dma_start3A_41 = arith.constant 0 : i32
          %dma_start3A_42 = arith.constant 0 : i32
          %dma_start3A_43 = tpu.memref_slice %arg9[%dma_start3A_41, %dma_start3A_42] : memref<10240x128xf32, #tpu.memory_space<vmem_shared>> -> memref<10240x128xf32, #tpu.memory_space<vmem_shared>>
          tpu.enqueue_indirect_dma source(%arg12 : memref<80x128xf32, #tpu.memory_space<vmem>>) target(%dma_start3A_43 : memref<10240x128xf32, #tpu.memory_space<vmem_shared>>) offsets(%arg11 : memref<80xi32, #tpu.memory_space<vmem>>) semaphore(%run_scoped3A : memref<!tpu.dma_semaphore, #tpu.memory_space<semaphore_mem>>) {add = true}
          %dma_wait3A_44 = arith.constant 0 : i32
          %dma_wait3A_45 = arith.constant 0 : i32
          %dma_wait3A_46 = tpu.memref_slice %arg9[%dma_wait3A_44, %dma_wait3A_45] : memref<10240x128xf32, #tpu.memory_space<vmem_shared>> -> memref<10240x128xf32, #tpu.memory_space<vmem_shared>>
          tpu.wait_indirect_dma semaphore(%run_scoped3A : memref<!tpu.dma_semaphore, #tpu.memory_space<semaphore_mem>>) src(%arg12 : memref<80x128xf32, #tpu.memory_space<vmem>>) dst(%dma_wait3A_46 : memref<10240x128xf32, #tpu.memory_space<vmem_shared>>)
          tpu.yield
        }) : () -> ()
        %dma_wait3A_38 = arith.constant 0 : i32
        %dma_wait3A_39 = arith.constant 0 : i32
        %dma_wait3A_40 = tpu.memref_slice %arg2[%dma_wait3A_38, %dma_wait3A_39] : memref<161280x128xf32, #tpu.memory_space<hbm>> -> memref<161280x128xf32, #tpu.memory_space<hbm>>
        tpu.wait_indirect_dma semaphore(%arg17 : memref<!tpu.dma_semaphore, #tpu.memory_space<semaphore_mem>>) src(%dma_wait3A_40 : memref<161280x128xf32, #tpu.memory_space<hbm>>) dst(%arg15 : memref<80x128xf32, #tpu.memory_space<vmem>>)
        "tpu.region"() ({
          %run_scoped3A = tpu.sem_alloc : memref<!tpu.dma_semaphore, #tpu.memory_space<semaphore_mem>>
          %dma_start3A_41 = arith.constant 0 : i32
          %dma_start3A_42 = arith.constant 0 : i32
          %dma_start3A_43 = tpu.memref_slice %arg9[%dma_start3A_41, %dma_start3A_42] : memref<10240x128xf32, #tpu.memory_space<vmem_shared>> -> memref<10240x128xf32, #tpu.memory_space<vmem_shared>>
          tpu.enqueue_indirect_dma source(%arg15 : memref<80x128xf32, #tpu.memory_space<vmem>>) target(%dma_start3A_43 : memref<10240x128xf32, #tpu.memory_space<vmem_shared>>) offsets(%arg14 : memref<80xi32, #tpu.memory_space<vmem>>) semaphore(%run_scoped3A : memref<!tpu.dma_semaphore, #tpu.memory_space<semaphore_mem>>) {add = true}
          %dma_wait3A_44 = arith.constant 0 : i32
          %dma_wait3A_45 = arith.constant 0 : i32
          %dma_wait3A_46 = tpu.memref_slice %arg9[%dma_wait3A_44, %dma_wait3A_45] : memref<10240x128xf32, #tpu.memory_space<vmem_shared>> -> memref<10240x128xf32, #tpu.memory_space<vmem_shared>>
          tpu.wait_indirect_dma semaphore(%run_scoped3A : memref<!tpu.dma_semaphore, #tpu.memory_space<semaphore_mem>>) src(%arg15 : memref<80x128xf32, #tpu.memory_space<vmem>>) dst(%dma_wait3A_46 : memref<10240x128xf32, #tpu.memory_space<vmem_shared>>)
          tpu.yield
        }) : () -> ()
      }
      %scan3A_14 = arith.constant 63 : i32
      %barrier3A_15 = arith.constant 0 : index
      tpu.barrier barrier_id(%barrier3A_15)
      %mul3A_16 = arith.constant 640 : i32
      %mul3A_17 = arith.muli %arg1, %mul3A_16 : i32
      %mul3A_18 = arith.constant 640 : i32
      %mul3A_19 = arith.muli %arg1, %mul3A_18 : i32
      "tpu.region"() ({
        %run_scoped3A = tpu.sem_alloc : memref<!tpu.dma_semaphore, #tpu.memory_space<semaphore_mem>>
        %dma_start3A = arith.constant 0 : i32
        %dma_start3A_20 = tpu.memref_slice %arg7[%mul3A_19, %dma_start3A] : memref<10240x128xf32, #tpu.memory_space<hbm>> -> memref<640x128xf32, #tpu.memory_space<hbm>>
        %dma_start3A_21 = arith.constant 0 : i32
        %dma_start3A_22 = tpu.memref_slice %arg9[%mul3A_17, %dma_start3A_21] : memref<10240x128xf32, #tpu.memory_space<vmem_shared>> -> memref<640x128xf32, #tpu.memory_space<vmem_shared>>
        tpu.enqueue_dma source(%dma_start3A_22 : memref<640x128xf32, #tpu.memory_space<vmem_shared>>) target(%dma_start3A_20 : memref<640x128xf32, #tpu.memory_space<hbm>>) target_semaphore(%run_scoped3A : memref<!tpu.dma_semaphore, #tpu.memory_space<semaphore_mem>>)
        %dma_wait3A = arith.constant 0 : i32
        %dma_wait3A_23 = tpu.memref_slice %arg7[%mul3A_19, %dma_wait3A] : memref<10240x128xf32, #tpu.memory_space<hbm>> -> memref<640x128xf32, #tpu.memory_space<hbm>>
        %dma_wait3A_24 = arith.constant 0 : i32
        %dma_wait3A_25 = tpu.memref_slice %arg9[%mul3A_17, %dma_wait3A_24] : memref<10240x128xf32, #tpu.memory_space<vmem_shared>> -> memref<640x128xf32, #tpu.memory_space<vmem_shared>>
        tpu.wait_dma2 semaphore(%run_scoped3A : memref<!tpu.dma_semaphore, #tpu.memory_space<semaphore_mem>>) src(%dma_wait3A_25 : memref<640x128xf32, #tpu.memory_space<vmem_shared>>) dst(%dma_wait3A_23 : memref<640x128xf32, #tpu.memory_space<hbm>>)
        tpu.yield
      }) : () -> ()
    } else {
    }
    %eq3A_5 = arith.constant 1 : i32
    %eq3A_6 = arith.cmpi eq, %arg0, %eq3A_5 : i32
    %convert_element_type3A_7 = arith.extui %eq3A_6 : i1 to i32
    %cond3A_8 = arith.constant 0 : i32
    %cond3A_9 = arith.cmpi ne, %convert_element_type3A_7, %cond3A_8 : i32
    scf.if %cond3A_9 {
      %scan3A = arith.constant 0 : i32
      %scan3A_10 = arith.constant 0 : i32
      %scan3A_11 = arith.constant 63 : i32
      %scan3A_12 = arith.addi %scan3A_10, %scan3A_11 : i32
      %scan3A_13 = arith.constant 1 : i32
      scf.for %scan3A_20 = %scan3A_10 to %scan3A_12 step %scan3A_13  : i32 {
        %mul3A_21 = arith.constant 10080 : i32
        %mul3A_22 = arith.muli %arg1, %mul3A_21 : i32
        %mul3A_23 = arith.constant 2 : i32
        %mul3A_24 = arith.muli %mul3A_23, %scan3A_20 : i32
        %mul3A_25 = arith.constant 80 : i32
        %mul3A_26 = arith.muli %mul3A_24, %mul3A_25 : i32
        %add3A = arith.addi %mul3A_22, %mul3A_26 : i32
        "tpu.region"() ({
          %run_scoped3A = tpu.sem_alloc : memref<!tpu.dma_semaphore, #tpu.memory_space<semaphore_mem>>
          %dma_start3A_41 = tpu.memref_slice %arg4[%add3A] : memref<161280xi32, #tpu.memory_space<hbm>> -> memref<80xi32, #tpu.memory_space<hbm>>
          %dma_start3A_42 = tpu.memref_slice %arg4[%add3A] : memref<161280xi32, #tpu.memory_space<hbm>> -> memref<80xi32, #tpu.memory_space<hbm>>
          tpu.enqueue_dma source(%dma_start3A_42 : memref<80xi32, #tpu.memory_space<hbm>>) target(%arg10 : memref<80xi32, #tpu.memory_space<vmem>>) target_semaphore(%run_scoped3A : memref<!tpu.dma_semaphore, #tpu.memory_space<semaphore_mem>>)
          %dma_wait3A_43 = tpu.memref_slice %arg4[%add3A] : memref<161280xi32, #tpu.memory_space<hbm>> -> memref<80xi32, #tpu.memory_space<hbm>>
          %dma_wait3A_44 = tpu.memref_slice %arg4[%add3A] : memref<161280xi32, #tpu.memory_space<hbm>> -> memref<80xi32, #tpu.memory_space<hbm>>
          tpu.wait_dma2 semaphore(%run_scoped3A : memref<!tpu.dma_semaphore, #tpu.memory_space<semaphore_mem>>) src(%dma_wait3A_44 : memref<80xi32, #tpu.memory_space<hbm>>) dst(%arg10 : memref<80xi32, #tpu.memory_space<vmem>>)
          tpu.yield
        }) : () -> ()
        "tpu.region"() ({
          %run_scoped3A = tpu.sem_alloc : memref<!tpu.dma_semaphore, #tpu.memory_space<semaphore_mem>>
          %dma_start3A_41 = tpu.memref_slice %arg5[%add3A] : memref<161280xi32, #tpu.memory_space<hbm>> -> memref<80xi32, #tpu.memory_space<hbm>>
          %dma_start3A_42 = tpu.memref_slice %arg5[%add3A] : memref<161280xi32, #tpu.memory_space<hbm>> -> memref<80xi32, #tpu.memory_space<hbm>>
          tpu.enqueue_dma source(%dma_start3A_42 : memref<80xi32, #tpu.memory_space<hbm>>) target(%arg11 : memref<80xi32, #tpu.memory_space<vmem>>) target_semaphore(%run_scoped3A : memref<!tpu.dma_semaphore, #tpu.memory_space<semaphore_mem>>)
          %dma_wait3A_43 = tpu.memref_slice %arg5[%add3A] : memref<161280xi32, #tpu.memory_space<hbm>> -> memref<80xi32, #tpu.memory_space<hbm>>
          %dma_wait3A_44 = tpu.memref_slice %arg5[%add3A] : memref<161280xi32, #tpu.memory_space<hbm>> -> memref<80xi32, #tpu.memory_space<hbm>>
          tpu.wait_dma2 semaphore(%run_scoped3A : memref<!tpu.dma_semaphore, #tpu.memory_space<semaphore_mem>>) src(%dma_wait3A_44 : memref<80xi32, #tpu.memory_space<hbm>>) dst(%arg11 : memref<80xi32, #tpu.memory_space<vmem>>)
          tpu.yield
        }) : () -> ()
        %dma_start3A = arith.constant 0 : i32
        %dma_start3A_27 = arith.constant 0 : i32
        %dma_start3A_28 = tpu.memref_slice %arg3[%dma_start3A, %dma_start3A_27] : memref<161280x128xf32, #tpu.memory_space<hbm>> -> memref<161280x128xf32, #tpu.memory_space<hbm>>
        tpu.enqueue_indirect_dma source(%dma_start3A_28 : memref<161280x128xf32, #tpu.memory_space<hbm>>) target(%arg12 : memref<80x128xf32, #tpu.memory_space<vmem>>) offsets(%arg10 : memref<80xi32, #tpu.memory_space<vmem>>) semaphore(%arg16 : memref<!tpu.dma_semaphore, #tpu.memory_space<semaphore_mem>>)
        %add3A_29 = arith.constant 80 : i32
        %add3A_30 = arith.addi %add3A, %add3A_29 : i32
        "tpu.region"() ({
          %run_scoped3A = tpu.sem_alloc : memref<!tpu.dma_semaphore, #tpu.memory_space<semaphore_mem>>
          %dma_start3A_41 = tpu.memref_slice %arg4[%add3A_30] : memref<161280xi32, #tpu.memory_space<hbm>> -> memref<80xi32, #tpu.memory_space<hbm>>
          %dma_start3A_42 = tpu.memref_slice %arg4[%add3A_30] : memref<161280xi32, #tpu.memory_space<hbm>> -> memref<80xi32, #tpu.memory_space<hbm>>
          tpu.enqueue_dma source(%dma_start3A_42 : memref<80xi32, #tpu.memory_space<hbm>>) target(%arg13 : memref<80xi32, #tpu.memory_space<vmem>>) target_semaphore(%run_scoped3A : memref<!tpu.dma_semaphore, #tpu.memory_space<semaphore_mem>>)
          %dma_wait3A_43 = tpu.memref_slice %arg4[%add3A_30] : memref<161280xi32, #tpu.memory_space<hbm>> -> memref<80xi32, #tpu.memory_space<hbm>>
          %dma_wait3A_44 = tpu.memref_slice %arg4[%add3A_30] : memref<161280xi32, #tpu.memory_space<hbm>> -> memref<80xi32, #tpu.memory_space<hbm>>
          tpu.wait_dma2 semaphore(%run_scoped3A : memref<!tpu.dma_semaphore, #tpu.memory_space<semaphore_mem>>) src(%dma_wait3A_44 : memref<80xi32, #tpu.memory_space<hbm>>) dst(%arg13 : memref<80xi32, #tpu.memory_space<vmem>>)
          tpu.yield
        }) : () -> ()
        %add3A_31 = arith.constant 80 : i32
        %add3A_32 = arith.addi %add3A, %add3A_31 : i32
        "tpu.region"() ({
          %run_scoped3A = tpu.sem_alloc : memref<!tpu.dma_semaphore, #tpu.memory_space<semaphore_mem>>
          %dma_start3A_41 = tpu.memref_slice %arg5[%add3A_32] : memref<161280xi32, #tpu.memory_space<hbm>> -> memref<80xi32, #tpu.memory_space<hbm>>
          %dma_start3A_42 = tpu.memref_slice %arg5[%add3A_32] : memref<161280xi32, #tpu.memory_space<hbm>> -> memref<80xi32, #tpu.memory_space<hbm>>
          tpu.enqueue_dma source(%dma_start3A_42 : memref<80xi32, #tpu.memory_space<hbm>>) target(%arg14 : memref<80xi32, #tpu.memory_space<vmem>>) target_semaphore(%run_scoped3A : memref<!tpu.dma_semaphore, #tpu.memory_space<semaphore_mem>>)
          %dma_wait3A_43 = tpu.memref_slice %arg5[%add3A_32] : memref<161280xi32, #tpu.memory_space<hbm>> -> memref<80xi32, #tpu.memory_space<hbm>>
          %dma_wait3A_44 = tpu.memref_slice %arg5[%add3A_32] : memref<161280xi32, #tpu.memory_space<hbm>> -> memref<80xi32, #tpu.memory_space<hbm>>
          tpu.wait_dma2 semaphore(%run_scoped3A : memref<!tpu.dma_semaphore, #tpu.memory_space<semaphore_mem>>) src(%dma_wait3A_44 : memref<80xi32, #tpu.memory_space<hbm>>) dst(%arg14 : memref<80xi32, #tpu.memory_space<vmem>>)
          tpu.yield
        }) : () -> ()
        %dma_start3A_33 = arith.constant 0 : i32
        %dma_start3A_34 = arith.constant 0 : i32
        %dma_start3A_35 = tpu.memref_slice %arg3[%dma_start3A_33, %dma_start3A_34] : memref<161280x128xf32, #tpu.memory_space<hbm>> -> memref<161280x128xf32, #tpu.memory_space<hbm>>
        tpu.enqueue_indirect_dma source(%dma_start3A_35 : memref<161280x128xf32, #tpu.memory_space<hbm>>) target(%arg15 : memref<80x128xf32, #tpu.memory_space<vmem>>) offsets(%arg13 : memref<80xi32, #tpu.memory_space<vmem>>) semaphore(%arg17 : memref<!tpu.dma_semaphore, #tpu.memory_space<semaphore_mem>>)
        %dma_wait3A = arith.constant 0 : i32
        %dma_wait3A_36 = arith.constant 0 : i32
        %dma_wait3A_37 = tpu.memref_slice %arg3[%dma_wait3A, %dma_wait3A_36] : memref<161280x128xf32, #tpu.memory_space<hbm>> -> memref<161280x128xf32, #tpu.memory_space<hbm>>
        tpu.wait_indirect_dma semaphore(%arg16 : memref<!tpu.dma_semaphore, #tpu.memory_space<semaphore_mem>>) src(%dma_wait3A_37 : memref<161280x128xf32, #tpu.memory_space<hbm>>) dst(%arg12 : memref<80x128xf32, #tpu.memory_space<vmem>>)
        "tpu.region"() ({
          %run_scoped3A = tpu.sem_alloc : memref<!tpu.dma_semaphore, #tpu.memory_space<semaphore_mem>>
          %dma_start3A_41 = arith.constant 0 : i32
          %dma_start3A_42 = arith.constant 0 : i32
          %dma_start3A_43 = tpu.memref_slice %arg9[%dma_start3A_41, %dma_start3A_42] : memref<10240x128xf32, #tpu.memory_space<vmem_shared>> -> memref<10240x128xf32, #tpu.memory_space<vmem_shared>>
          tpu.enqueue_indirect_dma source(%arg12 : memref<80x128xf32, #tpu.memory_space<vmem>>) target(%dma_start3A_43 : memref<10240x128xf32, #tpu.memory_space<vmem_shared>>) offsets(%arg11 : memref<80xi32, #tpu.memory_space<vmem>>) semaphore(%run_scoped3A : memref<!tpu.dma_semaphore, #tpu.memory_space<semaphore_mem>>) {add = true}
          %dma_wait3A_44 = arith.constant 0 : i32
          %dma_wait3A_45 = arith.constant 0 : i32
          %dma_wait3A_46 = tpu.memref_slice %arg9[%dma_wait3A_44, %dma_wait3A_45] : memref<10240x128xf32, #tpu.memory_space<vmem_shared>> -> memref<10240x128xf32, #tpu.memory_space<vmem_shared>>
          tpu.wait_indirect_dma semaphore(%run_scoped3A : memref<!tpu.dma_semaphore, #tpu.memory_space<semaphore_mem>>) src(%arg12 : memref<80x128xf32, #tpu.memory_space<vmem>>) dst(%dma_wait3A_46 : memref<10240x128xf32, #tpu.memory_space<vmem_shared>>)
          tpu.yield
        }) : () -> ()
        %dma_wait3A_38 = arith.constant 0 : i32
        %dma_wait3A_39 = arith.constant 0 : i32
        %dma_wait3A_40 = tpu.memref_slice %arg3[%dma_wait3A_38, %dma_wait3A_39] : memref<161280x128xf32, #tpu.memory_space<hbm>> -> memref<161280x128xf32, #tpu.memory_space<hbm>>
        tpu.wait_indirect_dma semaphore(%arg17 : memref<!tpu.dma_semaphore, #tpu.memory_space<semaphore_mem>>) src(%dma_wait3A_40 : memref<161280x128xf32, #tpu.memory_space<hbm>>) dst(%arg15 : memref<80x128xf32, #tpu.memory_space<vmem>>)
        "tpu.region"() ({
          %run_scoped3A = tpu.sem_alloc : memref<!tpu.dma_semaphore, #tpu.memory_space<semaphore_mem>>
          %dma_start3A_41 = arith.constant 0 : i32
          %dma_start3A_42 = arith.constant 0 : i32
          %dma_start3A_43 = tpu.memref_slice %arg9[%dma_start3A_41, %dma_start3A_42] : memref<10240x128xf32, #tpu.memory_space<vmem_shared>> -> memref<10240x128xf32, #tpu.memory_space<vmem_shared>>
          tpu.enqueue_indirect_dma source(%arg15 : memref<80x128xf32, #tpu.memory_space<vmem>>) target(%dma_start3A_43 : memref<10240x128xf32, #tpu.memory_space<vmem_shared>>) offsets(%arg14 : memref<80xi32, #tpu.memory_space<vmem>>) semaphore(%run_scoped3A : memref<!tpu.dma_semaphore, #tpu.memory_space<semaphore_mem>>) {add = true}
          %dma_wait3A_44 = arith.constant 0 : i32
          %dma_wait3A_45 = arith.constant 0 : i32
          %dma_wait3A_46 = tpu.memref_slice %arg9[%dma_wait3A_44, %dma_wait3A_45] : memref<10240x128xf32, #tpu.memory_space<vmem_shared>> -> memref<10240x128xf32, #tpu.memory_space<vmem_shared>>
          tpu.wait_indirect_dma semaphore(%run_scoped3A : memref<!tpu.dma_semaphore, #tpu.memory_space<semaphore_mem>>) src(%arg15 : memref<80x128xf32, #tpu.memory_space<vmem>>) dst(%dma_wait3A_46 : memref<10240x128xf32, #tpu.memory_space<vmem_shared>>)
          tpu.yield
        }) : () -> ()
      }
      %scan3A_14 = arith.constant 63 : i32
      %barrier3A_15 = arith.constant 0 : index
      tpu.barrier barrier_id(%barrier3A_15)
      %mul3A_16 = arith.constant 640 : i32
      %mul3A_17 = arith.muli %arg1, %mul3A_16 : i32
      %mul3A_18 = arith.constant 640 : i32
      %mul3A_19 = arith.muli %arg1, %mul3A_18 : i32
      "tpu.region"() ({
        %run_scoped3A = tpu.sem_alloc : memref<!tpu.dma_semaphore, #tpu.memory_space<semaphore_mem>>
        %dma_start3A = arith.constant 0 : i32
        %dma_start3A_20 = tpu.memref_slice %arg8[%mul3A_19, %dma_start3A] : memref<10240x128xf32, #tpu.memory_space<hbm>> -> memref<640x128xf32, #tpu.memory_space<hbm>>
        %dma_start3A_21 = arith.constant 0 : i32
        %dma_start3A_22 = tpu.memref_slice %arg9[%mul3A_17, %dma_start3A_21] : memref<10240x128xf32, #tpu.memory_space<vmem_shared>> -> memref<640x128xf32, #tpu.memory_space<vmem_shared>>
        tpu.enqueue_dma source(%dma_start3A_22 : memref<640x128xf32, #tpu.memory_space<vmem_shared>>) target(%dma_start3A_20 : memref<640x128xf32, #tpu.memory_space<hbm>>) target_semaphore(%run_scoped3A : memref<!tpu.dma_semaphore, #tpu.memory_space<semaphore_mem>>)
        %dma_wait3A = arith.constant 0 : i32
        %dma_wait3A_23 = tpu.memref_slice %arg8[%mul3A_19, %dma_wait3A] : memref<10240x128xf32, #tpu.memory_space<hbm>> -> memref<640x128xf32, #tpu.memory_space<hbm>>
        %dma_wait3A_24 = arith.constant 0 : i32
        %dma_wait3A_25 = tpu.memref_slice %arg9[%mul3A_17, %dma_wait3A_24] : memref<10240x128xf32, #tpu.memory_space<vmem_shared>> -> memref<640x128xf32, #tpu.memory_space<vmem_shared>>
        tpu.wait_dma2 semaphore(%run_scoped3A : memref<!tpu.dma_semaphore, #tpu.memory_space<semaphore_mem>>) src(%dma_wait3A_25 : memref<640x128xf32, #tpu.memory_space<vmem_shared>>) dst(%dma_wait3A_23 : memref<640x128xf32, #tpu.memory_space<hbm>>)
        tpu.yield
      }) : () -> ()
    } else {
    }
    return
  }
}

#map = affine_map<(d0, d1) -> (0, 0)>
#map1 = affine_map<(d0, d1) -> (0)>
module attributes {stable_mosaic.version = 14 : i64} {
  func.func @body(%arg0: i32, %arg1: i32, %arg2: memref<161280x128xf32, #tpu.memory_space<hbm>>, %arg3: memref<161280xi32, #tpu.memory_space<hbm>>, %arg4: memref<10240x128xf32, #tpu.memory_space<hbm>>, %arg5: memref<10240x128xf32, #tpu.memory_space<hbm>>, %arg6: memref<10240x128xf32, #tpu.memory_space<hbm>>, %arg7: memref<10240x128xf32, #tpu.memory_space<vmem_shared>>, %arg8: memref<80xi32, #tpu.memory_space<vmem>>, %arg9: memref<80x128xf32, #tpu.memory_space<vmem>>, %arg10: memref<80xi32, #tpu.memory_space<vmem>>, %arg11: memref<80x128xf32, #tpu.memory_space<vmem>>, %arg12: memref<!tpu.dma_semaphore, #tpu.memory_space<semaphore_mem>>, %arg13: memref<!tpu.dma_semaphore, #tpu.memory_space<semaphore_mem>>) attributes {dimension_semantics = [#tpu.dimension_semantics<core_parallel>, #tpu.dimension_semantics<subcore_parallel>], iteration_bounds = array<i64: 2, 16>, scalar_prefetch = 0 : i64, scratch_operands = 7 : i64, tpu.core_type = #tpu.core_type<sc_vector_subcore>, window_params = [{transform_indices = #map}, {transform_indices = #map1}, {transform_indices = #map}, {transform_indices = #map}, {transform_indices = #map}]} {
    %mul3A = arith.constant 640 : i32
    %mul3A_0 = arith.muli %arg1, %mul3A : i32
    %mul3A_1 = arith.constant 640 : i32
    %mul3A_2 = arith.muli %arg1, %mul3A_1 : i32
    "tpu.region"() ({
      %run_scoped3A = tpu.sem_alloc : memref<!tpu.dma_semaphore, #tpu.memory_space<semaphore_mem>>
      %dma_start3A = arith.constant 0 : i32
      %dma_start3A_22 = tpu.memref_slice %arg7[%mul3A_2, %dma_start3A] : memref<10240x128xf32, #tpu.memory_space<vmem_shared>> -> memref<640x128xf32, #tpu.memory_space<vmem_shared>>
      %dma_start3A_23 = arith.constant 0 : i32
      %dma_start3A_24 = tpu.memref_slice %arg4[%mul3A_0, %dma_start3A_23] : memref<10240x128xf32, #tpu.memory_space<hbm>> -> memref<640x128xf32, #tpu.memory_space<hbm>>
      tpu.enqueue_dma source(%dma_start3A_24 : memref<640x128xf32, #tpu.memory_space<hbm>>) target(%dma_start3A_22 : memref<640x128xf32, #tpu.memory_space<vmem_shared>>) target_semaphore(%run_scoped3A : memref<!tpu.dma_semaphore, #tpu.memory_space<semaphore_mem>>)
      %dma_wait3A = arith.constant 0 : i32
      %dma_wait3A_25 = tpu.memref_slice %arg7[%mul3A_2, %dma_wait3A] : memref<10240x128xf32, #tpu.memory_space<vmem_shared>> -> memref<640x128xf32, #tpu.memory_space<vmem_shared>>
      %dma_wait3A_26 = arith.constant 0 : i32
      %dma_wait3A_27 = tpu.memref_slice %arg4[%mul3A_0, %dma_wait3A_26] : memref<10240x128xf32, #tpu.memory_space<hbm>> -> memref<640x128xf32, #tpu.memory_space<hbm>>
      tpu.wait_dma2 semaphore(%run_scoped3A : memref<!tpu.dma_semaphore, #tpu.memory_space<semaphore_mem>>) src(%dma_wait3A_27 : memref<640x128xf32, #tpu.memory_space<hbm>>) dst(%dma_wait3A_25 : memref<640x128xf32, #tpu.memory_space<vmem_shared>>)
      tpu.yield
    }) : () -> ()
    %barrier3A = arith.constant 0 : index
    tpu.barrier barrier_id(%barrier3A)
    %mul3A_3 = arith.constant 80640 : i32
    %mul3A_4 = arith.muli %arg0, %mul3A_3 : i32
    %mul3A_5 = arith.constant 5040 : i32
    %mul3A_6 = arith.muli %arg1, %mul3A_5 : i32
    %add3A = arith.addi %mul3A_4, %mul3A_6 : i32
    %scan3A = arith.constant 0 : i32
    %scan3A_7 = arith.constant 0 : i32
    %scan3A_8 = arith.constant 31 : i32
    %scan3A_9 = arith.addi %scan3A_7, %scan3A_8 : i32
    %scan3A_10 = arith.constant 1 : i32
    scf.for %scan3A_22 = %scan3A_7 to %scan3A_9 step %scan3A_10  : i32 {
      %mul3A_23 = arith.constant 2 : i32
      %mul3A_24 = arith.muli %mul3A_23, %scan3A_22 : i32
      %mul3A_25 = arith.constant 80 : i32
      %mul3A_26 = arith.muli %mul3A_24, %mul3A_25 : i32
      %add3A_27 = arith.addi %add3A, %mul3A_26 : i32
      "tpu.region"() ({
        %run_scoped3A = tpu.sem_alloc : memref<!tpu.dma_semaphore, #tpu.memory_space<semaphore_mem>>
        %dma_start3A_46 = tpu.memref_slice %arg3[%add3A_27] : memref<161280xi32, #tpu.memory_space<hbm>> -> memref<80xi32, #tpu.memory_space<hbm>>
        %dma_start3A_47 = tpu.memref_slice %arg3[%add3A_27] : memref<161280xi32, #tpu.memory_space<hbm>> -> memref<80xi32, #tpu.memory_space<hbm>>
        tpu.enqueue_dma source(%dma_start3A_47 : memref<80xi32, #tpu.memory_space<hbm>>) target(%arg8 : memref<80xi32, #tpu.memory_space<vmem>>) target_semaphore(%run_scoped3A : memref<!tpu.dma_semaphore, #tpu.memory_space<semaphore_mem>>)
        %dma_wait3A_48 = tpu.memref_slice %arg3[%add3A_27] : memref<161280xi32, #tpu.memory_space<hbm>> -> memref<80xi32, #tpu.memory_space<hbm>>
        %dma_wait3A_49 = tpu.memref_slice %arg3[%add3A_27] : memref<161280xi32, #tpu.memory_space<hbm>> -> memref<80xi32, #tpu.memory_space<hbm>>
        tpu.wait_dma2 semaphore(%run_scoped3A : memref<!tpu.dma_semaphore, #tpu.memory_space<semaphore_mem>>) src(%dma_wait3A_49 : memref<80xi32, #tpu.memory_space<hbm>>) dst(%arg8 : memref<80xi32, #tpu.memory_space<vmem>>)
        tpu.yield
      }) : () -> ()
      %dma_start3A = arith.constant 0 : i32
      %dma_start3A_28 = tpu.memref_slice %arg2[%add3A_27, %dma_start3A] : memref<161280x128xf32, #tpu.memory_space<hbm>> -> memref<80x128xf32, #tpu.memory_space<hbm>>
      %dma_start3A_29 = arith.constant 0 : i32
      %dma_start3A_30 = tpu.memref_slice %arg2[%add3A_27, %dma_start3A_29] : memref<161280x128xf32, #tpu.memory_space<hbm>> -> memref<80x128xf32, #tpu.memory_space<hbm>>
      tpu.enqueue_dma source(%dma_start3A_30 : memref<80x128xf32, #tpu.memory_space<hbm>>) target(%arg9 : memref<80x128xf32, #tpu.memory_space<vmem>>) target_semaphore(%arg12 : memref<!tpu.dma_semaphore, #tpu.memory_space<semaphore_mem>>)
      %add3A_31 = arith.constant 80 : i32
      %add3A_32 = arith.addi %add3A_27, %add3A_31 : i32
      "tpu.region"() ({
        %run_scoped3A = tpu.sem_alloc : memref<!tpu.dma_semaphore, #tpu.memory_space<semaphore_mem>>
        %dma_start3A_46 = tpu.memref_slice %arg3[%add3A_32] : memref<161280xi32, #tpu.memory_space<hbm>> -> memref<80xi32, #tpu.memory_space<hbm>>
        %dma_start3A_47 = tpu.memref_slice %arg3[%add3A_32] : memref<161280xi32, #tpu.memory_space<hbm>> -> memref<80xi32, #tpu.memory_space<hbm>>
        tpu.enqueue_dma source(%dma_start3A_47 : memref<80xi32, #tpu.memory_space<hbm>>) target(%arg10 : memref<80xi32, #tpu.memory_space<vmem>>) target_semaphore(%run_scoped3A : memref<!tpu.dma_semaphore, #tpu.memory_space<semaphore_mem>>)
        %dma_wait3A_48 = tpu.memref_slice %arg3[%add3A_32] : memref<161280xi32, #tpu.memory_space<hbm>> -> memref<80xi32, #tpu.memory_space<hbm>>
        %dma_wait3A_49 = tpu.memref_slice %arg3[%add3A_32] : memref<161280xi32, #tpu.memory_space<hbm>> -> memref<80xi32, #tpu.memory_space<hbm>>
        tpu.wait_dma2 semaphore(%run_scoped3A : memref<!tpu.dma_semaphore, #tpu.memory_space<semaphore_mem>>) src(%dma_wait3A_49 : memref<80xi32, #tpu.memory_space<hbm>>) dst(%arg10 : memref<80xi32, #tpu.memory_space<vmem>>)
        tpu.yield
      }) : () -> ()
      %add3A_33 = arith.constant 80 : i32
      %add3A_34 = arith.addi %add3A_27, %add3A_33 : i32
      %dma_start3A_35 = arith.constant 0 : i32
      %dma_start3A_36 = tpu.memref_slice %arg2[%add3A_34, %dma_start3A_35] : memref<161280x128xf32, #tpu.memory_space<hbm>> -> memref<80x128xf32, #tpu.memory_space<hbm>>
      %dma_start3A_37 = arith.constant 0 : i32
      %dma_start3A_38 = tpu.memref_slice %arg2[%add3A_34, %dma_start3A_37] : memref<161280x128xf32, #tpu.memory_space<hbm>> -> memref<80x128xf32, #tpu.memory_space<hbm>>
      tpu.enqueue_dma source(%dma_start3A_38 : memref<80x128xf32, #tpu.memory_space<hbm>>) target(%arg11 : memref<80x128xf32, #tpu.memory_space<vmem>>) target_semaphore(%arg13 : memref<!tpu.dma_semaphore, #tpu.memory_space<semaphore_mem>>)
      %dma_wait3A = arith.constant 0 : i32
      %dma_wait3A_39 = tpu.memref_slice %arg2[%add3A_27, %dma_wait3A] : memref<161280x128xf32, #tpu.memory_space<hbm>> -> memref<80x128xf32, #tpu.memory_space<hbm>>
      %dma_wait3A_40 = arith.constant 0 : i32
      %dma_wait3A_41 = tpu.memref_slice %arg2[%add3A_27, %dma_wait3A_40] : memref<161280x128xf32, #tpu.memory_space<hbm>> -> memref<80x128xf32, #tpu.memory_space<hbm>>
      tpu.wait_dma2 semaphore(%arg12 : memref<!tpu.dma_semaphore, #tpu.memory_space<semaphore_mem>>) src(%dma_wait3A_41 : memref<80x128xf32, #tpu.memory_space<hbm>>) dst(%arg9 : memref<80x128xf32, #tpu.memory_space<vmem>>)
      "tpu.region"() ({
        %run_scoped3A = tpu.sem_alloc : memref<!tpu.dma_semaphore, #tpu.memory_space<semaphore_mem>>
        %dma_start3A_46 = arith.constant 0 : i32
        %dma_start3A_47 = arith.constant 0 : i32
        %dma_start3A_48 = tpu.memref_slice %arg7[%dma_start3A_46, %dma_start3A_47] : memref<10240x128xf32, #tpu.memory_space<vmem_shared>> -> memref<10240x128xf32, #tpu.memory_space<vmem_shared>>
        tpu.enqueue_indirect_dma source(%arg9 : memref<80x128xf32, #tpu.memory_space<vmem>>) target(%dma_start3A_48 : memref<10240x128xf32, #tpu.memory_space<vmem_shared>>) offsets(%arg8 : memref<80xi32, #tpu.memory_space<vmem>>) semaphore(%run_scoped3A : memref<!tpu.dma_semaphore, #tpu.memory_space<semaphore_mem>>) {add = true}
        %dma_wait3A_49 = arith.constant 0 : i32
        %dma_wait3A_50 = arith.constant 0 : i32
        %dma_wait3A_51 = tpu.memref_slice %arg7[%dma_wait3A_49, %dma_wait3A_50] : memref<10240x128xf32, #tpu.memory_space<vmem_shared>> -> memref<10240x128xf32, #tpu.memory_space<vmem_shared>>
        tpu.wait_indirect_dma semaphore(%run_scoped3A : memref<!tpu.dma_semaphore, #tpu.memory_space<semaphore_mem>>) src(%arg9 : memref<80x128xf32, #tpu.memory_space<vmem>>) dst(%dma_wait3A_51 : memref<10240x128xf32, #tpu.memory_space<vmem_shared>>)
        tpu.yield
      }) : () -> ()
      %dma_wait3A_42 = arith.constant 0 : i32
      %dma_wait3A_43 = tpu.memref_slice %arg2[%add3A_34, %dma_wait3A_42] : memref<161280x128xf32, #tpu.memory_space<hbm>> -> memref<80x128xf32, #tpu.memory_space<hbm>>
      %dma_wait3A_44 = arith.constant 0 : i32
      %dma_wait3A_45 = tpu.memref_slice %arg2[%add3A_34, %dma_wait3A_44] : memref<161280x128xf32, #tpu.memory_space<hbm>> -> memref<80x128xf32, #tpu.memory_space<hbm>>
      tpu.wait_dma2 semaphore(%arg13 : memref<!tpu.dma_semaphore, #tpu.memory_space<semaphore_mem>>) src(%dma_wait3A_45 : memref<80x128xf32, #tpu.memory_space<hbm>>) dst(%arg11 : memref<80x128xf32, #tpu.memory_space<vmem>>)
      "tpu.region"() ({
        %run_scoped3A = tpu.sem_alloc : memref<!tpu.dma_semaphore, #tpu.memory_space<semaphore_mem>>
        %dma_start3A_46 = arith.constant 0 : i32
        %dma_start3A_47 = arith.constant 0 : i32
        %dma_start3A_48 = tpu.memref_slice %arg7[%dma_start3A_46, %dma_start3A_47] : memref<10240x128xf32, #tpu.memory_space<vmem_shared>> -> memref<10240x128xf32, #tpu.memory_space<vmem_shared>>
        tpu.enqueue_indirect_dma source(%arg11 : memref<80x128xf32, #tpu.memory_space<vmem>>) target(%dma_start3A_48 : memref<10240x128xf32, #tpu.memory_space<vmem_shared>>) offsets(%arg10 : memref<80xi32, #tpu.memory_space<vmem>>) semaphore(%run_scoped3A : memref<!tpu.dma_semaphore, #tpu.memory_space<semaphore_mem>>) {add = true}
        %dma_wait3A_49 = arith.constant 0 : i32
        %dma_wait3A_50 = arith.constant 0 : i32
        %dma_wait3A_51 = tpu.memref_slice %arg7[%dma_wait3A_49, %dma_wait3A_50] : memref<10240x128xf32, #tpu.memory_space<vmem_shared>> -> memref<10240x128xf32, #tpu.memory_space<vmem_shared>>
        tpu.wait_indirect_dma semaphore(%run_scoped3A : memref<!tpu.dma_semaphore, #tpu.memory_space<semaphore_mem>>) src(%arg11 : memref<80x128xf32, #tpu.memory_space<vmem>>) dst(%dma_wait3A_51 : memref<10240x128xf32, #tpu.memory_space<vmem_shared>>)
        tpu.yield
      }) : () -> ()
    }
    %scan3A_11 = arith.constant 31 : i32
    %add3A_12 = arith.constant 4960 : i32
    %add3A_13 = arith.addi %add3A, %add3A_12 : i32
    "tpu.region"() ({
      %run_scoped3A = tpu.sem_alloc : memref<!tpu.dma_semaphore, #tpu.memory_space<semaphore_mem>>
      %dma_start3A = tpu.memref_slice %arg3[%add3A_13] : memref<161280xi32, #tpu.memory_space<hbm>> -> memref<80xi32, #tpu.memory_space<hbm>>
      %dma_start3A_22 = tpu.memref_slice %arg3[%add3A_13] : memref<161280xi32, #tpu.memory_space<hbm>> -> memref<80xi32, #tpu.memory_space<hbm>>
      tpu.enqueue_dma source(%dma_start3A_22 : memref<80xi32, #tpu.memory_space<hbm>>) target(%arg8 : memref<80xi32, #tpu.memory_space<vmem>>) target_semaphore(%run_scoped3A : memref<!tpu.dma_semaphore, #tpu.memory_space<semaphore_mem>>)
      %dma_wait3A = tpu.memref_slice %arg3[%add3A_13] : memref<161280xi32, #tpu.memory_space<hbm>> -> memref<80xi32, #tpu.memory_space<hbm>>
      %dma_wait3A_23 = tpu.memref_slice %arg3[%add3A_13] : memref<161280xi32, #tpu.memory_space<hbm>> -> memref<80xi32, #tpu.memory_space<hbm>>
      tpu.wait_dma2 semaphore(%run_scoped3A : memref<!tpu.dma_semaphore, #tpu.memory_space<semaphore_mem>>) src(%dma_wait3A_23 : memref<80xi32, #tpu.memory_space<hbm>>) dst(%arg8 : memref<80xi32, #tpu.memory_space<vmem>>)
      tpu.yield
    }) : () -> ()
    "tpu.region"() ({
      %run_scoped3A = tpu.sem_alloc : memref<!tpu.dma_semaphore, #tpu.memory_space<semaphore_mem>>
      %dma_start3A = arith.constant 0 : i32
      %dma_start3A_22 = tpu.memref_slice %arg2[%add3A_13, %dma_start3A] : memref<161280x128xf32, #tpu.memory_space<hbm>> -> memref<80x128xf32, #tpu.memory_space<hbm>>
      %dma_start3A_23 = arith.constant 0 : i32
      %dma_start3A_24 = tpu.memref_slice %arg2[%add3A_13, %dma_start3A_23] : memref<161280x128xf32, #tpu.memory_space<hbm>> -> memref<80x128xf32, #tpu.memory_space<hbm>>
      tpu.enqueue_dma source(%dma_start3A_24 : memref<80x128xf32, #tpu.memory_space<hbm>>) target(%arg9 : memref<80x128xf32, #tpu.memory_space<vmem>>) target_semaphore(%run_scoped3A : memref<!tpu.dma_semaphore, #tpu.memory_space<semaphore_mem>>)
      %dma_wait3A = arith.constant 0 : i32
      %dma_wait3A_25 = tpu.memref_slice %arg2[%add3A_13, %dma_wait3A] : memref<161280x128xf32, #tpu.memory_space<hbm>> -> memref<80x128xf32, #tpu.memory_space<hbm>>
      %dma_wait3A_26 = arith.constant 0 : i32
      %dma_wait3A_27 = tpu.memref_slice %arg2[%add3A_13, %dma_wait3A_26] : memref<161280x128xf32, #tpu.memory_space<hbm>> -> memref<80x128xf32, #tpu.memory_space<hbm>>
      tpu.wait_dma2 semaphore(%run_scoped3A : memref<!tpu.dma_semaphore, #tpu.memory_space<semaphore_mem>>) src(%dma_wait3A_27 : memref<80x128xf32, #tpu.memory_space<hbm>>) dst(%arg9 : memref<80x128xf32, #tpu.memory_space<vmem>>)
      tpu.yield
    }) : () -> ()
    "tpu.region"() ({
      %run_scoped3A = tpu.sem_alloc : memref<!tpu.dma_semaphore, #tpu.memory_space<semaphore_mem>>
      %dma_start3A = arith.constant 0 : i32
      %dma_start3A_22 = arith.constant 0 : i32
      %dma_start3A_23 = tpu.memref_slice %arg7[%dma_start3A, %dma_start3A_22] : memref<10240x128xf32, #tpu.memory_space<vmem_shared>> -> memref<10240x128xf32, #tpu.memory_space<vmem_shared>>
      tpu.enqueue_indirect_dma source(%arg9 : memref<80x128xf32, #tpu.memory_space<vmem>>) target(%dma_start3A_23 : memref<10240x128xf32, #tpu.memory_space<vmem_shared>>) offsets(%arg8 : memref<80xi32, #tpu.memory_space<vmem>>) semaphore(%run_scoped3A : memref<!tpu.dma_semaphore, #tpu.memory_space<semaphore_mem>>) {add = true}
      %dma_wait3A = arith.constant 0 : i32
      %dma_wait3A_24 = arith.constant 0 : i32
      %dma_wait3A_25 = tpu.memref_slice %arg7[%dma_wait3A, %dma_wait3A_24] : memref<10240x128xf32, #tpu.memory_space<vmem_shared>> -> memref<10240x128xf32, #tpu.memory_space<vmem_shared>>
      tpu.wait_indirect_dma semaphore(%run_scoped3A : memref<!tpu.dma_semaphore, #tpu.memory_space<semaphore_mem>>) src(%arg9 : memref<80x128xf32, #tpu.memory_space<vmem>>) dst(%dma_wait3A_25 : memref<10240x128xf32, #tpu.memory_space<vmem_shared>>)
      tpu.yield
    }) : () -> ()
    %barrier3A_14 = arith.constant 0 : index
    tpu.barrier barrier_id(%barrier3A_14)
    %eq3A = arith.constant 0 : i32
    %eq3A_15 = arith.cmpi eq, %arg0, %eq3A : i32
    %convert_element_type3A = arith.extui %eq3A_15 : i1 to i32
    %cond3A = arith.constant 0 : i32
    %cond3A_16 = arith.cmpi ne, %convert_element_type3A, %cond3A : i32
    scf.if %cond3A_16 {
      %mul3A_22 = arith.constant 640 : i32
      %mul3A_23 = arith.muli %arg1, %mul3A_22 : i32
      %mul3A_24 = arith.constant 640 : i32
      %mul3A_25 = arith.muli %arg1, %mul3A_24 : i32
      "tpu.region"() ({
        %run_scoped3A = tpu.sem_alloc : memref<!tpu.dma_semaphore, #tpu.memory_space<semaphore_mem>>
        %dma_start3A = arith.constant 0 : i32
        %dma_start3A_26 = tpu.memref_slice %arg5[%mul3A_25, %dma_start3A] : memref<10240x128xf32, #tpu.memory_space<hbm>> -> memref<640x128xf32, #tpu.memory_space<hbm>>
        %dma_start3A_27 = arith.constant 0 : i32
        %dma_start3A_28 = tpu.memref_slice %arg7[%mul3A_23, %dma_start3A_27] : memref<10240x128xf32, #tpu.memory_space<vmem_shared>> -> memref<640x128xf32, #tpu.memory_space<vmem_shared>>
        tpu.enqueue_dma source(%dma_start3A_28 : memref<640x128xf32, #tpu.memory_space<vmem_shared>>) target(%dma_start3A_26 : memref<640x128xf32, #tpu.memory_space<hbm>>) target_semaphore(%run_scoped3A : memref<!tpu.dma_semaphore, #tpu.memory_space<semaphore_mem>>)
        %dma_wait3A = arith.constant 0 : i32
        %dma_wait3A_29 = tpu.memref_slice %arg5[%mul3A_25, %dma_wait3A] : memref<10240x128xf32, #tpu.memory_space<hbm>> -> memref<640x128xf32, #tpu.memory_space<hbm>>
        %dma_wait3A_30 = arith.constant 0 : i32
        %dma_wait3A_31 = tpu.memref_slice %arg7[%mul3A_23, %dma_wait3A_30] : memref<10240x128xf32, #tpu.memory_space<vmem_shared>> -> memref<640x128xf32, #tpu.memory_space<vmem_shared>>
        tpu.wait_dma2 semaphore(%run_scoped3A : memref<!tpu.dma_semaphore, #tpu.memory_space<semaphore_mem>>) src(%dma_wait3A_31 : memref<640x128xf32, #tpu.memory_space<vmem_shared>>) dst(%dma_wait3A_29 : memref<640x128xf32, #tpu.memory_space<hbm>>)
        tpu.yield
      }) : () -> ()
    } else {
    }
    %eq3A_17 = arith.constant 1 : i32
    %eq3A_18 = arith.cmpi eq, %arg0, %eq3A_17 : i32
    %convert_element_type3A_19 = arith.extui %eq3A_18 : i1 to i32
    %cond3A_20 = arith.constant 0 : i32
    %cond3A_21 = arith.cmpi ne, %convert_element_type3A_19, %cond3A_20 : i32
    scf.if %cond3A_21 {
      %mul3A_22 = arith.constant 640 : i32
      %mul3A_23 = arith.muli %arg1, %mul3A_22 : i32
      %mul3A_24 = arith.constant 640 : i32
      %mul3A_25 = arith.muli %arg1, %mul3A_24 : i32
      "tpu.region"() ({
        %run_scoped3A = tpu.sem_alloc : memref<!tpu.dma_semaphore, #tpu.memory_space<semaphore_mem>>
        %dma_start3A = arith.constant 0 : i32
        %dma_start3A_26 = tpu.memref_slice %arg6[%mul3A_25, %dma_start3A] : memref<10240x128xf32, #tpu.memory_space<hbm>> -> memref<640x128xf32, #tpu.memory_space<hbm>>
        %dma_start3A_27 = arith.constant 0 : i32
        %dma_start3A_28 = tpu.memref_slice %arg7[%mul3A_23, %dma_start3A_27] : memref<10240x128xf32, #tpu.memory_space<vmem_shared>> -> memref<640x128xf32, #tpu.memory_space<vmem_shared>>
        tpu.enqueue_dma source(%dma_start3A_28 : memref<640x128xf32, #tpu.memory_space<vmem_shared>>) target(%dma_start3A_26 : memref<640x128xf32, #tpu.memory_space<hbm>>) target_semaphore(%run_scoped3A : memref<!tpu.dma_semaphore, #tpu.memory_space<semaphore_mem>>)
        %dma_wait3A = arith.constant 0 : i32
        %dma_wait3A_29 = tpu.memref_slice %arg6[%mul3A_25, %dma_wait3A] : memref<10240x128xf32, #tpu.memory_space<hbm>> -> memref<640x128xf32, #tpu.memory_space<hbm>>
        %dma_wait3A_30 = arith.constant 0 : i32
        %dma_wait3A_31 = tpu.memref_slice %arg7[%mul3A_23, %dma_wait3A_30] : memref<10240x128xf32, #tpu.memory_space<vmem_shared>> -> memref<640x128xf32, #tpu.memory_space<vmem_shared>>
        tpu.wait_dma2 semaphore(%run_scoped3A : memref<!tpu.dma_semaphore, #tpu.memory_space<semaphore_mem>>) src(%dma_wait3A_31 : memref<640x128xf32, #tpu.memory_space<vmem_shared>>) dst(%dma_wait3A_29 : memref<640x128xf32, #tpu.memory_space<hbm>>)
        tpu.yield
      }) : () -> ()
    } else {
    }
    return
  }
}

module attributes {stable_mosaic.version = 14 : i64} {
  func.func @_proj_body(%arg0: i32, %arg1: memref<400x256xf32, #tpu.memory_space<vmem>>, %arg2: memref<256x256xf32, #tpu.memory_space<vmem>>, %arg3: memref<1x256xf32, #tpu.memory_space<vmem>>, %arg4: memref<256x256xf32, #tpu.memory_space<vmem>>, %arg5: memref<1x256xf32, #tpu.memory_space<vmem>>, %arg6: memref<256x256xf32, #tpu.memory_space<vmem>>, %arg7: memref<1x256xf32, #tpu.memory_space<vmem>>, %arg8: memref<256x256xf32, #tpu.memory_space<vmem>>, %arg9: memref<1x256xf32, #tpu.memory_space<vmem>>, %arg10: memref<400x256xf32, #tpu.memory_space<vmem>>, %arg11: memref<400x256xf32, #tpu.memory_space<vmem>>, %arg12: memref<400x256xf32, #tpu.memory_space<vmem>>, %arg13: memref<400x256xf32, #tpu.memory_space<vmem>>) attributes {dimension_semantics = [#tpu.dimension_semantics<arbitrary>], iteration_bounds = array<i64: 25>, scalar_prefetch = 0 : i64, scratch_operands = 0 : i64, tpu.core_type = #tpu.core_type<tc>, window_params = [{transform_indices = @transform_0, window_bounds = array<i64: 400, 256>}, {pipeline_mode = #tpu.pipeline_mode<synchronous>, transform_indices = @transform_1, window_bounds = array<i64: 256, 256>}, {pipeline_mode = #tpu.pipeline_mode<synchronous>, transform_indices = @transform_2, window_bounds = array<i64: 1, 256>}, {pipeline_mode = #tpu.pipeline_mode<synchronous>, transform_indices = @transform_3, window_bounds = array<i64: 256, 256>}, {pipeline_mode = #tpu.pipeline_mode<synchronous>, transform_indices = @transform_4, window_bounds = array<i64: 1, 256>}, {pipeline_mode = #tpu.pipeline_mode<synchronous>, transform_indices = @transform_5, window_bounds = array<i64: 256, 256>}, {pipeline_mode = #tpu.pipeline_mode<synchronous>, transform_indices = @transform_6, window_bounds = array<i64: 1, 256>}, {pipeline_mode = #tpu.pipeline_mode<synchronous>, transform_indices = @transform_7, window_bounds = array<i64: 256, 256>}, {pipeline_mode = #tpu.pipeline_mode<synchronous>, transform_indices = @transform_8, window_bounds = array<i64: 1, 256>}, {transform_indices = @transform_9, window_bounds = array<i64: 400, 256>}, {transform_indices = @transform_10, window_bounds = array<i64: 400, 256>}, {transform_indices = @transform_11, window_bounds = array<i64: 400, 256>}, {transform_indices = @transform_12, window_bounds = array<i64: 400, 256>}]} {
    %get3A = arith.constant 0 : index
    %get3A_0 = arith.constant 0 : index
    %get3A_1 = vector.load %arg1[%get3A, %get3A_0] : memref<400x256xf32, #tpu.memory_space<vmem>>, vector<400x256xf32>
    %get3A_2 = arith.constant 0 : index
    %get3A_3 = arith.constant 0 : index
    %get3A_4 = vector.load %arg2[%get3A_2, %get3A_3] : memref<256x256xf32, #tpu.memory_space<vmem>>, vector<256x256xf32>
    %dot_general3A = arith.constant dense<0.000000e+00> : vector<400x256xf32>
    %dot_general3A_5 = tpu.matmul %get3A_1, %get3A_4, %dot_general3A {dimension_numbers = #tpu.dot_dimension_numbers<[1], [0], [0], [1], [0, 0, 1, 1], [], []>, transpose_lhs_hint = false} : vector<400x256xf32>, vector<256x256xf32>, vector<400x256xf32> -> vector<400x256xf32>
    %get3A_6 = arith.constant 0 : index
    %get3A_7 = arith.constant 0 : index
    %get3A_8 = vector.load %arg3[%get3A_6, %get3A_7] : memref<1x256xf32, #tpu.memory_space<vmem>>, vector<1x256xf32>
    %add3A = vector.broadcast %get3A_8 : vector<1x256xf32> to vector<400x256xf32>
    %add3A_9 = arith.addf %dot_general3A_5, %add3A : vector<400x256xf32>
    %swap3A = arith.constant 0 : index
    %swap3A_10 = arith.constant 0 : index
    %swap3A_11 = vector.load %arg10[%swap3A, %swap3A_10] : memref<400x256xf32, #tpu.memory_space<vmem>>, vector<400x256xf32>
    tpu.vector_store %arg10[%swap3A, %swap3A_10], %add3A_9 {strides = array<i32>} : memref<400x256xf32, #tpu.memory_space<vmem>>, vector<400x256xf32>,
    %get3A_12 = arith.constant 0 : index
    %get3A_13 = arith.constant 0 : index
    %get3A_14 = vector.load %arg4[%get3A_12, %get3A_13] : memref<256x256xf32, #tpu.memory_space<vmem>>, vector<256x256xf32>
    %dot_general3A_15 = arith.constant dense<0.000000e+00> : vector<400x256xf32>
    %dot_general3A_16 = tpu.matmul %get3A_1, %get3A_14, %dot_general3A_15 {dimension_numbers = #tpu.dot_dimension_numbers<[1], [0], [0], [1], [0, 0, 1, 1], [], []>, transpose_lhs_hint = false} : vector<400x256xf32>, vector<256x256xf32>, vector<400x256xf32> -> vector<400x256xf32>
    %get3A_17 = arith.constant 0 : index
    %get3A_18 = arith.constant 0 : index
    %get3A_19 = vector.load %arg5[%get3A_17, %get3A_18] : memref<1x256xf32, #tpu.memory_space<vmem>>, vector<1x256xf32>
    %add3A_20 = vector.broadcast %get3A_19 : vector<1x256xf32> to vector<400x256xf32>
    %add3A_21 = arith.addf %dot_general3A_16, %add3A_20 : vector<400x256xf32>
    %swap3A_22 = arith.constant 0 : index
    %swap3A_23 = arith.constant 0 : index
    %swap3A_24 = vector.load %arg11[%swap3A_22, %swap3A_23] : memref<400x256xf32, #tpu.memory_space<vmem>>, vector<400x256xf32>
    tpu.vector_store %arg11[%swap3A_22, %swap3A_23], %add3A_21 {strides = array<i32>} : memref<400x256xf32, #tpu.memory_space<vmem>>, vector<400x256xf32>,
    %get3A_25 = arith.constant 0 : index
    %get3A_26 = arith.constant 0 : index
    %get3A_27 = vector.load %arg6[%get3A_25, %get3A_26] : memref<256x256xf32, #tpu.memory_space<vmem>>, vector<256x256xf32>
    %dot_general3A_28 = arith.constant dense<0.000000e+00> : vector<400x256xf32>
    %dot_general3A_29 = tpu.matmul %get3A_1, %get3A_27, %dot_general3A_28 {dimension_numbers = #tpu.dot_dimension_numbers<[1], [0], [0], [1], [0, 0, 1, 1], [], []>, transpose_lhs_hint = false} : vector<400x256xf32>, vector<256x256xf32>, vector<400x256xf32> -> vector<400x256xf32>
    %get3A_30 = arith.constant 0 : index
    %get3A_31 = arith.constant 0 : index
    %get3A_32 = vector.load %arg7[%get3A_30, %get3A_31] : memref<1x256xf32, #tpu.memory_space<vmem>>, vector<1x256xf32>
    %add3A_33 = vector.broadcast %get3A_32 : vector<1x256xf32> to vector<400x256xf32>
    %add3A_34 = arith.addf %dot_general3A_29, %add3A_33 : vector<400x256xf32>
    %swap3A_35 = arith.constant 0 : index
    %swap3A_36 = arith.constant 0 : index
    %swap3A_37 = vector.load %arg12[%swap3A_35, %swap3A_36] : memref<400x256xf32, #tpu.memory_space<vmem>>, vector<400x256xf32>
    tpu.vector_store %arg12[%swap3A_35, %swap3A_36], %add3A_34 {strides = array<i32>} : memref<400x256xf32, #tpu.memory_space<vmem>>, vector<400x256xf32>,
    %get3A_38 = arith.constant 0 : index
    %get3A_39 = arith.constant 0 : index
    %get3A_40 = vector.load %arg8[%get3A_38, %get3A_39] : memref<256x256xf32, #tpu.memory_space<vmem>>, vector<256x256xf32>
    %dot_general3A_41 = arith.constant dense<0.000000e+00> : vector<400x256xf32>
    %dot_general3A_42 = tpu.matmul %get3A_1, %get3A_40, %dot_general3A_41 {dimension_numbers = #tpu.dot_dimension_numbers<[1], [0], [0], [1], [0, 0, 1, 1], [], []>, transpose_lhs_hint = false} : vector<400x256xf32>, vector<256x256xf32>, vector<400x256xf32> -> vector<400x256xf32>
    %get3A_43 = arith.constant 0 : index
    %get3A_44 = arith.constant 0 : index
    %get3A_45 = vector.load %arg9[%get3A_43, %get3A_44] : memref<1x256xf32, #tpu.memory_space<vmem>>, vector<1x256xf32>
    %add3A_46 = vector.broadcast %get3A_45 : vector<1x256xf32> to vector<400x256xf32>
    %add3A_47 = arith.addf %dot_general3A_42, %add3A_46 : vector<400x256xf32>
    %swap3A_48 = arith.constant 0 : index
    %swap3A_49 = arith.constant 0 : index
    %swap3A_50 = vector.load %arg13[%swap3A_48, %swap3A_49] : memref<400x256xf32, #tpu.memory_space<vmem>>, vector<400x256xf32>
    tpu.vector_store %arg13[%swap3A_48, %swap3A_49], %add3A_47 {strides = array<i32>} : memref<400x256xf32, #tpu.memory_space<vmem>>, vector<400x256xf32>,
    return
  }
  func.func @transform_0(%arg0: i32) -> (i32, i32) {
    %c0_i32 = arith.constant 0 : i32
    %c0_i32_0 = arith.constant 0 : i32
    return %arg0, %c0_i32 : i32, i32
  }
  func.func @transform_1(%arg0: i32) -> (i32, i32) {
    %c0_i32 = arith.constant 0 : i32
    %c0_i32_0 = arith.constant 0 : i32
    %c0_i32_1 = arith.constant 0 : i32
    return %c0_i32, %c0_i32_0 : i32, i32
  }
  func.func @transform_2(%arg0: i32) -> (i32, i32) {
    %c0_i32 = arith.constant 0 : i32
    %c0_i32_0 = arith.constant 0 : i32
    %c0_i32_1 = arith.constant 0 : i32
    return %c0_i32, %c0_i32_0 : i32, i32
  }
  func.func @transform_3(%arg0: i32) -> (i32, i32) {
    %c0_i32 = arith.constant 0 : i32
    %c0_i32_0 = arith.constant 0 : i32
    %c0_i32_1 = arith.constant 0 : i32
    return %c0_i32, %c0_i32_0 : i32, i32
  }
  func.func @transform_4(%arg0: i32) -> (i32, i32) {
    %c0_i32 = arith.constant 0 : i32
    %c0_i32_0 = arith.constant 0 : i32
    %c0_i32_1 = arith.constant 0 : i32
    return %c0_i32, %c0_i32_0 : i32, i32
  }
  func.func @transform_5(%arg0: i32) -> (i32, i32) {
    %c0_i32 = arith.constant 0 : i32
    %c0_i32_0 = arith.constant 0 : i32
    %c0_i32_1 = arith.constant 0 : i32
    return %c0_i32, %c0_i32_0 : i32, i32
  }
  func.func @transform_6(%arg0: i32) -> (i32, i32) {
    %c0_i32 = arith.constant 0 : i32
    %c0_i32_0 = arith.constant 0 : i32
    %c0_i32_1 = arith.constant 0 : i32
    return %c0_i32, %c0_i32_0 : i32, i32
  }
  func.func @transform_7(%arg0: i32) -> (i32, i32) {
    %c0_i32 = arith.constant 0 : i32
    %c0_i32_0 = arith.constant 0 : i32
    %c0_i32_1 = arith.constant 0 : i32
    return %c0_i32, %c0_i32_0 : i32, i32
  }
  func.func @transform_8(%arg0: i32) -> (i32, i32) {
    %c0_i32 = arith.constant 0 : i32
    %c0_i32_0 = arith.constant 0 : i32
    %c0_i32_1 = arith.constant 0 : i32
    return %c0_i32, %c0_i32_0 : i32, i32
  }
  func.func @transform_9(%arg0: i32) -> (i32, i32) {
    %c0_i32 = arith.constant 0 : i32
    %c0_i32_0 = arith.constant 0 : i32
    return %arg0, %c0_i32 : i32, i32
  }
  func.func @transform_10(%arg0: i32) -> (i32, i32) {
    %c0_i32 = arith.constant 0 : i32
    %c0_i32_0 = arith.constant 0 : i32
    return %arg0, %c0_i32 : i32, i32
  }
  func.func @transform_11(%arg0: i32) -> (i32, i32) {
    %c0_i32 = arith.constant 0 : i32
    %c0_i32_0 = arith.constant 0 : i32
    return %arg0, %c0_i32 : i32, i32
  }
  func.func @transform_12(%arg0: i32) -> (i32, i32) {
    %c0_i32 = arith.constant 0 : i32
    %c0_i32_0 = arith.constant 0 : i32
    return %arg0, %c0_i32 : i32, i32
  }
}

module attributes {stable_mosaic.version = 14 : i64} {
  func.func @_edge_body(%arg0: i32, %arg1: memref<640x256xf32, #tpu.memory_space<vmem>>, %arg2: memref<640x256xf32, #tpu.memory_space<vmem>>, %arg3: memref<640x256xf32, #tpu.memory_space<vmem>>, %arg4: memref<256x256xf32, #tpu.memory_space<vmem>>, %arg5: memref<256x128xf32, #tpu.memory_space<vmem>>, %arg6: memref<640x256xf32, #tpu.memory_space<vmem>>, %arg7: memref<640x128xf32, #tpu.memory_space<vmem>>) attributes {dimension_semantics = [#tpu.dimension_semantics<arbitrary>], iteration_bounds = array<i64: 252>, scalar_prefetch = 0 : i64, scratch_operands = 0 : i64, tpu.core_type = #tpu.core_type<tc>, window_params = [{transform_indices = @transform_0, window_bounds = array<i64: 640, 256>}, {transform_indices = @transform_1, window_bounds = array<i64: 640, 256>}, {transform_indices = @transform_2, window_bounds = array<i64: 640, 256>}, {pipeline_mode = #tpu.pipeline_mode<synchronous>, transform_indices = @transform_3, window_bounds = array<i64: 256, 256>}, {pipeline_mode = #tpu.pipeline_mode<synchronous>, transform_indices = @transform_4, window_bounds = array<i64: 256, 128>}, {transform_indices = @transform_5, window_bounds = array<i64: 640, 256>}, {transform_indices = @transform_6, window_bounds = array<i64: 640, 128>}]} {
    %get3A = arith.constant 0 : index
    %get3A_0 = arith.constant 0 : index
    %get3A_1 = vector.load %arg1[%get3A, %get3A_0] : memref<640x256xf32, #tpu.memory_space<vmem>>, vector<640x256xf32>
    %get3A_2 = arith.constant 0 : index
    %get3A_3 = arith.constant 0 : index
    %get3A_4 = vector.load %arg2[%get3A_2, %get3A_3] : memref<640x256xf32, #tpu.memory_space<vmem>>, vector<640x256xf32>
    %mul3A = arith.mulf %get3A_1, %get3A_4 : vector<640x256xf32>
    %get3A_5 = arith.constant 0 : index
    %get3A_6 = arith.constant 0 : index
    %get3A_7 = vector.load %arg4[%get3A_5, %get3A_6] : memref<256x256xf32, #tpu.memory_space<vmem>>, vector<256x256xf32>
    %dot_general3A = arith.constant dense<0.000000e+00> : vector<640x256xf32>
    %dot_general3A_8 = tpu.matmul %mul3A, %get3A_7, %dot_general3A {dimension_numbers = #tpu.dot_dimension_numbers<[1], [0], [0], [1], [0, 0, 1, 1], [], []>, transpose_lhs_hint = false} : vector<640x256xf32>, vector<256x256xf32>, vector<640x256xf32> -> vector<640x256xf32>
    %mul3A_9 = arith.constant 1.250000e-01 : f32
    %mul3A_10 = vector.broadcast %mul3A_9 : f32 to vector<640x256xf32>
    %mul3A_11 = arith.mulf %dot_general3A_8, %mul3A_10 : vector<640x256xf32>
    %exp3A = math.exp %mul3A_11 : vector<640x256xf32>
    %get3A_12 = arith.constant 0 : index
    %get3A_13 = arith.constant 0 : index
    %get3A_14 = vector.load %arg3[%get3A_12, %get3A_13] : memref<640x256xf32, #tpu.memory_space<vmem>>, vector<640x256xf32>
    %mul3A_15 = arith.mulf %exp3A, %get3A_14 : vector<640x256xf32>
    %swap3A = arith.constant 0 : index
    %swap3A_16 = arith.constant 0 : index
    %swap3A_17 = vector.load %arg6[%swap3A, %swap3A_16] : memref<640x256xf32, #tpu.memory_space<vmem>>, vector<640x256xf32>
    tpu.vector_store %arg6[%swap3A, %swap3A_16], %mul3A_15 {strides = array<i32>} : memref<640x256xf32, #tpu.memory_space<vmem>>, vector<640x256xf32>,
    %get3A_18 = arith.constant 0 : index
    %get3A_19 = arith.constant 0 : index
    %get3A_20 = vector.load %arg5[%get3A_18, %get3A_19] : memref<256x128xf32, #tpu.memory_space<vmem>>, vector<256x128xf32>
    %dot_general3A_21 = arith.constant dense<0.000000e+00> : vector<640x128xf32>
    %dot_general3A_22 = tpu.matmul %exp3A, %get3A_20, %dot_general3A_21 {dimension_numbers = #tpu.dot_dimension_numbers<[1], [0], [0], [1], [0, 0, 1, 1], [], []>, transpose_lhs_hint = false} : vector<640x256xf32>, vector<256x128xf32>, vector<640x128xf32> -> vector<640x128xf32>
    %swap3A_23 = arith.constant 0 : index
    %swap3A_24 = arith.constant 0 : index
    %swap3A_25 = vector.load %arg7[%swap3A_23, %swap3A_24] : memref<640x128xf32, #tpu.memory_space<vmem>>, vector<640x128xf32>
    tpu.vector_store %arg7[%swap3A_23, %swap3A_24], %dot_general3A_22 {strides = array<i32>} : memref<640x128xf32, #tpu.memory_space<vmem>>, vector<640x128xf32>,
    return
  }
  func.func @transform_0(%arg0: i32) -> (i32, i32) {
    %c0_i32 = arith.constant 0 : i32
    %c0_i32_0 = arith.constant 0 : i32
    return %arg0, %c0_i32 : i32, i32
  }
  func.func @transform_1(%arg0: i32) -> (i32, i32) {
    %c0_i32 = arith.constant 0 : i32
    %c0_i32_0 = arith.constant 0 : i32
    return %arg0, %c0_i32 : i32, i32
  }
  func.func @transform_2(%arg0: i32) -> (i32, i32) {
    %c0_i32 = arith.constant 0 : i32
    %c0_i32_0 = arith.constant 0 : i32
    return %arg0, %c0_i32 : i32, i32
  }
  func.func @transform_3(%arg0: i32) -> (i32, i32) {
    %c0_i32 = arith.constant 0 : i32
    %c0_i32_0 = arith.constant 0 : i32
    %c0_i32_1 = arith.constant 0 : i32
    return %c0_i32, %c0_i32_0 : i32, i32
  }
  func.func @transform_4(%arg0: i32) -> (i32, i32) {
    %c0_i32 = arith.constant 0 : i32
    %c0_i32_0 = arith.constant 0 : i32
    %c0_i32_1 = arith.constant 0 : i32
    return %c0_i32, %c0_i32_0 : i32, i32
  }
  func.func @transform_5(%arg0: i32) -> (i32, i32) {
    %c0_i32 = arith.constant 0 : i32
    %c0_i32_0 = arith.constant 0 : i32
    return %arg0, %c0_i32 : i32, i32
  }
  func.func @transform_6(%arg0: i32) -> (i32, i32) {
    %c0_i32 = arith.constant 0 : i32
    %c0_i32_0 = arith.constant 0 : i32
    return %arg0, %c0_i32 : i32, i32
  }
}

module attributes {stable_mosaic.version = 14 : i64} {
  func.func @_fused_body(%arg0: i32, %arg1: memref<400x256xf32, #tpu.memory_space<vmem>>, %arg2: memref<400x256xf32, #tpu.memory_space<vmem>>, %arg3: memref<400x256xf32, #tpu.memory_space<vmem>>, %arg4: memref<400x256xf32, #tpu.memory_space<vmem>>, %arg5: memref<400x256xf32, #tpu.memory_space<vmem>>, %arg6: memref<400x256xf32, #tpu.memory_space<vmem>>, %arg7: memref<1x256xf32, #tpu.memory_space<vmem>>, %arg8: memref<256x512xf32, #tpu.memory_space<vmem>>, %arg9: memref<1x512xf32, #tpu.memory_space<vmem>>, %arg10: memref<512x256xf32, #tpu.memory_space<vmem>>, %arg11: memref<1x256xf32, #tpu.memory_space<vmem>>, %arg12: memref<1x256xf32, #tpu.memory_space<vmem>>, %arg13: memref<1x256xf32, #tpu.memory_space<vmem>>, %arg14: memref<1x256xf32, #tpu.memory_space<vmem>>, %arg15: memref<1x256xf32, #tpu.memory_space<vmem>>, %arg16: memref<256x256xf32, #tpu.memory_space<vmem>>, %arg17: memref<1x256xf32, #tpu.memory_space<vmem>>, %arg18: memref<256x256xf32, #tpu.memory_space<vmem>>, %arg19: memref<1x256xf32, #tpu.memory_space<vmem>>, %arg20: memref<256x256xf32, #tpu.memory_space<vmem>>, %arg21: memref<1x256xf32, #tpu.memory_space<vmem>>, %arg22: memref<256x256xf32, #tpu.memory_space<vmem>>, %arg23: memref<1x256xf32, #tpu.memory_space<vmem>>, %arg24: memref<256x256xf32, #tpu.memory_space<vmem>>, %arg25: memref<1x256xf32, #tpu.memory_space<vmem>>, %arg26: memref<256x256xf32, #tpu.memory_space<vmem>>, %arg27: memref<1x256xf32, #tpu.memory_space<vmem>>, %arg28: memref<1x256xf32, #tpu.memory_space<vmem>>, %arg29: memref<1x256xf32, #tpu.memory_space<vmem>>, %arg30: memref<1x256xf32, #tpu.memory_space<vmem>>, %arg31: memref<1x256xf32, #tpu.memory_space<vmem>>, %arg32: memref<400x256xf32, #tpu.memory_space<vmem>>, %arg33: memref<400x256xf32, #tpu.memory_space<vmem>>) attributes {dimension_semantics = [#tpu.dimension_semantics<arbitrary>], iteration_bounds = array<i64: 25>, scalar_prefetch = 0 : i64, scratch_operands = 0 : i64, tpu.core_type = #tpu.core_type<tc>, window_params = [{transform_indices = @transform_0, window_bounds = array<i64: 400, 256>}, {transform_indices = @transform_1, window_bounds = array<i64: 400, 256>}, {transform_indices = @transform_2, window_bounds = array<i64: 400, 256>}, {transform_indices = @transform_3, window_bounds = array<i64: 400, 256>}, {transform_indices = @transform_4, window_bounds = array<i64: 400, 256>}, {transform_indices = @transform_5, window_bounds = array<i64: 400, 256>}, {pipeline_mode = #tpu.pipeline_mode<synchronous>, transform_indices = @transform_6, window_bounds = array<i64: 1, 256>}, {pipeline_mode = #tpu.pipeline_mode<synchronous>, transform_indices = @transform_7, window_bounds = array<i64: 256, 512>}, {pipeline_mode = #tpu.pipeline_mode<synchronous>, transform_indices = @transform_8, window_bounds = array<i64: 1, 512>}, {pipeline_mode = #tpu.pipeline_mode<synchronous>, transform_indices = @transform_9, window_bounds = array<i64: 512, 256>}, {pipeline_mode = #tpu.pipeline_mode<synchronous>, transform_indices = @transform_10, window_bounds = array<i64: 1, 256>}, {pipeline_mode = #tpu.pipeline_mode<synchronous>, transform_indices = @transform_11, window_bounds = array<i64: 1, 256>}, {pipeline_mode = #tpu.pipeline_mode<synchronous>, transform_indices = @transform_12, window_bounds = array<i64: 1, 256>}, {pipeline_mode = #tpu.pipeline_mode<synchronous>, transform_indices = @transform_13, window_bounds = array<i64: 1, 256>}, {pipeline_mode = #tpu.pipeline_mode<synchronous>, transform_indices = @transform_14, window_bounds = array<i64: 1, 256>}, {pipeline_mode = #tpu.pipeline_mode<synchronous>, transform_indices = @transform_15, window_bounds = array<i64: 256, 256>}, {pipeline_mode = #tpu.pipeline_mode<synchronous>, transform_indices = @transform_16, window_bounds = array<i64: 1, 256>}, {pipeline_mode = #tpu.pipeline_mode<synchronous>, transform_indices = @transform_17, window_bounds = array<i64: 256, 256>}, {pipeline_mode = #tpu.pipeline_mode<synchronous>, transform_indices = @transform_18, window_bounds = array<i64: 1, 256>}, {pipeline_mode = #tpu.pipeline_mode<synchronous>, transform_indices = @transform_19, window_bounds = array<i64: 256, 256>}, {pipeline_mode = #tpu.pipeline_mode<synchronous>, transform_indices = @transform_20, window_bounds = array<i64: 1, 256>}, {pipeline_mode = #tpu.pipeline_mode<synchronous>, transform_indices = @transform_21, window_bounds = array<i64: 256, 256>}, {pipeline_mode = #tpu.pipeline_mode<synchronous>, transform_indices = @transform_22, window_bounds = array<i64: 1, 256>}, {pipeline_mode = #tpu.pipeline_mode<synchronous>, transform_indices = @transform_23, window_bounds = array<i64: 256, 256>}, {pipeline_mode = #tpu.pipeline_mode<synchronous>, transform_indices = @transform_24, window_bounds = array<i64: 1, 256>}, {pipeline_mode = #tpu.pipeline_mode<synchronous>, transform_indices = @transform_25, window_bounds = array<i64: 256, 256>}, {pipeline_mode = #tpu.pipeline_mode<synchronous>, transform_indices = @transform_26, window_bounds = array<i64: 1, 256>}, {pipeline_mode = #tpu.pipeline_mode<synchronous>, transform_indices = @transform_27, window_bounds = array<i64: 1, 256>}, {pipeline_mode = #tpu.pipeline_mode<synchronous>, transform_indices = @transform_28, window_bounds = array<i64: 1, 256>}, {pipeline_mode = #tpu.pipeline_mode<synchronous>, transform_indices = @transform_29, window_bounds = array<i64: 1, 256>}, {pipeline_mode = #tpu.pipeline_mode<synchronous>, transform_indices = @transform_30, window_bounds = array<i64: 1, 256>}, {transform_indices = @transform_31, window_bounds = array<i64: 400, 256>}, {transform_indices = @transform_32, window_bounds = array<i64: 400, 256>}]} {
    %get3A = arith.constant 0 : index
    %get3A_0 = arith.constant 0 : index
    %get3A_1 = vector.load %arg1[%get3A, %get3A_0] : memref<400x256xf32, #tpu.memory_space<vmem>>, vector<400x256xf32>
    %get3A_2 = arith.constant 0 : index
    %get3A_3 = arith.constant 0 : index
    %get3A_4 = vector.load %arg2[%get3A_2, %get3A_3] : memref<400x256xf32, #tpu.memory_space<vmem>>, vector<400x256xf32>
    %get3A_5 = arith.constant 0 : index
    %get3A_6 = arith.constant 0 : index
    %get3A_7 = vector.load %arg7[%get3A_5, %get3A_6] : memref<1x256xf32, #tpu.memory_space<vmem>>, vector<1x256xf32>
    %mul3A = vector.broadcast %get3A_7 : vector<1x256xf32> to vector<400x256xf32>
    %mul3A_8 = arith.mulf %mul3A, %get3A_1 : vector<400x256xf32>
    %get3A_9 = arith.constant 0 : index
    %get3A_10 = arith.constant 0 : index
    %get3A_11 = vector.load %arg3[%get3A_9, %get3A_10] : memref<400x256xf32, #tpu.memory_space<vmem>>, vector<400x256xf32>
    %add3A = arith.addf %mul3A_8, %get3A_11 : vector<400x256xf32>
    %get3A_12 = arith.constant 0 : index
    %get3A_13 = arith.constant 0 : index
    %get3A_14 = vector.load %arg8[%get3A_12, %get3A_13] : memref<256x512xf32, #tpu.memory_space<vmem>>, vector<256x512xf32>
    %dot_general3A = arith.constant dense<0.000000e+00> : vector<400x512xf32>
    %dot_general3A_15 = tpu.matmul %add3A, %get3A_14, %dot_general3A {dimension_numbers = #tpu.dot_dimension_numbers<[1], [0], [0], [1], [0, 0, 1, 1], [], []>, transpose_lhs_hint = false} : vector<400x256xf32>, vector<256x512xf32>, vector<400x512xf32> -> vector<400x512xf32>
    %get3A_16 = arith.constant 0 : index
    %get3A_17 = arith.constant 0 : index
    %get3A_18 = vector.load %arg9[%get3A_16, %get3A_17] : memref<1x512xf32, #tpu.memory_space<vmem>>, vector<1x512xf32>
    %add3A_19 = vector.broadcast %get3A_18 : vector<1x512xf32> to vector<400x512xf32>
    %add3A_20 = arith.addf %dot_general3A_15, %add3A_19 : vector<400x512xf32>
    %mul3A_21 = arith.constant 5.000000e-01 : f32
    %mul3A_22 = vector.broadcast %mul3A_21 : f32 to vector<400x512xf32>
    %mul3A_23 = arith.mulf %mul3A_22, %add3A_20 : vector<400x512xf32>
    %mul3A_24 = arith.constant 0.707106769 : f32
    %mul3A_25 = vector.broadcast %mul3A_24 : f32 to vector<400x512xf32>
    %mul3A_26 = arith.mulf %add3A_20, %mul3A_25 : vector<400x512xf32>
    %erf3A = math.erf %mul3A_26 : vector<400x512xf32>
    %add3A_27 = arith.constant 1.000000e+00 : f32
    %add3A_28 = vector.broadcast %add3A_27 : f32 to vector<400x512xf32>
    %add3A_29 = arith.addf %add3A_28, %erf3A : vector<400x512xf32>
    %mul3A_30 = arith.mulf %mul3A_23, %add3A_29 : vector<400x512xf32>
    %get3A_31 = arith.constant 0 : index
    %get3A_32 = arith.constant 0 : index
    %get3A_33 = vector.load %arg10[%get3A_31, %get3A_32] : memref<512x256xf32, #tpu.memory_space<vmem>>, vector<512x256xf32>
    %dot_general3A_34 = arith.constant dense<0.000000e+00> : vector<400x256xf32>
    %dot_general3A_35 = tpu.matmul %mul3A_30, %get3A_33, %dot_general3A_34 {dimension_numbers = #tpu.dot_dimension_numbers<[1], [0], [0], [1], [0, 0, 1, 1], [], []>, transpose_lhs_hint = false} : vector<400x512xf32>, vector<512x256xf32>, vector<400x256xf32> -> vector<400x256xf32>
    %get3A_36 = arith.constant 0 : index
    %get3A_37 = arith.constant 0 : index
    %get3A_38 = vector.load %arg11[%get3A_36, %get3A_37] : memref<1x256xf32, #tpu.memory_space<vmem>>, vector<1x256xf32>
    %add3A_39 = vector.broadcast %get3A_38 : vector<1x256xf32> to vector<400x256xf32>
    %add3A_40 = arith.addf %dot_general3A_35, %add3A_39 : vector<400x256xf32>
    %get3A_41 = arith.constant 0 : index
    %get3A_42 = arith.constant 0 : index
    %get3A_43 = vector.load %arg12[%get3A_41, %get3A_42] : memref<1x256xf32, #tpu.memory_space<vmem>>, vector<1x256xf32>
    %get3A_44 = arith.constant 0 : index
    %get3A_45 = arith.constant 0 : index
    %get3A_46 = vector.load %arg13[%get3A_44, %get3A_45] : memref<1x256xf32, #tpu.memory_space<vmem>>, vector<1x256xf32>
    %reduce_sum3A = arith.constant dense<0.000000e+00> : vector<400xf32>
    %reduce_sum3A_47 = vector.multi_reduction <add>, %add3A_40, %reduce_sum3A [1] : vector<400x256xf32> to vector<400xf32>
    %broadcast_in_dim3A = vector.shape_cast %reduce_sum3A_47 : vector<400xf32> to vector<400x1xf32>
    %div3A = arith.constant 2.560000e+02 : f32
    %div3A_48 = vector.broadcast %div3A : f32 to vector<400x1xf32>
    %div3A_49 = arith.divf %broadcast_in_dim3A, %div3A_48 : vector<400x1xf32>
    %sub3A = vector.broadcast %div3A_49 : vector<400x1xf32> to vector<400x256xf32>
    %sub3A_50 = arith.subf %add3A_40, %sub3A : vector<400x256xf32>
    %integer_pow3A = arith.mulf %sub3A_50, %sub3A_50 : vector<400x256xf32>
    %reduce_sum3A_51 = arith.constant dense<0.000000e+00> : vector<400xf32>
    %reduce_sum3A_52 = vector.multi_reduction <add>, %integer_pow3A, %reduce_sum3A_51 [1] : vector<400x256xf32> to vector<400xf32>
    %broadcast_in_dim3A_53 = vector.shape_cast %reduce_sum3A_52 : vector<400xf32> to vector<400x1xf32>
    %div3A_54 = arith.constant 2.560000e+02 : f32
    %div3A_55 = vector.broadcast %div3A_54 : f32 to vector<400x1xf32>
    %div3A_56 = arith.divf %broadcast_in_dim3A_53, %div3A_55 : vector<400x1xf32>
    %sub3A_57 = vector.broadcast %div3A_49 : vector<400x1xf32> to vector<400x256xf32>
    %sub3A_58 = arith.subf %add3A_40, %sub3A_57 : vector<400x256xf32>
    %add3A_59 = arith.constant 9.99999974E-6 : f32
    %add3A_60 = vector.broadcast %add3A_59 : f32 to vector<400x1xf32>
    %add3A_61 = arith.addf %div3A_56, %add3A_60 : vector<400x1xf32>
    %rsqrt3A = math.rsqrt %add3A_61 : vector<400x1xf32>
    %mul3A_62 = vector.broadcast %rsqrt3A : vector<400x1xf32> to vector<400x256xf32>
    %mul3A_63 = arith.mulf %sub3A_58, %mul3A_62 : vector<400x256xf32>
    %mul3A_64 = vector.broadcast %get3A_43 : vector<1x256xf32> to vector<400x256xf32>
    %mul3A_65 = arith.mulf %mul3A_63, %mul3A_64 : vector<400x256xf32>
    %add3A_66 = vector.broadcast %get3A_46 : vector<1x256xf32> to vector<400x256xf32>
    %add3A_67 = arith.addf %mul3A_65, %add3A_66 : vector<400x256xf32>
    %get3A_68 = arith.constant 0 : index
    %get3A_69 = arith.constant 0 : index
    %get3A_70 = vector.load %arg4[%get3A_68, %get3A_69] : memref<400x256xf32, #tpu.memory_space<vmem>>, vector<400x256xf32>
    %get3A_71 = arith.constant 0 : index
    %get3A_72 = arith.constant 0 : index
    %get3A_73 = vector.load %arg5[%get3A_71, %get3A_72] : memref<400x256xf32, #tpu.memory_space<vmem>>, vector<400x256xf32>
    %mul3A_74 = arith.mulf %get3A_70, %get3A_73 : vector<400x256xf32>
    %get3A_75 = arith.constant 0 : index
    %get3A_76 = arith.constant 0 : index
    %get3A_77 = vector.load %arg6[%get3A_75, %get3A_76] : memref<400x256xf32, #tpu.memory_space<vmem>>, vector<400x256xf32>
    %add3A_78 = arith.addf %mul3A_74, %get3A_77 : vector<400x256xf32>
    %get3A_79 = arith.constant 0 : index
    %get3A_80 = arith.constant 0 : index
    %get3A_81 = vector.load %arg14[%get3A_79, %get3A_80] : memref<1x256xf32, #tpu.memory_space<vmem>>, vector<1x256xf32>
    %get3A_82 = arith.constant 0 : index
    %get3A_83 = arith.constant 0 : index
    %get3A_84 = vector.load %arg15[%get3A_82, %get3A_83] : memref<1x256xf32, #tpu.memory_space<vmem>>, vector<1x256xf32>
    %reduce_sum3A_85 = arith.constant dense<0.000000e+00> : vector<400xf32>
    %reduce_sum3A_86 = vector.multi_reduction <add>, %add3A_78, %reduce_sum3A_85 [1] : vector<400x256xf32> to vector<400xf32>
    %broadcast_in_dim3A_87 = vector.shape_cast %reduce_sum3A_86 : vector<400xf32> to vector<400x1xf32>
    %div3A_88 = arith.constant 2.560000e+02 : f32
    %div3A_89 = vector.broadcast %div3A_88 : f32 to vector<400x1xf32>
    %div3A_90 = arith.divf %broadcast_in_dim3A_87, %div3A_89 : vector<400x1xf32>
    %sub3A_91 = vector.broadcast %div3A_90 : vector<400x1xf32> to vector<400x256xf32>
    %sub3A_92 = arith.subf %add3A_78, %sub3A_91 : vector<400x256xf32>
    %integer_pow3A_93 = arith.mulf %sub3A_92, %sub3A_92 : vector<400x256xf32>
    %reduce_sum3A_94 = arith.constant dense<0.000000e+00> : vector<400xf32>
    %reduce_sum3A_95 = vector.multi_reduction <add>, %integer_pow3A_93, %reduce_sum3A_94 [1] : vector<400x256xf32> to vector<400xf32>
    %broadcast_in_dim3A_96 = vector.shape_cast %reduce_sum3A_95 : vector<400xf32> to vector<400x1xf32>
    %div3A_97 = arith.constant 2.560000e+02 : f32
    %div3A_98 = vector.broadcast %div3A_97 : f32 to vector<400x1xf32>
    %div3A_99 = arith.divf %broadcast_in_dim3A_96, %div3A_98 : vector<400x1xf32>
    %sub3A_100 = vector.broadcast %div3A_90 : vector<400x1xf32> to vector<400x256xf32>
    %sub3A_101 = arith.subf %add3A_78, %sub3A_100 : vector<400x256xf32>
    %add3A_102 = arith.constant 9.99999974E-6 : f32
    %add3A_103 = vector.broadcast %add3A_102 : f32 to vector<400x1xf32>
    %add3A_104 = arith.addf %div3A_99, %add3A_103 : vector<400x1xf32>
    %rsqrt3A_105 = math.rsqrt %add3A_104 : vector<400x1xf32>
    %mul3A_106 = vector.broadcast %rsqrt3A_105 : vector<400x1xf32> to vector<400x256xf32>
    %mul3A_107 = arith.mulf %sub3A_101, %mul3A_106 : vector<400x256xf32>
    %mul3A_108 = vector.broadcast %get3A_81 : vector<1x256xf32> to vector<400x256xf32>
    %mul3A_109 = arith.mulf %mul3A_107, %mul3A_108 : vector<400x256xf32>
    %add3A_110 = vector.broadcast %get3A_84 : vector<1x256xf32> to vector<400x256xf32>
    %add3A_111 = arith.addf %mul3A_109, %add3A_110 : vector<400x256xf32>
    %get3A_112 = arith.constant 0 : index
    %get3A_113 = arith.constant 0 : index
    %get3A_114 = vector.load %arg16[%get3A_112, %get3A_113] : memref<256x256xf32, #tpu.memory_space<vmem>>, vector<256x256xf32>
    %dot_general3A_115 = arith.constant dense<0.000000e+00> : vector<400x256xf32>
    %dot_general3A_116 = tpu.matmul %add3A_67, %get3A_114, %dot_general3A_115 {dimension_numbers = #tpu.dot_dimension_numbers<[1], [0], [0], [1], [0, 0, 1, 1], [], []>, transpose_lhs_hint = false} : vector<400x256xf32>, vector<256x256xf32>, vector<400x256xf32> -> vector<400x256xf32>
    %get3A_117 = arith.constant 0 : index
    %get3A_118 = arith.constant 0 : index
    %get3A_119 = vector.load %arg17[%get3A_117, %get3A_118] : memref<1x256xf32, #tpu.memory_space<vmem>>, vector<1x256xf32>
    %add3A_120 = vector.broadcast %get3A_119 : vector<1x256xf32> to vector<400x256xf32>
    %add3A_121 = arith.addf %dot_general3A_116, %add3A_120 : vector<400x256xf32>
    %get3A_122 = arith.constant 0 : index
    %get3A_123 = arith.constant 0 : index
    %get3A_124 = vector.load %arg18[%get3A_122, %get3A_123] : memref<256x256xf32, #tpu.memory_space<vmem>>, vector<256x256xf32>
    %dot_general3A_125 = arith.constant dense<0.000000e+00> : vector<400x256xf32>
    %dot_general3A_126 = tpu.matmul %add3A_111, %get3A_124, %dot_general3A_125 {dimension_numbers = #tpu.dot_dimension_numbers<[1], [0], [0], [1], [0, 0, 1, 1], [], []>, transpose_lhs_hint = false} : vector<400x256xf32>, vector<256x256xf32>, vector<400x256xf32> -> vector<400x256xf32>
    %get3A_127 = arith.constant 0 : index
    %get3A_128 = arith.constant 0 : index
    %get3A_129 = vector.load %arg19[%get3A_127, %get3A_128] : memref<1x256xf32, #tpu.memory_space<vmem>>, vector<1x256xf32>
    %add3A_130 = vector.broadcast %get3A_129 : vector<1x256xf32> to vector<400x256xf32>
    %add3A_131 = arith.addf %dot_general3A_126, %add3A_130 : vector<400x256xf32>
    %get3A_132 = arith.constant 0 : index
    %get3A_133 = arith.constant 0 : index
    %get3A_134 = vector.load %arg20[%get3A_132, %get3A_133] : memref<256x256xf32, #tpu.memory_space<vmem>>, vector<256x256xf32>
    %dot_general3A_135 = arith.constant dense<0.000000e+00> : vector<400x256xf32>
    %dot_general3A_136 = tpu.matmul %add3A_111, %get3A_134, %dot_general3A_135 {dimension_numbers = #tpu.dot_dimension_numbers<[1], [0], [0], [1], [0, 0, 1, 1], [], []>, transpose_lhs_hint = false} : vector<400x256xf32>, vector<256x256xf32>, vector<400x256xf32> -> vector<400x256xf32>
    %get3A_137 = arith.constant 0 : index
    %get3A_138 = arith.constant 0 : index
    %get3A_139 = vector.load %arg21[%get3A_137, %get3A_138] : memref<1x256xf32, #tpu.memory_space<vmem>>, vector<1x256xf32>
    %add3A_140 = vector.broadcast %get3A_139 : vector<1x256xf32> to vector<400x256xf32>
    %add3A_141 = arith.addf %dot_general3A_136, %add3A_140 : vector<400x256xf32>
    %mul3A_142 = arith.mulf %add3A_121, %add3A_131 : vector<400x256xf32>
    %reduce_sum3A_143 = arith.constant dense<0.000000e+00> : vector<400xf32>
    %reduce_sum3A_144 = vector.multi_reduction <add>, %mul3A_142, %reduce_sum3A_143 [1] : vector<400x256xf32> to vector<400xf32>
    %broadcast_in_dim3A_145 = vector.shape_cast %reduce_sum3A_144 : vector<400xf32> to vector<400x1xf32>
    %mul3A_146 = arith.constant 6.250000e-02 : f32
    %mul3A_147 = vector.broadcast %mul3A_146 : f32 to vector<400x1xf32>
    %mul3A_148 = arith.mulf %broadcast_in_dim3A_145, %mul3A_147 : vector<400x1xf32>
    %logistic3A = arith.negf %mul3A_148 : vector<400x1xf32>
    %logistic3A_149 = math.exp %logistic3A : vector<400x1xf32>
    %logistic3A_150 = arith.constant 1.000000e+00 : f32
    %logistic3A_151 = vector.broadcast %logistic3A_150 : f32 to vector<400x1xf32>
    %logistic3A_152 = arith.addf %logistic3A_151, %logistic3A_149 : vector<400x1xf32>
    %logistic3A_153 = arith.divf %logistic3A_151, %logistic3A_152 : vector<400x1xf32>
    %mul3A_154 = vector.broadcast %logistic3A_153 : vector<400x1xf32> to vector<400x256xf32>
    %mul3A_155 = arith.mulf %mul3A_154, %add3A_141 : vector<400x256xf32>
    %get3A_156 = arith.constant 0 : index
    %get3A_157 = arith.constant 0 : index
    %get3A_158 = vector.load %arg22[%get3A_156, %get3A_157] : memref<256x256xf32, #tpu.memory_space<vmem>>, vector<256x256xf32>
    %dot_general3A_159 = arith.constant dense<0.000000e+00> : vector<400x256xf32>
    %dot_general3A_160 = tpu.matmul %add3A_111, %get3A_158, %dot_general3A_159 {dimension_numbers = #tpu.dot_dimension_numbers<[1], [0], [0], [1], [0, 0, 1, 1], [], []>, transpose_lhs_hint = false} : vector<400x256xf32>, vector<256x256xf32>, vector<400x256xf32> -> vector<400x256xf32>
    %get3A_161 = arith.constant 0 : index
    %get3A_162 = arith.constant 0 : index
    %get3A_163 = vector.load %arg23[%get3A_161, %get3A_162] : memref<1x256xf32, #tpu.memory_space<vmem>>, vector<1x256xf32>
    %add3A_164 = vector.broadcast %get3A_163 : vector<1x256xf32> to vector<400x256xf32>
    %add3A_165 = arith.addf %dot_general3A_160, %add3A_164 : vector<400x256xf32>
    %get3A_166 = arith.constant 0 : index
    %get3A_167 = arith.constant 0 : index
    %get3A_168 = vector.load %arg24[%get3A_166, %get3A_167] : memref<256x256xf32, #tpu.memory_space<vmem>>, vector<256x256xf32>
    %dot_general3A_169 = arith.constant dense<0.000000e+00> : vector<400x256xf32>
    %dot_general3A_170 = tpu.matmul %add3A_67, %get3A_168, %dot_general3A_169 {dimension_numbers = #tpu.dot_dimension_numbers<[1], [0], [0], [1], [0, 0, 1, 1], [], []>, transpose_lhs_hint = false} : vector<400x256xf32>, vector<256x256xf32>, vector<400x256xf32> -> vector<400x256xf32>
    %get3A_171 = arith.constant 0 : index
    %get3A_172 = arith.constant 0 : index
    %get3A_173 = vector.load %arg25[%get3A_171, %get3A_172] : memref<1x256xf32, #tpu.memory_space<vmem>>, vector<1x256xf32>
    %add3A_174 = vector.broadcast %get3A_173 : vector<1x256xf32> to vector<400x256xf32>
    %add3A_175 = arith.addf %dot_general3A_170, %add3A_174 : vector<400x256xf32>
    %get3A_176 = arith.constant 0 : index
    %get3A_177 = arith.constant 0 : index
    %get3A_178 = vector.load %arg26[%get3A_176, %get3A_177] : memref<256x256xf32, #tpu.memory_space<vmem>>, vector<256x256xf32>
    %dot_general3A_179 = arith.constant dense<0.000000e+00> : vector<400x256xf32>
    %dot_general3A_180 = tpu.matmul %add3A_67, %get3A_178, %dot_general3A_179 {dimension_numbers = #tpu.dot_dimension_numbers<[1], [0], [0], [1], [0, 0, 1, 1], [], []>, transpose_lhs_hint = false} : vector<400x256xf32>, vector<256x256xf32>, vector<400x256xf32> -> vector<400x256xf32>
    %get3A_181 = arith.constant 0 : index
    %get3A_182 = arith.constant 0 : index
    %get3A_183 = vector.load %arg27[%get3A_181, %get3A_182] : memref<1x256xf32, #tpu.memory_space<vmem>>, vector<1x256xf32>
    %add3A_184 = vector.broadcast %get3A_183 : vector<1x256xf32> to vector<400x256xf32>
    %add3A_185 = arith.addf %dot_general3A_180, %add3A_184 : vector<400x256xf32>
    %mul3A_186 = arith.mulf %add3A_165, %add3A_175 : vector<400x256xf32>
    %reduce_sum3A_187 = arith.constant dense<0.000000e+00> : vector<400xf32>
    %reduce_sum3A_188 = vector.multi_reduction <add>, %mul3A_186, %reduce_sum3A_187 [1] : vector<400x256xf32> to vector<400xf32>
    %broadcast_in_dim3A_189 = vector.shape_cast %reduce_sum3A_188 : vector<400xf32> to vector<400x1xf32>
    %mul3A_190 = arith.constant 6.250000e-02 : f32
    %mul3A_191 = vector.broadcast %mul3A_190 : f32 to vector<400x1xf32>
    %mul3A_192 = arith.mulf %broadcast_in_dim3A_189, %mul3A_191 : vector<400x1xf32>
    %logistic3A_193 = arith.negf %mul3A_192 : vector<400x1xf32>
    %logistic3A_194 = math.exp %logistic3A_193 : vector<400x1xf32>
    %logistic3A_195 = arith.constant 1.000000e+00 : f32
    %logistic3A_196 = vector.broadcast %logistic3A_195 : f32 to vector<400x1xf32>
    %logistic3A_197 = arith.addf %logistic3A_196, %logistic3A_194 : vector<400x1xf32>
    %logistic3A_198 = arith.divf %logistic3A_196, %logistic3A_197 : vector<400x1xf32>
    %mul3A_199 = vector.broadcast %logistic3A_198 : vector<400x1xf32> to vector<400x256xf32>
    %mul3A_200 = arith.mulf %mul3A_199, %add3A_185 : vector<400x256xf32>
    %add3A_201 = arith.addf %get3A_1, %add3A_67 : vector<400x256xf32>
    %add3A_202 = arith.addf %add3A_201, %mul3A_155 : vector<400x256xf32>
    %get3A_203 = arith.constant 0 : index
    %get3A_204 = arith.constant 0 : index
    %get3A_205 = vector.load %arg28[%get3A_203, %get3A_204] : memref<1x256xf32, #tpu.memory_space<vmem>>, vector<1x256xf32>
    %get3A_206 = arith.constant 0 : index
    %get3A_207 = arith.constant 0 : index
    %get3A_208 = vector.load %arg29[%get3A_206, %get3A_207] : memref<1x256xf32, #tpu.memory_space<vmem>>, vector<1x256xf32>
    %reduce_sum3A_209 = arith.constant dense<0.000000e+00> : vector<400xf32>
    %reduce_sum3A_210 = vector.multi_reduction <add>, %add3A_202, %reduce_sum3A_209 [1] : vector<400x256xf32> to vector<400xf32>
    %broadcast_in_dim3A_211 = vector.shape_cast %reduce_sum3A_210 : vector<400xf32> to vector<400x1xf32>
    %div3A_212 = arith.constant 2.560000e+02 : f32
    %div3A_213 = vector.broadcast %div3A_212 : f32 to vector<400x1xf32>
    %div3A_214 = arith.divf %broadcast_in_dim3A_211, %div3A_213 : vector<400x1xf32>
    %sub3A_215 = vector.broadcast %div3A_214 : vector<400x1xf32> to vector<400x256xf32>
    %sub3A_216 = arith.subf %add3A_202, %sub3A_215 : vector<400x256xf32>
    %integer_pow3A_217 = arith.mulf %sub3A_216, %sub3A_216 : vector<400x256xf32>
    %reduce_sum3A_218 = arith.constant dense<0.000000e+00> : vector<400xf32>
    %reduce_sum3A_219 = vector.multi_reduction <add>, %integer_pow3A_217, %reduce_sum3A_218 [1] : vector<400x256xf32> to vector<400xf32>
    %broadcast_in_dim3A_220 = vector.shape_cast %reduce_sum3A_219 : vector<400xf32> to vector<400x1xf32>
    %div3A_221 = arith.constant 2.560000e+02 : f32
    %div3A_222 = vector.broadcast %div3A_221 : f32 to vector<400x1xf32>
    %div3A_223 = arith.divf %broadcast_in_dim3A_220, %div3A_222 : vector<400x1xf32>
    %sub3A_224 = vector.broadcast %div3A_214 : vector<400x1xf32> to vector<400x256xf32>
    %sub3A_225 = arith.subf %add3A_202, %sub3A_224 : vector<400x256xf32>
    %add3A_226 = arith.constant 9.99999974E-6 : f32
    %add3A_227 = vector.broadcast %add3A_226 : f32 to vector<400x1xf32>
    %add3A_228 = arith.addf %div3A_223, %add3A_227 : vector<400x1xf32>
    %rsqrt3A_229 = math.rsqrt %add3A_228 : vector<400x1xf32>
    %mul3A_230 = vector.broadcast %rsqrt3A_229 : vector<400x1xf32> to vector<400x256xf32>
    %mul3A_231 = arith.mulf %sub3A_225, %mul3A_230 : vector<400x256xf32>
    %mul3A_232 = vector.broadcast %get3A_205 : vector<1x256xf32> to vector<400x256xf32>
    %mul3A_233 = arith.mulf %mul3A_231, %mul3A_232 : vector<400x256xf32>
    %add3A_234 = vector.broadcast %get3A_208 : vector<1x256xf32> to vector<400x256xf32>
    %add3A_235 = arith.addf %mul3A_233, %add3A_234 : vector<400x256xf32>
    %swap3A = arith.constant 0 : index
    %swap3A_236 = arith.constant 0 : index
    %swap3A_237 = vector.load %arg32[%swap3A, %swap3A_236] : memref<400x256xf32, #tpu.memory_space<vmem>>, vector<400x256xf32>
    tpu.vector_store %arg32[%swap3A, %swap3A_236], %add3A_235 {strides = array<i32>} : memref<400x256xf32, #tpu.memory_space<vmem>>, vector<400x256xf32>,
    %add3A_238 = arith.addf %get3A_4, %add3A_111 : vector<400x256xf32>
    %add3A_239 = arith.addf %add3A_238, %mul3A_200 : vector<400x256xf32>
    %get3A_240 = arith.constant 0 : index
    %get3A_241 = arith.constant 0 : index
    %get3A_242 = vector.load %arg30[%get3A_240, %get3A_241] : memref<1x256xf32, #tpu.memory_space<vmem>>, vector<1x256xf32>
    %get3A_243 = arith.constant 0 : index
    %get3A_244 = arith.constant 0 : index
    %get3A_245 = vector.load %arg31[%get3A_243, %get3A_244] : memref<1x256xf32, #tpu.memory_space<vmem>>, vector<1x256xf32>
    %reduce_sum3A_246 = arith.constant dense<0.000000e+00> : vector<400xf32>
    %reduce_sum3A_247 = vector.multi_reduction <add>, %add3A_239, %reduce_sum3A_246 [1] : vector<400x256xf32> to vector<400xf32>
    %broadcast_in_dim3A_248 = vector.shape_cast %reduce_sum3A_247 : vector<400xf32> to vector<400x1xf32>
    %div3A_249 = arith.constant 2.560000e+02 : f32
    %div3A_250 = vector.broadcast %div3A_249 : f32 to vector<400x1xf32>
    %div3A_251 = arith.divf %broadcast_in_dim3A_248, %div3A_250 : vector<400x1xf32>
    %sub3A_252 = vector.broadcast %div3A_251 : vector<400x1xf32> to vector<400x256xf32>
    %sub3A_253 = arith.subf %add3A_239, %sub3A_252 : vector<400x256xf32>
    %integer_pow3A_254 = arith.mulf %sub3A_253, %sub3A_253 : vector<400x256xf32>
    %reduce_sum3A_255 = arith.constant dense<0.000000e+00> : vector<400xf32>
    %reduce_sum3A_256 = vector.multi_reduction <add>, %integer_pow3A_254, %reduce_sum3A_255 [1] : vector<400x256xf32> to vector<400xf32>
    %broadcast_in_dim3A_257 = vector.shape_cast %reduce_sum3A_256 : vector<400xf32> to vector<400x1xf32>
    %div3A_258 = arith.constant 2.560000e+02 : f32
    %div3A_259 = vector.broadcast %div3A_258 : f32 to vector<400x1xf32>
    %div3A_260 = arith.divf %broadcast_in_dim3A_257, %div3A_259 : vector<400x1xf32>
    %sub3A_261 = vector.broadcast %div3A_251 : vector<400x1xf32> to vector<400x256xf32>
    %sub3A_262 = arith.subf %add3A_239, %sub3A_261 : vector<400x256xf32>
    %add3A_263 = arith.constant 9.99999974E-6 : f32
    %add3A_264 = vector.broadcast %add3A_263 : f32 to vector<400x1xf32>
    %add3A_265 = arith.addf %div3A_260, %add3A_264 : vector<400x1xf32>
    %rsqrt3A_266 = math.rsqrt %add3A_265 : vector<400x1xf32>
    %mul3A_267 = vector.broadcast %rsqrt3A_266 : vector<400x1xf32> to vector<400x256xf32>
    %mul3A_268 = arith.mulf %sub3A_262, %mul3A_267 : vector<400x256xf32>
    %mul3A_269 = vector.broadcast %get3A_242 : vector<1x256xf32> to vector<400x256xf32>
    %mul3A_270 = arith.mulf %mul3A_268, %mul3A_269 : vector<400x256xf32>
    %add3A_271 = vector.broadcast %get3A_245 : vector<1x256xf32> to vector<400x256xf32>
    %add3A_272 = arith.addf %mul3A_270, %add3A_271 : vector<400x256xf32>
    %swap3A_273 = arith.constant 0 : index
    %swap3A_274 = arith.constant 0 : index
    %swap3A_275 = vector.load %arg33[%swap3A_273, %swap3A_274] : memref<400x256xf32, #tpu.memory_space<vmem>>, vector<400x256xf32>
    tpu.vector_store %arg33[%swap3A_273, %swap3A_274], %add3A_272 {strides = array<i32>} : memref<400x256xf32, #tpu.memory_space<vmem>>, vector<400x256xf32>,
    return
  }
  func.func @transform_0(%arg0: i32) -> (i32, i32) {
    %c0_i32 = arith.constant 0 : i32
    %c0_i32_0 = arith.constant 0 : i32
    return %arg0, %c0_i32 : i32, i32
  }
  func.func @transform_1(%arg0: i32) -> (i32, i32) {
    %c0_i32 = arith.constant 0 : i32
    %c0_i32_0 = arith.constant 0 : i32
    return %arg0, %c0_i32 : i32, i32
  }
  func.func @transform_2(%arg0: i32) -> (i32, i32) {
    %c0_i32 = arith.constant 0 : i32
    %c0_i32_0 = arith.constant 0 : i32
    return %arg0, %c0_i32 : i32, i32
  }
  func.func @transform_3(%arg0: i32) -> (i32, i32) {
    %c0_i32 = arith.constant 0 : i32
    %c0_i32_0 = arith.constant 0 : i32
    return %arg0, %c0_i32 : i32, i32
  }
  func.func @transform_4(%arg0: i32) -> (i32, i32) {
    %c0_i32 = arith.constant 0 : i32
    %c0_i32_0 = arith.constant 0 : i32
    return %arg0, %c0_i32 : i32, i32
  }
  func.func @transform_5(%arg0: i32) -> (i32, i32) {
    %c0_i32 = arith.constant 0 : i32
    %c0_i32_0 = arith.constant 0 : i32
    return %arg0, %c0_i32 : i32, i32
  }
  func.func @transform_6(%arg0: i32) -> (i32, i32) {
    %c0_i32 = arith.constant 0 : i32
    %c0_i32_0 = arith.constant 0 : i32
    %c0_i32_1 = arith.constant 0 : i32
    return %c0_i32, %c0_i32_0 : i32, i32
  }
  func.func @transform_7(%arg0: i32) -> (i32, i32) {
    %c0_i32 = arith.constant 0 : i32
    %c0_i32_0 = arith.constant 0 : i32
    %c0_i32_1 = arith.constant 0 : i32
    return %c0_i32, %c0_i32_0 : i32, i32
  }
  func.func @transform_8(%arg0: i32) -> (i32, i32) {
    %c0_i32 = arith.constant 0 : i32
    %c0_i32_0 = arith.constant 0 : i32
    %c0_i32_1 = arith.constant 0 : i32
    return %c0_i32, %c0_i32_0 : i32, i32
  }
  func.func @transform_9(%arg0: i32) -> (i32, i32) {
    %c0_i32 = arith.constant 0 : i32
    %c0_i32_0 = arith.constant 0 : i32
    %c0_i32_1 = arith.constant 0 : i32
    return %c0_i32, %c0_i32_0 : i32, i32
  }
  func.func @transform_10(%arg0: i32) -> (i32, i32) {
    %c0_i32 = arith.constant 0 : i32
    %c0_i32_0 = arith.constant 0 : i32
    %c0_i32_1 = arith.constant 0 : i32
    return %c0_i32, %c0_i32_0 : i32, i32
  }
  func.func @transform_11(%arg0: i32) -> (i32, i32) {
    %c0_i32 = arith.constant 0 : i32
    %c0_i32_0 = arith.constant 0 : i32
    %c0_i32_1 = arith.constant 0 : i32
    return %c0_i32, %c0_i32_0 : i32, i32
  }
  func.func @transform_12(%arg0: i32) -> (i32, i32) {
    %c0_i32 = arith.constant 0 : i32
    %c0_i32_0 = arith.constant 0 : i32
    %c0_i32_1 = arith.constant 0 : i32
    return %c0_i32, %c0_i32_0 : i32, i32
  }
  func.func @transform_13(%arg0: i32) -> (i32, i32) {
    %c0_i32 = arith.constant 0 : i32
    %c0_i32_0 = arith.constant 0 : i32
    %c0_i32_1 = arith.constant 0 : i32
    return %c0_i32, %c0_i32_0 : i32, i32
  }
  func.func @transform_14(%arg0: i32) -> (i32, i32) {
    %c0_i32 = arith.constant 0 : i32
    %c0_i32_0 = arith.constant 0 : i32
    %c0_i32_1 = arith.constant 0 : i32
    return %c0_i32, %c0_i32_0 : i32, i32
  }
  func.func @transform_15(%arg0: i32) -> (i32, i32) {
    %c0_i32 = arith.constant 0 : i32
    %c0_i32_0 = arith.constant 0 : i32
    %c0_i32_1 = arith.constant 0 : i32
    return %c0_i32, %c0_i32_0 : i32, i32
  }
  func.func @transform_16(%arg0: i32) -> (i32, i32) {
    %c0_i32 = arith.constant 0 : i32
    %c0_i32_0 = arith.constant 0 : i32
    %c0_i32_1 = arith.constant 0 : i32
    return %c0_i32, %c0_i32_0 : i32, i32
  }
  func.func @transform_17(%arg0: i32) -> (i32, i32) {
    %c0_i32 = arith.constant 0 : i32
    %c0_i32_0 = arith.constant 0 : i32
    %c0_i32_1 = arith.constant 0 : i32
    return %c0_i32, %c0_i32_0 : i32, i32
  }
  func.func @transform_18(%arg0: i32) -> (i32, i32) {
    %c0_i32 = arith.constant 0 : i32
    %c0_i32_0 = arith.constant 0 : i32
    %c0_i32_1 = arith.constant 0 : i32
    return %c0_i32, %c0_i32_0 : i32, i32
  }
  func.func @transform_19(%arg0: i32) -> (i32, i32) {
    %c0_i32 = arith.constant 0 : i32
    %c0_i32_0 = arith.constant 0 : i32
    %c0_i32_1 = arith.constant 0 : i32
    return %c0_i32, %c0_i32_0 : i32, i32
  }
  func.func @transform_20(%arg0: i32) -> (i32, i32) {
    %c0_i32 = arith.constant 0 : i32
    %c0_i32_0 = arith.constant 0 : i32
    %c0_i32_1 = arith.constant 0 : i32
    return %c0_i32, %c0_i32_0 : i32, i32
  }
  func.func @transform_21(%arg0: i32) -> (i32, i32) {
    %c0_i32 = arith.constant 0 : i32
    %c0_i32_0 = arith.constant 0 : i32
    %c0_i32_1 = arith.constant 0 : i32
    return %c0_i32, %c0_i32_0 : i32, i32
  }
  func.func @transform_22(%arg0: i32) -> (i32, i32) {
    %c0_i32 = arith.constant 0 : i32
    %c0_i32_0 = arith.constant 0 : i32
    %c0_i32_1 = arith.constant 0 : i32
    return %c0_i32, %c0_i32_0 : i32, i32
  }
  func.func @transform_23(%arg0: i32) -> (i32, i32) {
    %c0_i32 = arith.constant 0 : i32
    %c0_i32_0 = arith.constant 0 : i32
    %c0_i32_1 = arith.constant 0 : i32
    return %c0_i32, %c0_i32_0 : i32, i32
  }
  func.func @transform_24(%arg0: i32) -> (i32, i32) {
    %c0_i32 = arith.constant 0 : i32
    %c0_i32_0 = arith.constant 0 : i32
    %c0_i32_1 = arith.constant 0 : i32
    return %c0_i32, %c0_i32_0 : i32, i32
  }
  func.func @transform_25(%arg0: i32) -> (i32, i32) {
    %c0_i32 = arith.constant 0 : i32
    %c0_i32_0 = arith.constant 0 : i32
    %c0_i32_1 = arith.constant 0 : i32
    return %c0_i32, %c0_i32_0 : i32, i32
  }
  func.func @transform_26(%arg0: i32) -> (i32, i32) {
    %c0_i32 = arith.constant 0 : i32
    %c0_i32_0 = arith.constant 0 : i32
    %c0_i32_1 = arith.constant 0 : i32
    return %c0_i32, %c0_i32_0 : i32, i32
  }
  func.func @transform_27(%arg0: i32) -> (i32, i32) {
    %c0_i32 = arith.constant 0 : i32
    %c0_i32_0 = arith.constant 0 : i32
    %c0_i32_1 = arith.constant 0 : i32
    return %c0_i32, %c0_i32_0 : i32, i32
  }
  func.func @transform_28(%arg0: i32) -> (i32, i32) {
    %c0_i32 = arith.constant 0 : i32
    %c0_i32_0 = arith.constant 0 : i32
    %c0_i32_1 = arith.constant 0 : i32
    return %c0_i32, %c0_i32_0 : i32, i32
  }
  func.func @transform_29(%arg0: i32) -> (i32, i32) {
    %c0_i32 = arith.constant 0 : i32
    %c0_i32_0 = arith.constant 0 : i32
    %c0_i32_1 = arith.constant 0 : i32
    return %c0_i32, %c0_i32_0 : i32, i32
  }
  func.func @transform_30(%arg0: i32) -> (i32, i32) {
    %c0_i32 = arith.constant 0 : i32
    %c0_i32_0 = arith.constant 0 : i32
    %c0_i32_1 = arith.constant 0 : i32
    return %c0_i32, %c0_i32_0 : i32, i32
  }
  func.func @transform_31(%arg0: i32) -> (i32, i32) {
    %c0_i32 = arith.constant 0 : i32
    %c0_i32_0 = arith.constant 0 : i32
    return %arg0, %c0_i32 : i32, i32
  }
  func.func @transform_32(%arg0: i32) -> (i32, i32) {
    %c0_i32 = arith.constant 0 : i32
    %c0_i32_0 = arith.constant 0 : i32
    return %arg0, %c0_i32 : i32, i32
  }
}

</mosaic_0001>

<sc_bundles>
// kernel: kernel.12.cloned.1.call-start
scs
__scs_entry_jumppad:
0x0: {  	(pc) =	sbr.rel $0x88, $3  }
0x1: {  	(tag) =	ssettag $0x0;
	lr =	simm.s32 $0x1  }
0x2: {  	[smem:$0x3F7C] =	sst lr;
	_ =	strace $0xD0000000  }
0x3: {  	_ = 	snop  }
0x4: {  	_ = 	snop  }
0x5: {  	_ = 	snop  }
0x6: {  	_ = 	snop  }
0x7: {  	_ = 	snop  }
__scs_overlays_trampoline_lowered:
0x8: {  	[smem:$0x3F8B] =	sst s0  }
0x9: {  	[smem:$0x3F8C] =	sst s1  }
0xa: {  	[smem:$0x3F8D] =	sst s2  }
0xb: {  	[smem:$0x3F8E] =	sst s3  }
0xc: {  	[smem:$0x3F8F] =	sst s4  }
0xd: {  	[smem:$0x3F90] =	sst s5  }
0xe: {  	[smem:$0x3F91] =	sst s6  }
0xf: {  	[smem:$0x3F92] =	sst s7  }
0x10: {  	[smem:$0x3F93] =	sst s8  }
0x11: {  	[smem:$0x3F94] =	sst s9;
	s0 =	simm.s32 @!p0 $0x0  }
0x12: {  	s1 =	sld [smem:$0x3F7A];
	s0 =	simm.s32 @p0 $0x1  }
0x13: {  	[smem:$0x3F95] =	sst s0;
	s0 =	simm.s32 @!p1 $0x0  }
0x14: {  	s2 =	sld [smem:$0x3F79];
	s0 =	simm.s32 @p1 $0x1  }
0x15: {  	[smem:$0x3F96] =	sst s0;
	s0 =	simm.s32 @!p2 $0x0  }
0x16: {  	s3 =	sld [smem:$0x3FDB];
	s0 =	simm.s32 @p2 $0x1  }
0x17: {  	s4 =	simm.s32 $0x1BF5;
	[smem:$0x3F98] =	sst s0  }
0x18: {  	s0 =	sld [smem:$0x3F7B];
	_ =	swait.ge [sflag:s4], $0x0  }
0x19: {  	s7 =	sld [smem:$0x3F7C]  }
0x1a: {  	s8 =	sadd.s32 $0xFFFFE003, lr  }
0x1b: {  	s9 =	sadd.s32 $0xFFFFFEF7, lr;
	s5 =	simm.s32 $0xFFFFFFFF;
	p2 =	slt.u32 s8, $0xFFFFF086  }
0x1c: {  	p1 =	slt.u32 s9, $0xF7A;
	s5 =	simm.s32 @!p2 $0x0  }
0x1d: {  	s5 =	simm.s32 @p1 $0x1;
	p0 =	seq.s32 s7, s2  }
0x1e: {  	s7 =	smul.u32 @!p0 $0xF7A, s2;
	p2 =	seq.s32 @!p0 s5, $0x0  }
0x1f: {  	s9 =	smul.u32 $0xF7A, s1;
	s8 =	simm.s32 @!p0 $0x1BF5;
	p2 =	por !p2, p0  }
0x20: {  	[sflag:s8] =	ssyncset.s32 @!p0 $0xFFFFF086;
	s6 =	sadd.s32 @!p0 s3, s7;
	s7 =	simm.s32 @!p0 $0x108  }
0x21: {  	s3 =	sadd.s32 s3, s9;
	s6 =	sadd.s32 @!p0 $0x88, s6;
	s7 =	simm.s32 @p2 $0x1082  }
0x22: {  	[simem:s7], [sflag:s8] =	dma.local @!p0 [hbm:s6], $0xF7A  }
0x23: {  	s9 =	sor.u32 $0xD0000000, s2;
	s6 =	simm.s32 $0x108;
	_ =	swait.ge @!p0 [sflag:s8], $0x0  }
0x24: {  	s3 =	sadd.s32 $0x88, s3;
	s6 =	simm.s32 @!p1 $0x1082;
	[sflag:s4] =	ssyncset.s32 $0xFFFFF086  }
0x25: {  	[simem:s6], [sflag:s4] =	dma.local [hbm:s3], $0xF7A  }
0x26: {  	[smem:$0x3F7C] =	sst s1;
	(tag) =	ssettag s2;
	_ =	strace s9  }
0x27: {  	s1 =	sld [smem:$0x3F8C]  }
0x28: {  	s2 =	sld [smem:$0x3F8D]  }
0x29: {  	s4 =	sld [smem:$0x3F8F]  }
0x2a: {  	p0 =	seq.s32 s5, $0x0;
	s5 =	sld [smem:$0x3F90]  }
0x2b: {  	s6 =	sld [smem:$0x3F91]  }
0x2c: {  	s7 =	sld [smem:$0x3F92]  }
0x2d: {  	s3 =	simm.s32 $0x108;
	s8 =	sld [smem:$0x3F93]  }
0x2e: {  	s3 =	simm.s32 @!p0 $0x1082;
	s9 =	sld [smem:$0x3F94]  }
0x2f: {  	lr =	sadd.s32 s0, s3;
	s0 =	sld [smem:$0x3F8B]  }
0x30: {  	s3 =	sld [smem:$0x3F8E]  }
0x31: {  	[smem:$0x3F97] =	sst s10  }
0x32: {  	s10 =	sld [smem:$0x3F95];
	_ =	sdelay $0x3  }
0x33: {  	p0 =	seq.s32 s10, $0x1;
	s10 =	sld [smem:$0x3F97];
	_ =	sdelay $0x3  }
0x34: {  	[smem:$0x3F97] =	sst s10  }
0x35: {  	s10 =	sld [smem:$0x3F96];
	_ =	sdelay $0x3  }
0x36: {  	p1 =	seq.s32 s10, $0x1;
	s10 =	sld [smem:$0x3F97];
	_ =	sdelay $0x3  }
0x37: {  	[smem:$0x3F97] =	sst s10  }
0x38: {  	s10 =	sld [smem:$0x3F98]  }
0x39: {  	_ = 	snop;
	(pc) =	sbr.ind lr, $3  }
0x3a: {  	_ = 	snop  }
0x3b: {  	_ = 	snop  }
0x3c: {  	p2 =	seq.s32 s10, $0x1;
	s10 =	sld [smem:$0x3F97]  }
0x3d: {  	_ =	shalt  }
0x3e: {  	_ =	shalt  }
0x3f: {  	_ =	shalt  }
0x40: {  	_ =	shalt  }
0x41: {  	_ =	shalt  }
0x42: {  	_ =	shalt  }
0x43: {  	_ =	shalt  }
0x44: {  	_ =	shalt  }
0x45: {  	_ =	shalt  }
0x46: {  	_ =	shalt  }
0x47: {  	_ =	shalt  }
0x48: {  	_ =	shalt  }
0x49: {  	_ =	shalt  }
0x4a: {  	_ =	shalt  }
0x4b: {  	_ =	shalt  }
0x4c: {  	_ =	shalt  }
0x4d: {  	_ =	shalt  }
0x4e: {  	_ =	shalt  }
0x4f: {  	_ =	shalt  }
0x50: {  	_ =	shalt  }
0x51: {  	_ =	shalt  }
0x52: {  	_ =	shalt  }
0x53: {  	_ =	shalt  }
0x54: {  	_ =	shalt  }
0x55: {  	_ =	shalt  }
0x56: {  	_ =	shalt  }
0x57: {  	_ =	shalt  }
0x58: {  	_ =	shalt  }
0x59: {  	_ =	shalt  }
0x5a: {  	_ =	shalt  }
0x5b: {  	_ =	shalt  }
0x5c: {  	_ =	shalt  }
0x5d: {  	_ =	shalt  }
0x5e: {  	_ =	shalt  }
0x5f: {  	_ =	shalt  }
0x60: {  	_ =	shalt  }
0x61: {  	_ =	shalt  }
0x62: {  	_ =	shalt  }
0x63: {  	_ =	shalt  }
0x64: {  	_ =	shalt  }
0x65: {  	_ =	shalt  }
0x66: {  	_ =	shalt  }
0x67: {  	_ =	shalt  }
0x68: {  	_ =	shalt  }
0x69: {  	_ =	shalt  }
0x6a: {  	_ =	shalt  }
0x6b: {  	_ =	shalt  }
0x6c: {  	_ =	shalt  }
0x6d: {  	_ =	shalt  }
0x6e: {  	_ =	shalt  }
0x6f: {  	_ =	shalt  }
0x70: {  	_ =	shalt  }
0x71: {  	_ =	shalt  }
0x72: {  	_ =	shalt  }
0x73: {  	_ =	shalt  }
0x74: {  	_ =	shalt  }
0x75: {  	_ =	shalt  }
0x76: {  	_ =	shalt  }
0x77: {  	_ =	shalt  }
0x78: {  	_ =	shalt  }
0x79: {  	_ =	shalt  }
0x7a: {  	_ =	shalt  }
0x7b: {  	_ =	shalt  }
0x7c: {  	_ =	shalt  }
0x7d: {  	_ =	shalt  }
0x7e: {  	_ =	shalt  }
0x7f: {  	_ =	shalt  }
0x80: {  	_ =	shalt  }
0x81: {  	_ =	shalt  }
0x82: {  	_ =	shalt  }
0x83: {  	_ =	shalt  }
0x84: {  	_ =	shalt  }
0x85: {  	_ =	shalt  }
0x86: {  	_ =	shalt  }
0x87: {  	_ =	shalt  }
.Lfunc_end0:
.L_simem_size_0:
called_computation.1_lowered:
.L_overlay_start_0:
0x88: {  	s2 =	sld [smem:$0x3FD9]  }
0x89: {  	s3 =	sld [smem:$0x3FFE];
	_ =	sdelay $0x1  }
0x8a: {  	s1 =	srdreg.scid  }
0x8b: {  	s0 =	sand.u32 $0x1, s1  }
0x8c: {  	s14 =	sshll.u32 s0, $0xA;
	s2 =	sadd.s32 s3, s2  }
0x8d: {  	s2 =	sadd.s32 s2, s14  }
0x8e: {  	[smem:$0x3FA3] =	sst s2  }
0x8f: {  	_ = 	snop  }
0x90: {  	s2 =	sld [smem:$0x3FD0];
	_ =	sdelay $0x2  }
0x91: {  	s15 =	simm.s32 $0xC;
	s4 =	simm.s32 $0x10  }
0x92: {  	[smem:s4], [sflag:s15] =	dma.local [hbm:s2], $0x1  }
0x93: {  	_ =	swait.eq [sflag:s15], $0x1  }
0x94: {  	[sflag:s15] =	ssyncset.done $0x0  }
0x95: {  	s16 =	sld [smem:$0x10];
	[sflag:s15] =	ssyncadd.s32 $0xFFFFFFFF  }
0x96: {  	s17 =	sld [smem:$0x11];
	(tm) =	ssettm $0x1  }
0x97: {  	s18 =	sld [smem:$0x3FFB];
	_ =	sdelay $0x3  }
0x98: {  	_ =	strace s18  }
0x99: {  	s4 =	sld [smem:$0x3FFC];
	_ =	sdelay $0x3  }
0x9a: {  	_ =	strace s4  }
0x9b: {  	s4 =	sld [smem:$0x3FFD];
	_ =	sdelay $0x3  }
0x9c: {  	_ =	strace s4  }
0x9d: {  	_ =	strace $0x8FFFFFFF  }
0x9e: {  	s19 =	sld [smem:$0x3FDB];
	_ =	sdelay $0x1  }
0x9f: {  	s5 =	simm.s32 $_scs_section_size  }
0xa0: {  	s6 =	simm.s32 $_size__tile_overlayer_lowered;
	s7 =	simm.s32 $_tile_overlayer_lowered  }
0xa1: {  	s22 =	simm.s32 $0x1BFF;
	s21 =	sshll.u32 s7, $0x1;
	s4 =	sadd.s32 s5, s19  }
0xa2: {  	s8 =	simm.s32 $0x0;
	s20 =	sshll.u32 s6, $0x1;
	s6 =	sadd.s32 s21, s4  }
0xa3: {  	[timem:s8], [sflag:s22] =	dma.local [hbm:s6], s20  }
0xa4: {  	_ =	swait.ge [sflag:s22], s20  }
0xa5: {  	s5 =	ssub.s32 $0x0, s20;
	[sflag:s22] =	ssyncset.done $0x0  }
0xa6: {  	[sflag:s22] =	ssyncadd.s32 s5;
	_ =	sdelay $0x1  }
0xa7: {  	s23 =	simm.s32 $0x1B8B  }
0xa8: {  	_ =	swait.ge [sflag:s23], $0x1  }
0xa9: {  	[sflag:s23] =	ssyncset.done $0x0  }
0xaa: {  	s25 =	simm.s32 $0x1B8E;
	s24 =	sld [smem:$0x3FFE];
	[sflag:s23] =	ssyncadd.s32 $0xFFFFFFFF  }
0xab: {  	s26 =	simm.s32 $execute0_lowered;
	[smem:$0x3FD2] =	sst s25  }
0xac: {  	s6 =	sshll.u32 s26, $0x1;
	_ =	strace $0x80000046;
	[dreg:$0x1] =	wrdreg $0xFFFFFFFF  }
0xad: {  	s28 =	simm.s32 $_size_execute0_lowered;
	s4 =	sadd.s32 s4, s6;
	[dreg:$0x0] =	wrdreg $0x0  }
0xae: {  	s6 =	sshll.u32 s28, $0x1;
	[dreg:$0x2] =	wrdreg s4  }
0xaf: {  	[dreg:$0x3] =	wrdreg s6  }
0xb0: {  	[dreg:$0x4] =	wrdreg $0xC0  }
0xb1: {  	_ =	task [dreg:s8], $0x5FFFF  }
0xb2: {  	[dreg:$0x1] =	wrdreg $0xFFFFFFFF  }
0xb3: {  	[dreg:$0x0] =	wrdreg $0x60  }
0xb4: {  	[dreg:$0x2] =	wrdreg s24  }
0xb5: {  	[dreg:$0x3] =	wrdreg s16  }
0xb6: {  	[dreg:$0x4] =	wrdreg s17  }
0xb7: {  	[dreg:$0x5] =	wrdreg $0xA  }
0xb8: {  	_ =	task.clear_ibuf [dreg:s8], $0x6FFFF;
	_ =	strace $0x90000046  }
0xb9: {  	s29 =	simm.s32 $0xA;
	_ =	strace $0x80000048  }
0xba: {  	_ =	swait.ge [sflag:s29], $0x1  }
0xbb: {  	[sflag:s29] =	ssyncadd.s32 $0xFFFFFFFF  }
0xbc: {  	_ =	strace $0x90000048  }
0xbd: {  	_ =	sfence  }
0xbe: {  	s30 =	sld [smem:$0x0];
	_ =	sdelay $0x2  }
0xbf: {  	s31 =	sshll.u32 s1, $0xD;
	s1 =	sshrl.u32 s1, $0x2  }
0xc0: {  	s3 =	sand.u32 $0x4000, s31;
	s1 =	sadd.s32 s1, s30  }
0xc1: {  	s0 =	sor.u32 s3, s0;
	s1 =	sshll.u32 s1, $0x11  }
0xc2: {  	s0 =	sor.u32 s1, s0  }
0xc3: {  	s0 =	sadd.s32 $0x8F2B, s0  }
0xc4: {  	[sflag:s0] =	ssyncadd.remote.s32 $0x1  }
0xc5: {  	_ =	sfence.sel $0xFFFF  }
0xc6: {  	[dreg:$0x0] =	wrdreg $0xFFFFFFFF;
	(pc) =	sbr.abs _section_cstart, $3  }
0xc7: {  	[dreg:$0x1] =	wrdreg $0xFFFFFFFF  }
0xc8: {  	_ =	task.clear_ibuf [dreg:s8], $0x2FFFF;
	_ =	strace $0x9FFFFFFF  }
0xc9: {  	(tm) =	ssettm $0x7FFFFFFF  }
tec
execute0_lowered:
.L_overlay_start_1:
0x0: {  	(tag) =	ssettag $0x1  }
0x1: {  	s0 =	rddreg [dreg:$0x0]  }
0x2: {  	s1 =	rddreg [dreg:$0x1]  }
0x3: {  	s3 =	rddreg [dreg:$0x2];
	s4 =	simm.s32 $0x0;
	s9 =	stileid.u32  }
0x4: {  	s6 =	srdreg.scid;
	s14 =	simm.s32 $0x5;
	s16 =	simm.s32 $0x50  }
0x5: {  	s17 =	simm.s32 $0x100;
	s18 =	simm.s32 $0x2900;
	s29 =	simm.s32 $0x7900  }
0x6: {  	s31 =	simm.s32 $0x7A00;
	s21 =	simm.s32 $0x1;
	s22 =	simm.s32 $0x2  }
0x7: {  	s23 =	simm.s32 $0x3;
	s20 =	simm.s32 $0xBA00;
	s12 =	simm.s32 $0xD200  }
0x8: {  	s13 =	simm.s32 $0xDA00;
	s15 =	simm.s32 $0xE200;
	s19 =	simm.s32 $0xEA00  }
0x9: {  	[smem:$0x7FF] =	sst s4;
	s2 =	smul.u32 $0x4EC, s9;
	s5 =	sadd.s32 $0x7DE00, s0  }
0xa: {  	s7 =	smul.u32 $0x27600, s9;
	s8 =	sand.u32 $0x1, s6;
	s6 =	sadd.s32 $0x56C00, s0  }
0xb: {  	s9 =	smul.u32 $0x4EC00, s9;
	_ =	strace $0x80000047;
	s10 =	ssub.s32 $0x2, s8  }
0xc: {  	p0 =	seq.s32 s8, $0x1;
	s8 =	simm.s32 $0xC200;
	s2 =	sadd.s32 s2, s0  }
0xd: {  	s7 =	sadd.s32 s7, s0;
	s11 =	sshrl.u32 s10, $0x1;
	s0 =	sadd.s32 s9, s0  }
0xe: {  	s9 =	simm.s32 $0xCA00;
	s24 =	ssub.s32 s10, s11;
	s26 =	sadd.s32 $0x5A0000, s0  }
.Ltmp0:
0xf: {  	s28 =	sadd.s32 $0xB4000, s7;
	[dreg:$0x5] =	wrdreg s26;
	(pc) =	sbr.rel .LBB2_1-.Ltmp0, $4  }
0x10: {  	s10 =	sadd.s32 $0xAF000, s2;
	s0 =	sadd.s32 $0xA8C000, s0;
	[dreg:$0x6] =	wrdreg s28  }
0x11: {  	v2 =	vlaneseq.u32;
	s11 =	sadd.s32 $0xA5000, s2;
	s30 =	sadd.s32 $0x32A000, s7;
	[dreg:$0x7] =	wrdreg s0  }
0x12: {  	vm0 =	vmmov $0xffff;
	v1 =	vshrl.u32 v2, $0x3;
	s7 =	simm.s32 $0x0;
	s25 =	smax.u32 s24, $0x1;
	[dreg:$0x8] =	wrdreg s30  }
0x13: {  	v0 =	vand.u32 $0x7, v2;
	v2 =	vor.u32 $0x8, v2;
	v1 =	vmul.u32 $0x8, v1;
	s0 =	simm.s32 $0xA200;
	s24 =	simm.s32 $0x4;
	[dreg:$0x4] =	wrdreg s25  }
.LBB2_4:
0x14: {  	s7 =	rddreg [dreg:$0x9]  }
0x15: {  	s2 =	rddreg [dreg:$0x4];
	s7 =	sadd.s32 $0x1, s7  }
0x16: {  	p1 =	sne.s32 s7, s2  }
.Ltmp1:
0x17: {  	_ = 	snop;
	(pc) =	sbr.rel @!p1 .LBB2_5-.Ltmp1, $1  }
0x18: {  	_ =	sdelay $0x3  }
.LBB2_1:
.Ltmp2:
0x19: {  	[dreg:$0x9] =	wrdreg s7;
	(pc) =	sbr.rel @!p0 .LBB2_2-.Ltmp2, $4  }
0x1a: {  	s25 =	rddreg [dreg:$0x6]  }
0x1b: {  	s26 =	rddreg [dreg:$0x5]  }
0x1c: {  	s30 =	rddreg [dreg:$0x8]  }
0x1d: {  	s28 =	simm.s32 $0x0;
	s2 =	rddreg [dreg:$0x7];
	s7 =	simm.s32 $0x0  }
.LBB2_3:
0x1e: {  	s25 =	sadd.s32 s7, s11  }
0x1f: {  	[tilespmem:s4], [sflag:$0x5] =	stream.linear.gather [hbm4b:s25+s4], $0x50, $0x38;
	[tilespmem:$0xF200] =	vst v63  }
0x20: {  	_ =	swait.ge [sflag:s14], $0x50  }
0x21: {  	[sflag:s14] =	ssyncset.done $0x0  }
0x22: {  	s26 =	sadd.s32 s7, s10;
	s28 =	simm.s32 $0x80;
	[sflag:s14] =	ssyncadd.s32 $0xFFFFFFB0  }
0x23: {  	[tilespmem:s28], [sflag:$0x5] =	stream.linear.gather [hbm4b:s26+s4], $0x50, $0x38;
	[tilespmem:$0xF200] =	vst v63  }
0x24: {  	_ =	swait.ge [sflag:s14], $0x50  }
0x25: {  	[sflag:s14] =	ssyncset.done $0x0  }
0x26: {  	[sflag:s14] =	ssyncadd.s32 $0xFFFFFFB0  }
0x27: {  	[tilespmem:s17], [sflag:$0x1] =	stream.indirect.gather [hbm4b:s6+s16], $0x80, s4, s16, $0xb8;
	[tilespmem:$0xF200] =	vst v63  }
0x28: {  	v3 =	vld [tilespmem:$0x80];
	_ =	sdelay $0x4  }
0x29: {  	v4 =	vshll.u32 v3, $0x1  }
0x2a: {  	v3 =	vand.u32 $0x7, v3;
	v4 =	vand.u32 $0xFFFFFFF0, v4  }
0x2b: {  	v3 =	vor.u32 v3, v4  }
0x2c: {  	v4 =	vperm.xlane v3, v0;
	_ =	sdelay $0x1  }
0x2d: {  	v3 =	vperm.xlane v3, v2;
	v4 =	vadd.s32 v1, v4;
	_ =	sdelay $0x1  }
0x2e: {  	v3 =	vadd.s32 v1, v3;
	_ =	sdelay $0x2  }
0x2f: {  	[tilespmem:s18], [sflag:$0x2] =	stream.indirect_vreg.gather [hbm4b:s3+s4], $0x80, v4, vm0, $0xb8;
	[tilespmem:$0xF200] =	vst v63  }
0x30: {  	s28 =	simm.s32 $0x3100  }
0x31: {  	[tilespmem:s28], [sflag:$0x2] =	stream.indirect_vreg.gather [hbm4b:s3+s4], $0x80, v3, vm0, $0xb8;
	[tilespmem:$0xF200] =	vst v63  }
0x32: {  	v3 =	vld [tilespmem:$0x90];
	_ =	sdelay $0x4  }
0x33: {  	v55 =	vshll.u32 v3, $0x1  }
0x34: {  	v3 =	vand.u32 $0x7, v3;
	v4 =	vand.u32 $0xFFFFFFF0, v55  }
0x35: {  	v3 =	vor.u32 v3, v4  }
0x36: {  	v4 =	vperm.xlane v3, v0;
	_ =	sdelay $0x1  }
0x37: {  	v3 =	vperm.xlane v3, v2;
	v4 =	vadd.s32 v1, v4;
	_ =	sdelay $0x1  }
0x38: {  	v3 =	vadd.s32 v1, v3;
	_ =	sdelay $0x1  }
0x39: {  	s28 =	simm.s32 $0x3900  }
0x3a: {  	[tilespmem:s28], [sflag:$0x2] =	stream.indirect_vreg.gather [hbm4b:s3+s4], $0x80, v4, vm0, $0xb8;
	[tilespmem:$0xF200] =	vst v63  }
0x3b: {  	s28 =	simm.s32 $0x4100  }
0x3c: {  	[tilespmem:s28], [sflag:$0x2] =	stream.indirect_vreg.gather [hbm4b:s3+s4], $0x80, v3, vm0, $0xb8;
	[tilespmem:$0xF200] =	vst v63  }
0x3d: {  	v3 =	vld [tilespmem:$0xA0];
	_ =	sdelay $0x4  }
0x3e: {  	v56 =	vshll.u32 v3, $0x1  }
0x3f: {  	v3 =	vand.u32 $0x7, v3;
	v4 =	vand.u32 $0xFFFFFFF0, v56  }
0x40: {  	v3 =	vor.u32 v3, v4  }
0x41: {  	v4 =	vperm.xlane v3, v0;
	_ =	sdelay $0x1  }
0x42: {  	v3 =	vperm.xlane v3, v2;
	v4 =	vadd.s32 v1, v4;
	_ =	sdelay $0x1  }
0x43: {  	v3 =	vadd.s32 v1, v3;
	_ =	sdelay $0x1  }
0x44: {  	s28 =	simm.s32 $0x4900  }
0x45: {  	[tilespmem:s28], [sflag:$0x2] =	stream.indirect_vreg.gather [hbm4b:s3+s4], $0x80, v4, vm0, $0xb8;
	[tilespmem:$0xF200] =	vst v63  }
0x46: {  	s28 =	simm.s32 $0x5100  }
0x47: {  	[tilespmem:s28], [sflag:$0x2] =	stream.indirect_vreg.gather [hbm4b:s3+s4], $0x80, v3, vm0, $0xb8;
	[tilespmem:$0xF200] =	vst v63  }
0x48: {  	v3 =	vld [tilespmem:$0xB0];
	_ =	sdelay $0x4  }
0x49: {  	v57 =	vshll.u32 v3, $0x1  }
0x4a: {  	v3 =	vand.u32 $0x7, v3;
	v4 =	vand.u32 $0xFFFFFFF0, v57  }
0x4b: {  	v3 =	vor.u32 v3, v4  }
0x4c: {  	v4 =	vperm.xlane v3, v0;
	_ =	sdelay $0x1  }
0x4d: {  	v3 =	vperm.xlane v3, v2;
	v4 =	vadd.s32 v1, v4;
	_ =	sdelay $0x1  }
0x4e: {  	v3 =	vadd.s32 v1, v3;
	_ =	sdelay $0x1  }
0x4f: {  	s28 =	simm.s32 $0x5900  }
0x50: {  	[tilespmem:s28], [sflag:$0x2] =	stream.indirect_vreg.gather [hbm4b:s3+s4], $0x80, v4, vm0, $0xb8;
	[tilespmem:$0xF200] =	vst v63  }
0x51: {  	s28 =	simm.s32 $0x6100  }
0x52: {  	[tilespmem:s28], [sflag:$0x2] =	stream.indirect_vreg.gather [hbm4b:s3+s4], $0x80, v3, vm0, $0xb8;
	[tilespmem:$0xF200] =	vst v63  }
0x53: {  	v3 =	vld [tilespmem:$0xC0];
	_ =	sdelay $0x4  }
0x54: {  	v58 =	vshll.u32 v3, $0x1  }
0x55: {  	v3 =	vand.u32 $0x7, v3;
	v4 =	vand.u32 $0xFFFFFFF0, v58  }
0x56: {  	v3 =	vor.u32 v3, v4  }
0x57: {  	v4 =	vperm.xlane v3, v0;
	_ =	sdelay $0x1  }
0x58: {  	v3 =	vperm.xlane v3, v2;
	v4 =	vadd.s32 v1, v4;
	_ =	sdelay $0x1  }
0x59: {  	v3 =	vadd.s32 v1, v3;
	_ =	sdelay $0x1  }
0x5a: {  	s28 =	simm.s32 $0x6900  }
0x5b: {  	[tilespmem:s28], [sflag:$0x2] =	stream.indirect_vreg.gather [hbm4b:s3+s4], $0x80, v4, vm0, $0xb8;
	[tilespmem:$0xF200] =	vst v63  }
0x5c: {  	s28 =	simm.s32 $0x7100  }
0x5d: {  	[tilespmem:s28], [sflag:$0x2] =	stream.indirect_vreg.gather [hbm4b:s3+s4], $0x80, v3, vm0, $0xb8;
	[tilespmem:$0xF200] =	vst v63  }
0x5e: {  	s25 =	sadd.s32 $0xA, s25  }
0x5f: {  	[tilespmem:s29], [sflag:$0x5] =	stream.linear.gather [hbm4b:s25+s4], $0x50, $0x38;
	[tilespmem:$0xF200] =	vst v63  }
0x60: {  	_ =	swait.ge [sflag:s14], $0x50  }
0x61: {  	[sflag:s14] =	ssyncset.done $0x0  }
0x62: {  	s26 =	sadd.s32 $0xA, s26;
	s28 =	simm.s32 $0x7980;
	[sflag:s14] =	ssyncadd.s32 $0xFFFFFFB0  }
0x63: {  	[tilespmem:s28], [sflag:$0x5] =	stream.linear.gather [hbm4b:s26+s4], $0x50, $0x38;
	[tilespmem:$0xF200] =	vst v63  }
0x64: {  	_ =	swait.ge [sflag:s14], $0x50  }
0x65: {  	[sflag:s14] =	ssyncset.done $0x0  }
0x66: {  	[sflag:s14] =	ssyncadd.s32 $0xFFFFFFB0  }
0x67: {  	[tilespmem:s31], [sflag:$0x3] =	stream.indirect.gather [hbm4b:s6+s16], $0x80, s29, s16, $0xb8;
	[tilespmem:$0xF200] =	vst v63  }
0x68: {  	v3 =	vld [tilespmem:$0x7980];
	_ =	sdelay $0x4  }
0x69: {  	v59 =	vshll.u32 v3, $0x1  }
0x6a: {  	v3 =	vand.u32 $0x7, v3;
	v4 =	vand.u32 $0xFFFFFFF0, v59  }
0x6b: {  	v3 =	vor.u32 v3, v4  }
0x6c: {  	v4 =	vperm.xlane v3, v0;
	_ =	sdelay $0x1  }
0x6d: {  	v3 =	vperm.xlane v3, v2;
	v4 =	vadd.s32 v1, v4;
	_ =	sdelay $0x1  }
0x6e: {  	v3 =	vadd.s32 v1, v3;
	_ =	sdelay $0x2  }
0x6f: {  	[tilespmem:s0], [sflag:$0x4] =	stream.indirect_vreg.gather [hbm4b:s3+s4], $0x80, v4, vm0, $0xb8;
	[tilespmem:$0xF200] =	vst v63  }
0x70: {  	s26 =	simm.s32 $0xAA00  }
0x71: {  	[tilespmem:s26], [sflag:$0x4] =	stream.indirect_vreg.gather [hbm4b:s3+s4], $0x80, v3, vm0, $0xb8;
	[tilespmem:$0xF200] =	vst v63  }
0x72: {  	v3 =	vld [tilespmem:$0x7990];
	_ =	sdelay $0x4  }
0x73: {  	v60 =	vshll.u32 v3, $0x1  }
0x74: {  	v3 =	vand.u32 $0x7, v3;
	v4 =	vand.u32 $0xFFFFFFF0, v60  }
0x75: {  	v3 =	vor.u32 v3, v4  }
0x76: {  	v4 =	vperm.xlane v3, v0;
	_ =	sdelay $0x1  }
0x77: {  	v3 =	vperm.xlane v3, v2;
	v4 =	vadd.s32 v1, v4;
	_ =	sdelay $0x1  }
0x78: {  	v3 =	vadd.s32 v1, v3;
	_ =	sdelay $0x1  }
0x79: {  	s28 =	simm.s32 $0xB200  }
0x7a: {  	[tilespmem:s28], [sflag:$0x4] =	stream.indirect_vreg.gather [hbm4b:s3+s4], $0x80, v4, vm0, $0xb8;
	[tilespmem:$0xF200] =	vst v63  }
0x7b: {  	_ = 	snop  }
0x7c: {  	[tilespmem:s20], [sflag:$0x4] =	stream.indirect_vreg.gather [hbm4b:s3+s4], $0x80, v3, vm0, $0xb8;
	[tilespmem:$0xF200] =	vst v63  }
0x7d: {  	v3 =	vld [tilespmem:$0x79A0];
	_ =	sdelay $0x4  }
0x7e: {  	v61 =	vshll.u32 v3, $0x1  }
0x7f: {  	v3 =	vand.u32 $0x7, v3;
	v4 =	vand.u32 $0xFFFFFFF0, v61  }
0x80: {  	v3 =	vor.u32 v3, v4  }
0x81: {  	v4 =	vperm.xlane v3, v0;
	_ =	sdelay $0x1  }
0x82: {  	v3 =	vperm.xlane v3, v2;
	v4 =	vadd.s32 v1, v4;
	_ =	sdelay $0x1  }
0x83: {  	v3 =	vadd.s32 v1, v3;
	_ =	sdelay $0x2  }
0x84: {  	[tilespmem:s8], [sflag:$0x4] =	stream.indirect_vreg.gather [hbm4b:s3+s4], $0x80, v4, vm0, $0xb8;
	[tilespmem:$0xF200] =	vst v63  }
0x85: {  	_ = 	snop  }
0x86: {  	[tilespmem:s9], [sflag:$0x4] =	stream.indirect_vreg.gather [hbm4b:s3+s4], $0x80, v3, vm0, $0xb8;
	[tilespmem:$0xF200] =	vst v63  }
0x87: {  	v3 =	vld [tilespmem:$0x79B0];
	_ =	sdelay $0x4  }
0x88: {  	v62 =	vshll.u32 v3, $0x1  }
0x89: {  	v3 =	vand.u32 $0x7, v3;
	v4 =	vand.u32 $0xFFFFFFF0, v62  }
0x8a: {  	v3 =	vor.u32 v3, v4  }
0x8b: {  	v4 =	vperm.xlane v3, v0;
	_ =	sdelay $0x1  }
0x8c: {  	v3 =	vperm.xlane v3, v2;
	v4 =	vadd.s32 v1, v4;
	_ =	sdelay $0x1  }
0x8d: {  	v3 =	vadd.s32 v1, v3;
	_ =	sdelay $0x2  }
0x8e: {  	[tilespmem:s12], [sflag:$0x4] =	stream.indirect_vreg.gather [hbm4b:s3+s4], $0x80, v4, vm0, $0xb8;
	[tilespmem:$0xF200] =	vst v63  }
0x8f: {  	_ = 	snop  }
0x90: {  	[tilespmem:s13], [sflag:$0x4] =	stream.indirect_vreg.gather [hbm4b:s3+s4], $0x80, v3, vm0, $0xb8;
	[tilespmem:$0xF200] =	vst v63  }
0x91: {  	v3 =	vld [tilespmem:$0x79C0];
	_ =	sdelay $0x4  }
0x92: {  	v63 =	vshll.u32 v3, $0x1  }
0x93: {  	v3 =	vand.u32 $0x7, v3;
	v4 =	vand.u32 $0xFFFFFFF0, v63  }
0x94: {  	v3 =	vor.u32 v3, v4  }
0x95: {  	v4 =	vperm.xlane v3, v0;
	_ =	sdelay $0x1  }
0x96: {  	v3 =	vperm.xlane v3, v2;
	v4 =	vadd.s32 v1, v4;
	_ =	sdelay $0x1  }
0x97: {  	v3 =	vadd.s32 v1, v3;
	_ =	sdelay $0x2  }
0x98: {  	[tilespmem:s15], [sflag:$0x4] =	stream.indirect_vreg.gather [hbm4b:s3+s4], $0x80, v4, vm0, $0xb8;
	[tilespmem:$0xF200] =	vst v63  }
0x99: {  	_ = 	snop  }
0x9a: {  	[tilespmem:s19], [sflag:$0x4] =	stream.indirect_vreg.gather [hbm4b:s3+s4], $0x80, v3, vm0, $0xb8;
	[tilespmem:$0xF200] =	vst v63  }
0x9b: {  	_ =	swait.ge [sflag:s21], $0x2800  }
0x9c: {  	[sflag:s21] =	ssyncset.done $0x0  }
0x9d: {  	[sflag:s21] =	ssyncadd.s32 $0xFFFFD800  }
0x9e: {  	[hbm4b:s30+s4] =	stream.linear.scatter [tilespmem:s17], [sflag:$0x5], $0x2800, $0x38;
	[tilespmem:$0xF200] =	vst v63  }
0x9f: {  	_ =	swait.ge [sflag:s14], $0x2800  }
0xa0: {  	[sflag:s14] =	ssyncset.done $0x0  }
0xa1: {  	[sflag:s14] =	ssyncadd.s32 $0xFFFFD800  }
0xa2: {  	_ =	swait.ge [sflag:s22], $0x5000  }
0xa3: {  	[sflag:s22] =	ssyncset.done $0x0  }
0xa4: {  	[sflag:s22] =	ssyncadd.s32 $0xFFFFB000  }
0xa5: {  	[hbm4b:s2+s4] =	stream.linear.scatter [tilespmem:s18], [sflag:$0x5], $0x5000, $0x38;
	[tilespmem:$0xF200] =	vst v63  }
0xa6: {  	_ =	swait.ge [sflag:s14], $0x5000  }
0xa7: {  	[sflag:s14] =	ssyncset.done $0x0  }
0xa8: {  	[sflag:s14] =	ssyncadd.s32 $0xFFFFB000  }
0xa9: {  	_ =	swait.ge [sflag:s23], $0x2800  }
0xaa: {  	[sflag:s23] =	ssyncset.done $0x0  }
0xab: {  	s26 =	sadd.s32 $0x500, s30;
	[sflag:s23] =	ssyncadd.s32 $0xFFFFD800  }
0xac: {  	[hbm4b:s26+s4] =	stream.linear.scatter [tilespmem:s31], [sflag:$0x5], $0x2800, $0x38;
	[tilespmem:$0xF200] =	vst v63  }
0xad: {  	_ =	swait.ge [sflag:s14], $0x2800  }
0xae: {  	[sflag:s14] =	ssyncset.done $0x0  }
0xaf: {  	[sflag:s14] =	ssyncadd.s32 $0xFFFFD800  }
0xb0: {  	_ =	swait.ge [sflag:s24], $0x5000  }
0xb1: {  	p1 =	sne.s32 s7, $0x4D8;
	[sflag:s24] =	ssyncset.done $0x0  }
.Ltmp3:
0xb2: {  	s28 =	sadd.s32 $0xA00, s2;
	[sflag:s24] =	ssyncadd.s32 $0xFFFFB000;
	(pc) =	sbr.rel @p1 .LBB2_3-.Ltmp3, $4  }
0xb3: {  	[hbm4b:s28+s4] =	stream.linear.scatter [tilespmem:s0], [sflag:$0x5], $0x5000, $0x38;
	[tilespmem:$0xF200] =	vst v63  }
0xb4: {  	_ =	swait.ge [sflag:s14], $0x5000  }
0xb5: {  	s7 =	sadd.s32 $0x14, s7;
	[sflag:s14] =	ssyncset.done $0x0  }
0xb6: {  	s30 =	sadd.s32 $0xA00, s30;
	s2 =	sadd.s32 $0x1400, s2;
	[sflag:s14] =	ssyncadd.s32 $0xFFFFB000  }
.Ltmp4:
0xb7: {  	_ = 	snop;
	(pc) =	sbr.rel .LBB2_4-.Ltmp4, $1  }
0xb8: {  	_ =	sdelay $0x3  }
.LBB2_2:
0xb9: {  	s2 =	sadd.s32 s28, s11  }
0xba: {  	[tilespmem:s4], [sflag:$0x5] =	stream.linear.gather [hbm4b:s2+s4], $0x50, $0x38;
	[tilespmem:$0xF200] =	vst v63  }
0xbb: {  	_ =	swait.ge [sflag:s14], $0x50  }
0xbc: {  	[sflag:s14] =	ssyncset.done $0x0  }
0xbd: {  	s7 =	sadd.s32 s28, s10;
	s30 =	simm.s32 $0x80;
	[sflag:s14] =	ssyncadd.s32 $0xFFFFFFB0  }
0xbe: {  	[tilespmem:s30], [sflag:$0x5] =	stream.linear.gather [hbm4b:s7+s4], $0x50, $0x38;
	[tilespmem:$0xF200] =	vst v63  }
0xbf: {  	_ =	swait.ge [sflag:s14], $0x50  }
0xc0: {  	[sflag:s14] =	ssyncset.done $0x0  }
0xc1: {  	[sflag:s14] =	ssyncadd.s32 $0xFFFFFFB0  }
0xc2: {  	[tilespmem:s17], [sflag:$0x1] =	stream.indirect.gather [hbm4b:s5+s16], $0x80, s4, s16, $0xb8;
	[tilespmem:$0xF200] =	vst v63  }
0xc3: {  	v3 =	vld [tilespmem:$0x80];
	_ =	sdelay $0x4  }
0xc4: {  	v4 =	vshll.u32 v3, $0x1  }
0xc5: {  	v3 =	vand.u32 $0x7, v3;
	v4 =	vand.u32 $0xFFFFFFF0, v4  }
0xc6: {  	v3 =	vor.u32 v3, v4  }
0xc7: {  	v4 =	vperm.xlane v3, v0;
	_ =	sdelay $0x1  }
0xc8: {  	v3 =	vperm.xlane v3, v2;
	v4 =	vadd.s32 v1, v4;
	_ =	sdelay $0x1  }
0xc9: {  	v3 =	vadd.s32 v1, v3;
	_ =	sdelay $0x2  }
0xca: {  	[tilespmem:s18], [sflag:$0x2] =	stream.indirect_vreg.gather [hbm4b:s1+s4], $0x80, v4, vm0, $0xb8;
	[tilespmem:$0xF200] =	vst v63  }
0xcb: {  	s30 =	simm.s32 $0x3100  }
0xcc: {  	[tilespmem:s30], [sflag:$0x2] =	stream.indirect_vreg.gather [hbm4b:s1+s4], $0x80, v3, vm0, $0xb8;
	[tilespmem:$0xF200] =	vst v63  }
0xcd: {  	v3 =	vld [tilespmem:$0x90];
	_ =	sdelay $0x4  }
0xce: {  	v55 =	vshll.u32 v3, $0x1  }
0xcf: {  	v3 =	vand.u32 $0x7, v3;
	v4 =	vand.u32 $0xFFFFFFF0, v55  }
0xd0: {  	v3 =	vor.u32 v3, v4  }
0xd1: {  	v4 =	vperm.xlane v3, v0;
	_ =	sdelay $0x1  }
0xd2: {  	v3 =	vperm.xlane v3, v2;
	v4 =	vadd.s32 v1, v4;
	_ =	sdelay $0x1  }
0xd3: {  	v3 =	vadd.s32 v1, v3;
	_ =	sdelay $0x1  }
0xd4: {  	s30 =	simm.s32 $0x3900  }
0xd5: {  	[tilespmem:s30], [sflag:$0x2] =	stream.indirect_vreg.gather [hbm4b:s1+s4], $0x80, v4, vm0, $0xb8;
	[tilespmem:$0xF200] =	vst v63  }
0xd6: {  	s30 =	simm.s32 $0x4100  }
0xd7: {  	[tilespmem:s30], [sflag:$0x2] =	stream.indirect_vreg.gather [hbm4b:s1+s4], $0x80, v3, vm0, $0xb8;
	[tilespmem:$0xF200] =	vst v63  }
0xd8: {  	v3 =	vld [tilespmem:$0xA0];
	_ =	sdelay $0x4  }
0xd9: {  	v56 =	vshll.u32 v3, $0x1  }
0xda: {  	v3 =	vand.u32 $0x7, v3;
	v4 =	vand.u32 $0xFFFFFFF0, v56  }
0xdb: {  	v3 =	vor.u32 v3, v4  }
0xdc: {  	v4 =	vperm.xlane v3, v0;
	_ =	sdelay $0x1  }
0xdd: {  	v3 =	vperm.xlane v3, v2;
	v4 =	vadd.s32 v1, v4;
	_ =	sdelay $0x1  }
0xde: {  	v3 =	vadd.s32 v1, v3;
	_ =	sdelay $0x1  }
0xdf: {  	s30 =	simm.s32 $0x4900  }
0xe0: {  	[tilespmem:s30], [sflag:$0x2] =	stream.indirect_vreg.gather [hbm4b:s1+s4], $0x80, v4, vm0, $0xb8;
	[tilespmem:$0xF200] =	vst v63  }
0xe1: {  	s30 =	simm.s32 $0x5100  }
0xe2: {  	[tilespmem:s30], [sflag:$0x2] =	stream.indirect_vreg.gather [hbm4b:s1+s4], $0x80, v3, vm0, $0xb8;
	[tilespmem:$0xF200] =	vst v63  }
0xe3: {  	v3 =	vld [tilespmem:$0xB0];
	_ =	sdelay $0x4  }
0xe4: {  	v57 =	vshll.u32 v3, $0x1  }
0xe5: {  	v3 =	vand.u32 $0x7, v3;
	v4 =	vand.u32 $0xFFFFFFF0, v57  }
0xe6: {  	v3 =	vor.u32 v3, v4  }
0xe7: {  	v4 =	vperm.xlane v3, v0;
	_ =	sdelay $0x1  }
0xe8: {  	v3 =	vperm.xlane v3, v2;
	v4 =	vadd.s32 v1, v4;
	_ =	sdelay $0x1  }
0xe9: {  	v3 =	vadd.s32 v1, v3;
	_ =	sdelay $0x1  }
0xea: {  	s30 =	simm.s32 $0x5900  }
0xeb: {  	[tilespmem:s30], [sflag:$0x2] =	stream.indirect_vreg.gather [hbm4b:s1+s4], $0x80, v4, vm0, $0xb8;
	[tilespmem:$0xF200] =	vst v63  }
0xec: {  	s30 =	simm.s32 $0x6100  }
0xed: {  	[tilespmem:s30], [sflag:$0x2] =	stream.indirect_vreg.gather [hbm4b:s1+s4], $0x80, v3, vm0, $0xb8;
	[tilespmem:$0xF200] =	vst v63  }
0xee: {  	v3 =	vld [tilespmem:$0xC0];
	_ =	sdelay $0x4  }
0xef: {  	v58 =	vshll.u32 v3, $0x1  }
0xf0: {  	v3 =	vand.u32 $0x7, v3;
	v4 =	vand.u32 $0xFFFFFFF0, v58  }
0xf1: {  	v3 =	vor.u32 v3, v4  }
0xf2: {  	v4 =	vperm.xlane v3, v0;
	_ =	sdelay $0x1  }
0xf3: {  	v3 =	vperm.xlane v3, v2;
	v4 =	vadd.s32 v1, v4;
	_ =	sdelay $0x1  }
0xf4: {  	v3 =	vadd.s32 v1, v3;
	_ =	sdelay $0x1  }
0xf5: {  	s30 =	simm.s32 $0x6900  }
0xf6: {  	[tilespmem:s30], [sflag:$0x2] =	stream.indirect_vreg.gather [hbm4b:s1+s4], $0x80, v4, vm0, $0xb8;
	[tilespmem:$0xF200] =	vst v63  }
0xf7: {  	s30 =	simm.s32 $0x7100  }
0xf8: {  	[tilespmem:s30], [sflag:$0x2] =	stream.indirect_vreg.gather [hbm4b:s1+s4], $0x80, v3, vm0, $0xb8;
	[tilespmem:$0xF200] =	vst v63  }
0xf9: {  	s2 =	sadd.s32 $0xA, s2  }
0xfa: {  	[tilespmem:s29], [sflag:$0x5] =	stream.linear.gather [hbm4b:s2+s4], $0x50, $0x38;
	[tilespmem:$0xF200] =	vst v63  }
0xfb: {  	_ =	swait.ge [sflag:s14], $0x50  }
0xfc: {  	[sflag:s14] =	ssyncset.done $0x0  }
0xfd: {  	s7 =	sadd.s32 $0xA, s7;
	s30 =	simm.s32 $0x7980;
	[sflag:s14] =	ssyncadd.s32 $0xFFFFFFB0  }
0xfe: {  	[tilespmem:s30], [sflag:$0x5] =	stream.linear.gather [hbm4b:s7+s4], $0x50, $0x38;
	[tilespmem:$0xF200] =	vst v63  }
0xff: {  	_ =	swait.ge [sflag:s14], $0x50  }
0x100: {  	[sflag:s14] =	ssyncset.done $0x0  }
0x101: {  	[sflag:s14] =	ssyncadd.s32 $0xFFFFFFB0  }
0x102: {  	[tilespmem:s31], [sflag:$0x3] =	stream.indirect.gather [hbm4b:s5+s16], $0x80, s29, s16, $0xb8;
	[tilespmem:$0xF200] =	vst v63  }
0x103: {  	v3 =	vld [tilespmem:$0x7980];
	_ =	sdelay $0x4  }
0x104: {  	v59 =	vshll.u32 v3, $0x1  }
0x105: {  	v3 =	vand.u32 $0x7, v3;
	v4 =	vand.u32 $0xFFFFFFF0, v59  }
0x106: {  	v3 =	vor.u32 v3, v4  }
0x107: {  	v4 =	vperm.xlane v3, v0;
	_ =	sdelay $0x1  }
0x108: {  	v3 =	vperm.xlane v3, v2;
	v4 =	vadd.s32 v1, v4;
	_ =	sdelay $0x1  }
0x109: {  	v3 =	vadd.s32 v1, v3;
	_ =	sdelay $0x2  }
0x10a: {  	[tilespmem:s0], [sflag:$0x4] =	stream.indirect_vreg.gather [hbm4b:s1+s4], $0x80, v4, vm0, $0xb8;
	[tilespmem:$0xF200] =	vst v63  }
0x10b: {  	s7 =	simm.s32 $0xAA00  }
0x10c: {  	[tilespmem:s7], [sflag:$0x4] =	stream.indirect_vreg.gather [hbm4b:s1+s4], $0x80, v3, vm0, $0xb8;
	[tilespmem:$0xF200] =	vst v63  }
0x10d: {  	v3 =	vld [tilespmem:$0x7990];
	_ =	sdelay $0x4  }
0x10e: {  	v60 =	vshll.u32 v3, $0x1  }
0x10f: {  	v3 =	vand.u32 $0x7, v3;
	v4 =	vand.u32 $0xFFFFFFF0, v60  }
0x110: {  	v3 =	vor.u32 v3, v4  }
0x111: {  	v4 =	vperm.xlane v3, v0;
	_ =	sdelay $0x1  }
0x112: {  	v3 =	vperm.xlane v3, v2;
	v4 =	vadd.s32 v1, v4;
	_ =	sdelay $0x1  }
0x113: {  	v3 =	vadd.s32 v1, v3;
	_ =	sdelay $0x1  }
0x114: {  	s30 =	simm.s32 $0xB200  }
0x115: {  	[tilespmem:s30], [sflag:$0x4] =	stream.indirect_vreg.gather [hbm4b:s1+s4], $0x80, v4, vm0, $0xb8;
	[tilespmem:$0xF200] =	vst v63  }
0x116: {  	_ = 	snop  }
0x117: {  	[tilespmem:s20], [sflag:$0x4] =	stream.indirect_vreg.gather [hbm4b:s1+s4], $0x80, v3, vm0, $0xb8;
	[tilespmem:$0xF200] =	vst v63  }
0x118: {  	v3 =	vld [tilespmem:$0x79A0];
	_ =	sdelay $0x4  }
0x119: {  	v61 =	vshll.u32 v3, $0x1  }
0x11a: {  	v3 =	vand.u32 $0x7, v3;
	v4 =	vand.u32 $0xFFFFFFF0, v61  }
0x11b: {  	v3 =	vor.u32 v3, v4  }
0x11c: {  	v4 =	vperm.xlane v3, v0;
	_ =	sdelay $0x1  }
0x11d: {  	v3 =	vperm.xlane v3, v2;
	v4 =	vadd.s32 v1, v4;
	_ =	sdelay $0x1  }
0x11e: {  	v3 =	vadd.s32 v1, v3;
	_ =	sdelay $0x2  }
0x11f: {  	[tilespmem:s8], [sflag:$0x4] =	stream.indirect_vreg.gather [hbm4b:s1+s4], $0x80, v4, vm0, $0xb8;
	[tilespmem:$0xF200] =	vst v63  }
0x120: {  	_ = 	snop  }
0x121: {  	[tilespmem:s9], [sflag:$0x4] =	stream.indirect_vreg.gather [hbm4b:s1+s4], $0x80, v3, vm0, $0xb8;
	[tilespmem:$0xF200] =	vst v63  }
0x122: {  	v3 =	vld [tilespmem:$0x79B0];
	_ =	sdelay $0x4  }
0x123: {  	v62 =	vshll.u32 v3, $0x1  }
0x124: {  	v3 =	vand.u32 $0x7, v3;
	v4 =	vand.u32 $0xFFFFFFF0, v62  }
0x125: {  	v3 =	vor.u32 v3, v4  }
0x126: {  	v4 =	vperm.xlane v3, v0;
	_ =	sdelay $0x1  }
0x127: {  	v3 =	vperm.xlane v3, v2;
	v4 =	vadd.s32 v1, v4;
	_ =	sdelay $0x1  }
0x128: {  	v3 =	vadd.s32 v1, v3;
	_ =	sdelay $0x2  }
0x129: {  	[tilespmem:s12], [sflag:$0x4] =	stream.indirect_vreg.gather [hbm4b:s1+s4], $0x80, v4, vm0, $0xb8;
	[tilespmem:$0xF200] =	vst v63  }
0x12a: {  	_ = 	snop  }
0x12b: {  	[tilespmem:s13], [sflag:$0x4] =	stream.indirect_vreg.gather [hbm4b:s1+s4], $0x80, v3, vm0, $0xb8;
	[tilespmem:$0xF200] =	vst v63  }
0x12c: {  	v3 =	vld [tilespmem:$0x79C0];
	_ =	sdelay $0x4  }
0x12d: {  	v63 =	vshll.u32 v3, $0x1  }
0x12e: {  	v3 =	vand.u32 $0x7, v3;
	v4 =	vand.u32 $0xFFFFFFF0, v63  }
0x12f: {  	v3 =	vor.u32 v3, v4  }
0x130: {  	v4 =	vperm.xlane v3, v0;
	_ =	sdelay $0x1  }
0x131: {  	v3 =	vperm.xlane v3, v2;
	v4 =	vadd.s32 v1, v4;
	_ =	sdelay $0x1  }
0x132: {  	v3 =	vadd.s32 v1, v3;
	_ =	sdelay $0x2  }
0x133: {  	[tilespmem:s15], [sflag:$0x4] =	stream.indirect_vreg.gather [hbm4b:s1+s4], $0x80, v4, vm0, $0xb8;
	[tilespmem:$0xF200] =	vst v63  }
0x134: {  	_ = 	snop  }
0x135: {  	[tilespmem:s19], [sflag:$0x4] =	stream.indirect_vreg.gather [hbm4b:s1+s4], $0x80, v3, vm0, $0xb8;
	[tilespmem:$0xF200] =	vst v63  }
0x136: {  	_ =	swait.ge [sflag:s21], $0x2800  }
0x137: {  	[sflag:s21] =	ssyncset.done $0x0  }
0x138: {  	[sflag:s21] =	ssyncadd.s32 $0xFFFFD800  }
0x139: {  	[hbm4b:s25+s4] =	stream.linear.scatter [tilespmem:s17], [sflag:$0x5], $0x2800, $0x38;
	[tilespmem:$0xF200] =	vst v63  }
0x13a: {  	_ =	swait.ge [sflag:s14], $0x2800  }
0x13b: {  	[sflag:s14] =	ssyncset.done $0x0  }
0x13c: {  	[sflag:s14] =	ssyncadd.s32 $0xFFFFD800  }
0x13d: {  	_ =	swait.ge [sflag:s22], $0x5000  }
0x13e: {  	[sflag:s22] =	ssyncset.done $0x0  }
0x13f: {  	[sflag:s22] =	ssyncadd.s32 $0xFFFFB000  }
0x140: {  	[hbm4b:s26+s4] =	stream.linear.scatter [tilespmem:s18], [sflag:$0x5], $0x5000, $0x38;
	[tilespmem:$0xF200] =	vst v63  }
0x141: {  	_ =	swait.ge [sflag:s14], $0x5000  }
0x142: {  	[sflag:s14] =	ssyncset.done $0x0  }
0x143: {  	[sflag:s14] =	ssyncadd.s32 $0xFFFFB000  }
0x144: {  	_ =	swait.ge [sflag:s23], $0x2800  }
0x145: {  	[sflag:s23] =	ssyncset.done $0x0  }
0x146: {  	s7 =	sadd.s32 $0x500, s25;
	[sflag:s23] =	ssyncadd.s32 $0xFFFFD800  }
0x147: {  	[hbm4b:s7+s4] =	stream.linear.scatter [tilespmem:s31], [sflag:$0x5], $0x2800, $0x38;
	[tilespmem:$0xF200] =	vst v63  }
0x148: {  	_ =	swait.ge [sflag:s14], $0x2800  }
0x149: {  	[sflag:s14] =	ssyncset.done $0x0  }
0x14a: {  	[sflag:s14] =	ssyncadd.s32 $0xFFFFD800  }
0x14b: {  	_ =	swait.ge [sflag:s24], $0x5000  }
0x14c: {  	p1 =	seq.s32 s28, $0x4D8;
	[sflag:s24] =	ssyncset.done $0x0  }
.Ltmp5:
0x14d: {  	s30 =	sadd.s32 $0xA00, s26;
	[sflag:s24] =	ssyncadd.s32 $0xFFFFB000;
	(pc) =	sbr.rel @!p1 .LBB2_2-.Ltmp5, $4  }
0x14e: {  	[hbm4b:s30+s4] =	stream.linear.scatter [tilespmem:s0], [sflag:$0x5], $0x5000, $0x38;
	[tilespmem:$0xF200] =	vst v63  }
0x14f: {  	_ =	swait.ge [sflag:s14], $0x5000  }
0x150: {  	s28 =	sadd.s32 $0x14, s28;
	[sflag:s14] =	ssyncset.done $0x0  }
0x151: {  	s25 =	sadd.s32 $0xA00, s25;
	s26 =	sadd.s32 $0x1400, s26;
	[sflag:s14] =	ssyncadd.s32 $0xFFFFB000  }
.Ltmp6:
0x152: {  	_ = 	snop;
	(pc) =	sbr.rel .LBB2_4-.Ltmp6, $1  }
0x153: {  	_ =	sdelay $0x3  }
.LBB2_5:
0x154: {  	_ =	sfence.sel $0x180000  }
0x155: {  	[bflag:$0x0] =	sbarrier.arrive $0xFFFF  }
0x156: {  	_ =	strace $0x90000047  }
0x157: {  	s0 =	stileid.u32;
	[bflag:$0x2] =	sbarrier.arrive $0xFFFF  }
0x158: {  	p0 =	sne.s32 s0, $0x0;
	s0 =	rddreg [dreg:$0x3]  }
0x159: {  	s0 =	sadd.s32 @!p0 $0x100000, s0  }
0x15a: {  	[sflag:s0] =	ssyncadd.tile.s32 @!p0 $0x1;
	_ =	shalt  }
.Lfunc_end2:
_tile_overlayer_lowered:
.L_overlay_start_2:
0x15b: {  	(tag) =	ssettag $0x2  }
0x15c: {  	s0 =	rddreg [dreg:$0x0];
	s2 =	stileid.u32  }
0x15d: {  	s1 =	rddreg [dreg:$0x1];
	p0 =	sne.s32 s2, $0x0  }
0x15e: {  	s3 =	rddreg [dreg:$0x2];
	[bflag:$0x3] =	sbarrier.arrive $0xFFFF;
	s2 =	simm.s32 @!p0 $0x1C05  }
0x15f: {  	[timem:s3], [sflag:s2] =	dma.local @!p0 [hbm:s0], s1  }
0x160: {  	s0 =	simm.s32 @!p0 $0x5  }
0x161: {  	_ =	swait.ge @!p0 [sflag:s0], s1  }
0x162: {  	s1 =	ssub.s32 @!p0 $0x0, s1;
	[sflag:s0] =	ssyncset.done @!p0 $0x0  }
0x163: {  	[sflag:s0] =	ssyncadd.s32 @!p0 s1  }
0x164: {  	[bflag:$0x3] =	sbarrier.arrive $0xFFFF  }
0x165: {  	_ =	shalt  }

// kernel: kernel.15.cloned.1.call-start
scs
__scs_entry_jumppad:
0x0: {  	(pc) =	sbr.rel $0x88, $3  }
0x1: {  	(tag) =	ssettag $0x0;
	lr =	simm.s32 $0x1  }
0x2: {  	[smem:$0x3F7C] =	sst lr;
	_ =	strace $0xD0000000  }
0x3: {  	_ = 	snop  }
0x4: {  	_ = 	snop  }
0x5: {  	_ = 	snop  }
0x6: {  	_ = 	snop  }
0x7: {  	_ = 	snop  }
__scs_overlays_trampoline_lowered:
0x8: {  	[smem:$0x3F8B] =	sst s0  }
0x9: {  	[smem:$0x3F8C] =	sst s1  }
0xa: {  	[smem:$0x3F8D] =	sst s2  }
0xb: {  	[smem:$0x3F8E] =	sst s3  }
0xc: {  	[smem:$0x3F8F] =	sst s4  }
0xd: {  	[smem:$0x3F90] =	sst s5  }
0xe: {  	[smem:$0x3F91] =	sst s6  }
0xf: {  	[smem:$0x3F92] =	sst s7  }
0x10: {  	[smem:$0x3F93] =	sst s8  }
0x11: {  	[smem:$0x3F94] =	sst s9;
	s0 =	simm.s32 @!p0 $0x0  }
0x12: {  	s1 =	sld [smem:$0x3F7A];
	s0 =	simm.s32 @p0 $0x1  }
0x13: {  	[smem:$0x3F95] =	sst s0;
	s0 =	simm.s32 @!p1 $0x0  }
0x14: {  	s2 =	sld [smem:$0x3F79];
	s0 =	simm.s32 @p1 $0x1  }
0x15: {  	[smem:$0x3F96] =	sst s0;
	s0 =	simm.s32 @!p2 $0x0  }
0x16: {  	s3 =	sld [smem:$0x3FDB];
	s0 =	simm.s32 @p2 $0x1  }
0x17: {  	s4 =	simm.s32 $0x1BF5;
	[smem:$0x3F98] =	sst s0  }
0x18: {  	s0 =	sld [smem:$0x3F7B];
	_ =	swait.ge [sflag:s4], $0x0  }
0x19: {  	s7 =	sld [smem:$0x3F7C]  }
0x1a: {  	s8 =	sadd.s32 $0xFFFFE003, lr  }
0x1b: {  	s9 =	sadd.s32 $0xFFFFFEF7, lr;
	s5 =	simm.s32 $0xFFFFFFFF;
	p2 =	slt.u32 s8, $0xFFFFF086  }
0x1c: {  	p1 =	slt.u32 s9, $0xF7A;
	s5 =	simm.s32 @!p2 $0x0  }
0x1d: {  	s5 =	simm.s32 @p1 $0x1;
	p0 =	seq.s32 s7, s2  }
0x1e: {  	s7 =	smul.u32 @!p0 $0xF7A, s2;
	p2 =	seq.s32 @!p0 s5, $0x0  }
0x1f: {  	s9 =	smul.u32 $0xF7A, s1;
	s8 =	simm.s32 @!p0 $0x1BF5;
	p2 =	por !p2, p0  }
0x20: {  	[sflag:s8] =	ssyncset.s32 @!p0 $0xFFFFF086;
	s6 =	sadd.s32 @!p0 s3, s7;
	s7 =	simm.s32 @!p0 $0x108  }
0x21: {  	s3 =	sadd.s32 s3, s9;
	s6 =	sadd.s32 @!p0 $0x88, s6;
	s7 =	simm.s32 @p2 $0x1082  }
0x22: {  	[simem:s7], [sflag:s8] =	dma.local @!p0 [hbm:s6], $0xF7A  }
0x23: {  	s9 =	sor.u32 $0xD0000000, s2;
	s6 =	simm.s32 $0x108;
	_ =	swait.ge @!p0 [sflag:s8], $0x0  }
0x24: {  	s3 =	sadd.s32 $0x88, s3;
	s6 =	simm.s32 @!p1 $0x1082;
	[sflag:s4] =	ssyncset.s32 $0xFFFFF086  }
0x25: {  	[simem:s6], [sflag:s4] =	dma.local [hbm:s3], $0xF7A  }
0x26: {  	[smem:$0x3F7C] =	sst s1;
	(tag) =	ssettag s2;
	_ =	strace s9  }
0x27: {  	s1 =	sld [smem:$0x3F8C]  }
0x28: {  	s2 =	sld [smem:$0x3F8D]  }
0x29: {  	s4 =	sld [smem:$0x3F8F]  }
0x2a: {  	p0 =	seq.s32 s5, $0x0;
	s5 =	sld [smem:$0x3F90]  }
0x2b: {  	s6 =	sld [smem:$0x3F91]  }
0x2c: {  	s7 =	sld [smem:$0x3F92]  }
0x2d: {  	s3 =	simm.s32 $0x108;
	s8 =	sld [smem:$0x3F93]  }
0x2e: {  	s3 =	simm.s32 @!p0 $0x1082;
	s9 =	sld [smem:$0x3F94]  }
0x2f: {  	lr =	sadd.s32 s0, s3;
	s0 =	sld [smem:$0x3F8B]  }
0x30: {  	s3 =	sld [smem:$0x3F8E]  }
0x31: {  	[smem:$0x3F97] =	sst s10  }
0x32: {  	s10 =	sld [smem:$0x3F95];
	_ =	sdelay $0x3  }
0x33: {  	p0 =	seq.s32 s10, $0x1;
	s10 =	sld [smem:$0x3F97];
	_ =	sdelay $0x3  }
0x34: {  	[smem:$0x3F97] =	sst s10  }
0x35: {  	s10 =	sld [smem:$0x3F96];
	_ =	sdelay $0x3  }
0x36: {  	p1 =	seq.s32 s10, $0x1;
	s10 =	sld [smem:$0x3F97];
	_ =	sdelay $0x3  }
0x37: {  	[smem:$0x3F97] =	sst s10  }
0x38: {  	s10 =	sld [smem:$0x3F98]  }
0x39: {  	_ = 	snop;
	(pc) =	sbr.ind lr, $3  }
0x3a: {  	_ = 	snop  }
0x3b: {  	_ = 	snop  }
0x3c: {  	p2 =	seq.s32 s10, $0x1;
	s10 =	sld [smem:$0x3F97]  }
0x3d: {  	_ =	shalt  }
0x3e: {  	_ =	shalt  }
0x3f: {  	_ =	shalt  }
0x40: {  	_ =	shalt  }
0x41: {  	_ =	shalt  }
0x42: {  	_ =	shalt  }
0x43: {  	_ =	shalt  }
0x44: {  	_ =	shalt  }
0x45: {  	_ =	shalt  }
0x46: {  	_ =	shalt  }
0x47: {  	_ =	shalt  }
0x48: {  	_ =	shalt  }
0x49: {  	_ =	shalt  }
0x4a: {  	_ =	shalt  }
0x4b: {  	_ =	shalt  }
0x4c: {  	_ =	shalt  }
0x4d: {  	_ =	shalt  }
0x4e: {  	_ =	shalt  }
0x4f: {  	_ =	shalt  }
0x50: {  	_ =	shalt  }
0x51: {  	_ =	shalt  }
0x52: {  	_ =	shalt  }
0x53: {  	_ =	shalt  }
0x54: {  	_ =	shalt  }
0x55: {  	_ =	shalt  }
0x56: {  	_ =	shalt  }
0x57: {  	_ =	shalt  }
0x58: {  	_ =	shalt  }
0x59: {  	_ =	shalt  }
0x5a: {  	_ =	shalt  }
0x5b: {  	_ =	shalt  }
0x5c: {  	_ =	shalt  }
0x5d: {  	_ =	shalt  }
0x5e: {  	_ =	shalt  }
0x5f: {  	_ =	shalt  }
0x60: {  	_ =	shalt  }
0x61: {  	_ =	shalt  }
0x62: {  	_ =	shalt  }
0x63: {  	_ =	shalt  }
0x64: {  	_ =	shalt  }
0x65: {  	_ =	shalt  }
0x66: {  	_ =	shalt  }
0x67: {  	_ =	shalt  }
0x68: {  	_ =	shalt  }
0x69: {  	_ =	shalt  }
0x6a: {  	_ =	shalt  }
0x6b: {  	_ =	shalt  }
0x6c: {  	_ =	shalt  }
0x6d: {  	_ =	shalt  }
0x6e: {  	_ =	shalt  }
0x6f: {  	_ =	shalt  }
0x70: {  	_ =	shalt  }
0x71: {  	_ =	shalt  }
0x72: {  	_ =	shalt  }
0x73: {  	_ =	shalt  }
0x74: {  	_ =	shalt  }
0x75: {  	_ =	shalt  }
0x76: {  	_ =	shalt  }
0x77: {  	_ =	shalt  }
0x78: {  	_ =	shalt  }
0x79: {  	_ =	shalt  }
0x7a: {  	_ =	shalt  }
0x7b: {  	_ =	shalt  }
0x7c: {  	_ =	shalt  }
0x7d: {  	_ =	shalt  }
0x7e: {  	_ =	shalt  }
0x7f: {  	_ =	shalt  }
0x80: {  	_ =	shalt  }
0x81: {  	_ =	shalt  }
0x82: {  	_ =	shalt  }
0x83: {  	_ =	shalt  }
0x84: {  	_ =	shalt  }
0x85: {  	_ =	shalt  }
0x86: {  	_ =	shalt  }
0x87: {  	_ =	shalt  }
.Lfunc_end0:
.L_simem_size_0:
called_computation.2_lowered:
.L_overlay_start_0:
0x88: {  	s2 =	sld [smem:$0x3FD9]  }
0x89: {  	s3 =	sld [smem:$0x3FFE];
	_ =	sdelay $0x1  }
0x8a: {  	s1 =	srdreg.scid  }
0x8b: {  	s0 =	sand.u32 $0x1, s1  }
0x8c: {  	s15 =	sshll.u32 s0, $0xA;
	s2 =	sadd.s32 s3, s2  }
0x8d: {  	s2 =	sadd.s32 s2, s15  }
0x8e: {  	[smem:$0x3FA3] =	sst s2  }
0x8f: {  	_ = 	snop  }
0x90: {  	s2 =	sld [smem:$0x3FD0];
	_ =	sdelay $0x2  }
0x91: {  	s4 =	simm.s32 $0xC;
	s16 =	simm.s32 $0x10  }
0x92: {  	[smem:s16], [sflag:s4] =	dma.local [hbm:s2], $0x1  }
0x93: {  	_ =	swait.eq [sflag:s4], $0x1  }
0x94: {  	[sflag:s4] =	ssyncset.done $0x0  }
0x95: {  	s17 =	sld [smem:$0x10];
	[sflag:s4] =	ssyncadd.s32 $0xFFFFFFFF  }
0x96: {  	s18 =	sld [smem:$0x11];
	(tm) =	ssettm $0x1  }
0x97: {  	s19 =	sld [smem:$0x3FFB];
	_ =	sdelay $0x3  }
0x98: {  	_ =	strace s19  }
0x99: {  	s2 =	sld [smem:$0x3FFC];
	_ =	sdelay $0x3  }
0x9a: {  	_ =	strace s2  }
0x9b: {  	s2 =	sld [smem:$0x3FFD];
	_ =	sdelay $0x3  }
0x9c: {  	_ =	strace s2  }
0x9d: {  	_ =	strace $0x8FFFFFFF  }
0x9e: {  	s20 =	sld [smem:$0x3FDB];
	_ =	sdelay $0x1  }
0x9f: {  	s5 =	simm.s32 $_scs_section_size  }
0xa0: {  	s6 =	simm.s32 $_size__tile_overlayer_lowered;
	s7 =	simm.s32 $_tile_overlayer_lowered  }
0xa1: {  	s8 =	simm.s32 $0x1BFF;
	s21 =	sshll.u32 s7, $0x1;
	s5 =	sadd.s32 s5, s20  }
0xa2: {  	s22 =	simm.s32 $0x0;
	s6 =	sshll.u32 s6, $0x1;
	s7 =	sadd.s32 s21, s5  }
0xa3: {  	[timem:s22], [sflag:s8] =	dma.local [hbm:s7], s6  }
0xa4: {  	_ =	swait.ge [sflag:s8], s6  }
0xa5: {  	s6 =	ssub.s32 $0x0, s6;
	[sflag:s8] =	ssyncset.done $0x0  }
0xa6: {  	[sflag:s8] =	ssyncadd.s32 s6;
	_ =	sdelay $0x1  }
0xa7: {  	s23 =	simm.s32 $0x1B8B  }
0xa8: {  	_ =	swait.ge [sflag:s23], $0x1  }
0xa9: {  	[sflag:s23] =	ssyncset.done $0x0  }
0xaa: {  	[sflag:s23] =	ssyncadd.s32 $0xFFFFFFFF  }
0xab: {  	s6 =	sld [smem:$0x0]  }
0xac: {  	s7 =	sand.u32 $0xFFFFFFFE, s1  }
0xad: {  	p0 =	sne.s32 s1, s7  }
0xae: {  	s7 =	sshll.u32 @p0 s7, $0xE  }
0xaf: {  	s7 =	sadd.s32 @p0 $0x11B8D, s7;
	s8 =	sshll.u32 @p0 s6, $0x11  }
0xb0: {  	s7 =	sor.u32 @p0 s8, s7  }
0xb1: {  	[sflag:s7] =	ssyncadd.remote.s32 @p0 $0x1;
	_ =	sdelay $0x1  }
0xb2: {  	s7 =	simm.s32 @p0 $0x1B8D  }
0xb3: {  	_ =	swait.eq @p0 [sflag:s7], $0x1  }
0xb4: {  	[sflag:s7] =	ssyncadd.s32 @p0 $0xFFFFFFFF  }
0xb5: {  	s8 =	sshll.u32 @!p0 s1, $0xE  }
0xb6: {  	s8 =	sor.u32 @!p0 $0x4000, s8;
	s7 =	simm.s32 @!p0 $0x1B8D  }
0xb7: {  	s6 =	sshll.u32 @!p0 s6, $0x11;
	s8 =	sadd.s32 @!p0 $0x11B8D, s8;
	_ =	swait.eq @!p0 [sflag:s7], $0x1  }
0xb8: {  	s6 =	sor.u32 @!p0 s6, s8;
	[sflag:s7] =	ssyncadd.s32 @!p0 $0xFFFFFFFF  }
0xb9: {  	s25 =	simm.s32 $0x1B8E;
	s24 =	sld [smem:$0x3FFE];
	[sflag:s6] =	ssyncadd.remote.s32 @!p0 $0x1  }
0xba: {  	s26 =	simm.s32 $execute0_lowered;
	[smem:$0x3FD2] =	sst s25  }
0xbb: {  	s7 =	sshll.u32 s26, $0x1;
	_ =	strace $0x8000004F;
	[dreg:$0x1] =	wrdreg $0xFFFFFFFF  }
0xbc: {  	s28 =	simm.s32 $_size_execute0_lowered;
	s5 =	sadd.s32 s5, s7;
	[dreg:$0x0] =	wrdreg $0x0  }
0xbd: {  	s7 =	sshll.u32 s28, $0x1;
	[dreg:$0x2] =	wrdreg s5  }
0xbe: {  	[dreg:$0x3] =	wrdreg s7  }
0xbf: {  	[dreg:$0x4] =	wrdreg $0xC0  }
0xc0: {  	_ =	task [dreg:s22], $0x5FFFF  }
0xc1: {  	[dreg:$0x1] =	wrdreg $0xFFFFFFFF  }
0xc2: {  	[dreg:$0x0] =	wrdreg $0x60  }
0xc3: {  	[dreg:$0x2] =	wrdreg s24  }
0xc4: {  	[dreg:$0x3] =	wrdreg s18  }
0xc5: {  	[dreg:$0x4] =	wrdreg s17  }
0xc6: {  	[dreg:$0x5] =	wrdreg $0x0  }
0xc7: {  	[dreg:$0x6] =	wrdreg $0xA  }
0xc8: {  	_ =	task.clear_ibuf [dreg:s22], $0x7FFFF;
	_ =	strace $0x9000004F  }
0xc9: {  	s29 =	simm.s32 $0xA;
	_ =	strace $0x80000051  }
0xca: {  	_ =	swait.ge [sflag:s29], $0x1  }
0xcb: {  	[sflag:s29] =	ssyncadd.s32 $0xFFFFFFFF  }
0xcc: {  	_ =	strace $0x90000051  }
0xcd: {  	_ =	sfence  }
0xce: {  	s30 =	sld [smem:$0x0];
	_ =	sdelay $0x2  }
0xcf: {  	s31 =	sshll.u32 s1, $0xD;
	s1 =	sshrl.u32 s1, $0x2  }
0xd0: {  	s4 =	sand.u32 $0x4000, s31;
	s1 =	sadd.s32 s1, s30  }
0xd1: {  	s0 =	sor.u32 s4, s0;
	s1 =	sshll.u32 s1, $0x11  }
0xd2: {  	s0 =	sor.u32 s1, s0  }
0xd3: {  	s0 =	sadd.s32 $0x8F2B, s0  }
0xd4: {  	[sflag:s0] =	ssyncadd.remote.s32 $0x1  }
0xd5: {  	_ =	sfence.sel $0xFFFF  }
0xd6: {  	[dreg:$0x0] =	wrdreg $0xFFFFFFFF;
	(pc) =	sbr.abs _section_cstart, $3  }
0xd7: {  	[dreg:$0x1] =	wrdreg $0xFFFFFFFF  }
0xd8: {  	_ =	task.clear_ibuf [dreg:s22], $0x2FFFF;
	_ =	strace $0x9FFFFFFF  }
0xd9: {  	(tm) =	ssettm $0x7FFFFFFF  }
tec
execute0_lowered:
.L_overlay_start_1:
0x0: {  	(tag) =	ssettag $0x1  }
0x1: {  	s9 =	rddreg [dreg:$0x0]  }
0x2: {  	s1 =	rddreg [dreg:$0x1]  }
0x3: {  	s3 =	rddreg [dreg:$0x2]  }
0x4: {  	s4 =	rddreg [dreg:$0x3]  }
0x5: {  	s0 =	rddreg [dreg:$0x4];
	s5 =	simm.s32 $0x0;
	s2 =	stileid.u32  }
0x6: {  	s8 =	srdreg.scid;
	s16 =	simm.s32 $0x14000;
	s17 =	simm.s32 $0x14080  }
0x7: {  	s18 =	simm.s32 $0x50;
	s19 =	simm.s32 $0x14100;
	s20 =	simm.s32 $0x16900  }
0x8: {  	s21 =	simm.s32 $0x16980;
	s22 =	simm.s32 $0x16A00;
	s23 =	simm.s32 $0x1  }
0x9: {  	s24 =	simm.s32 $0x2;
	s25 =	simm.s32 $0x0;
	s10 =	smul.u32 $0x4EC, s2  }
0xa: {  	[smem:$0x7FF] =	sst s5;
	s6 =	smul.u32 $0x2800, s2;
	s7 =	sadd.s32 $0x12BE400, s9  }
0xb: {  	s11 =	sand.u32 $0x1, s8;
	s12 =	smul.u32 $0x50000, s2;
	s8 =	sadd.s32 $0x1048400, s9  }
0xc: {  	s31 =	sshll.u32 s2, $0x6;
	_ =	strace $0x80000050;
	s30 =	ssub.s32 $0x2, s11  }
.Ltmp0:
0xd: {  	p0 =	seq.s32 s11, $0x1;
	s13 =	sadd.s32 s10, s9;
	(pc) =	sbr.rel .LBB2_1-.Ltmp0, $4  }
0xe: {  	s9 =	sadd.s32 s6, s9;
	s14 =	sshrl.u32 s30, $0x1;
	s12 =	sshrl.u32 s12, $0x2  }
0xf: {  	s10 =	sor.u32 $0x1C03, s31;
	s14 =	ssub.s32 s30, s14;
	s15 =	sadd.s32 s12, s4  }
0x10: {  	s9 =	sadd.s32 $0xFD0400, s9;
	s12 =	sadd.s32 $0xAA000, s13;
	s13 =	sadd.s32 $0xAF000, s13  }
0x11: {  	s11 =	smax.u32 s14, $0x1;
	s14 =	sshrl.u32 s15, $0x3;
	s15 =	simm.s32 $0x3  }
.LBB2_7:
0x12: {  	s28 =	sadd.s32 s26, s13;
	[sflag:s15] =	ssyncadd.s32 $0xFFFFD800  }
0x13: {  	[tilespmem:s16], [sflag:$0x3] =	stream.linear.gather [hbm4b:s28+s5], $0x50, $0x38;
	[tilespmem:$0x19200] =	vst v63  }
0x14: {  	_ =	swait.ge [sflag:s15], $0x50  }
0x15: {  	[sflag:s15] =	ssyncset.done $0x0  }
0x16: {  	s31 =	sadd.s32 s26, s12;
	[sflag:s15] =	ssyncadd.s32 $0xFFFFFFB0  }
0x17: {  	[tilespmem:s17], [sflag:$0x3] =	stream.linear.gather [hbm4b:s31+s5], $0x50, $0x38;
	[tilespmem:$0x19200] =	vst v63  }
0x18: {  	_ =	swait.ge [sflag:s15], $0x50  }
0x19: {  	[sflag:s15] =	ssyncset.done $0x0  }
0x1a: {  	[sflag:s15] =	ssyncadd.s32 $0xFFFFFFB0  }
0x1b: {  	[tilespmem:s19], [sflag:$0x1] =	stream.indirect.gather [hbm4b:s8+s18], $0x80, s16, s18, $0xb8;
	[tilespmem:$0x19200] =	vst v63  }
0x1c: {  	s28 =	sadd.s32 $0xA, s28  }
0x1d: {  	[tilespmem:s20], [sflag:$0x3] =	stream.linear.gather [hbm4b:s28+s5], $0x50, $0x38;
	[tilespmem:$0x19200] =	vst v63  }
0x1e: {  	_ =	swait.ge [sflag:s15], $0x50  }
0x1f: {  	[sflag:s15] =	ssyncset.done $0x0  }
0x20: {  	s26 =	sadd.s32 $0xA, s31;
	[sflag:s15] =	ssyncadd.s32 $0xFFFFFFB0  }
0x21: {  	[tilespmem:s21], [sflag:$0x3] =	stream.linear.gather [hbm4b:s26+s5], $0x50, $0x38;
	[tilespmem:$0x19200] =	vst v63  }
0x22: {  	_ =	swait.ge [sflag:s15], $0x50  }
0x23: {  	[sflag:s15] =	ssyncset.done $0x0  }
0x24: {  	[sflag:s15] =	ssyncadd.s32 $0xFFFFFFB0  }
0x25: {  	[tilespmem:s22], [sflag:$0x2] =	stream.indirect.gather [hbm4b:s8+s18], $0x80, s20, s18, $0xb8;
	[tilespmem:$0x19200] =	vst v63  }
0x26: {  	_ =	swait.ge [sflag:s23], $0x2800  }
0x27: {  	[sflag:s23] =	ssyncset.done $0x0  }
0x28: {  	[sflag:s23] =	ssyncadd.s32 $0xFFFFD800  }
0x29: {  	[spmem:s4] =	stream.indirect.scatter.add.f32 [tilespmem:s19], [sflag:$0x3], $0x80, s17, s18, $0xb8;
	[tilespmem:$0x19200] =	vst v63  }
0x2a: {  	_ =	swait.ge [sflag:s15], $0x2800  }
0x2b: {  	[sflag:s15] =	ssyncset.done $0x0  }
0x2c: {  	[sflag:s15] =	ssyncadd.s32 $0xFFFFD800  }
0x2d: {  	_ =	swait.ge [sflag:s24], $0x2800  }
0x2e: {  	[sflag:s24] =	ssyncset.done $0x0  }
0x2f: {  	[sflag:s24] =	ssyncadd.s32 $0xFFFFD800  }
0x30: {  	[spmem:s4] =	stream.indirect.scatter.add.f32 [tilespmem:s22], [sflag:$0x3], $0x80, s21, s18, $0xb8;
	[tilespmem:$0x19200] =	vst v63  }
0x31: {  	_ =	swait.ge [sflag:s15], $0x2800  }
0x32: {  	[sflag:s15] =	ssyncset.done $0x0  }
0x33: {  	s26 =	smov.u32 s3;
	[sflag:s15] =	ssyncadd.s32 $0xFFFFD800  }
.LBB2_8:
0x34: {  	s25 =	sadd.s32 $0x1, s25  }
0x35: {  	p1 =	sne.s32 s25, s11  }
.Ltmp1:
0x36: {  	s26 =	sadd.s32 s26, s6;
	[bflag:$0x0] =	sbarrier.arrive $0xFFFF;
	(pc) =	sbr.rel @!p1 .LBB2_9-.Ltmp1, $4  }
0x37: {  	[hbm:s26], [sflag:s10] =	dma.local [spmem:s14], $0x2800  }
0x38: {  	_ =	swait.ge [sflag:s15], $0x2800  }
0x39: {  	[sflag:s15] =	ssyncset.done $0x0  }
0x3a: {  	[sflag:s15] =	ssyncadd.s32 $0xFFFFD800  }
.LBB2_1:
0x3b: {  	[spmem:s14], [sflag:s10] =	dma.local [hbm:s9], $0x2800  }
.Ltmp2:
0x3c: {  	_ =	swait.ge [sflag:s15], $0x2800;
	(pc) =	sbr.rel @!p0 .LBB2_2-.Ltmp2, $4  }
0x3d: {  	[sflag:s15] =	ssyncset.done $0x0  }
0x3e: {  	[sflag:s15] =	ssyncadd.s32 $0xFFFFD800  }
0x3f: {  	[bflag:$0x0] =	sbarrier.arrive $0xFFFF  }
0x40: {  	s26 =	sadd.s32 $0x0, s13  }
0x41: {  	[tilespmem:s16], [sflag:$0x3] =	stream.linear.gather [hbm4b:s26+s5], $0x50, $0x38;
	[tilespmem:$0x19200] =	vst v63  }
0x42: {  	_ =	swait.ge [sflag:s15], $0x50  }
0x43: {  	[sflag:s15] =	ssyncset.done $0x0  }
0x44: {  	s28 =	sadd.s32 $0x0, s12;
	[sflag:s15] =	ssyncadd.s32 $0xFFFFFFB0  }
0x45: {  	[tilespmem:s17], [sflag:$0x3] =	stream.linear.gather [hbm4b:s28+s5], $0x50, $0x38;
	[tilespmem:$0x19200] =	vst v63  }
0x46: {  	_ =	swait.ge [sflag:s15], $0x50  }
0x47: {  	[sflag:s15] =	ssyncset.done $0x0  }
0x48: {  	[sflag:s15] =	ssyncadd.s32 $0xFFFFFFB0  }
0x49: {  	[tilespmem:s19], [sflag:$0x1] =	stream.indirect.gather [hbm4b:s8+s18], $0x80, s16, s18, $0xb8;
	[tilespmem:$0x19200] =	vst v63  }
0x4a: {  	s30 =	sadd.s32 $0xA, s26  }
0x4b: {  	[tilespmem:s20], [sflag:$0x3] =	stream.linear.gather [hbm4b:s30+s5], $0x50, $0x38;
	[tilespmem:$0x19200] =	vst v63  }
0x4c: {  	_ =	swait.ge [sflag:s15], $0x50  }
0x4d: {  	[sflag:s15] =	ssyncset.done $0x0  }
0x4e: {  	s31 =	sadd.s32 $0xA, s28;
	[sflag:s15] =	ssyncadd.s32 $0xFFFFFFB0  }
0x4f: {  	[tilespmem:s21], [sflag:$0x3] =	stream.linear.gather [hbm4b:s31+s5], $0x50, $0x38;
	[tilespmem:$0x19200] =	vst v63  }
0x50: {  	_ =	swait.ge [sflag:s15], $0x50  }
0x51: {  	[sflag:s15] =	ssyncset.done $0x0  }
0x52: {  	[sflag:s15] =	ssyncadd.s32 $0xFFFFFFB0  }
0x53: {  	[tilespmem:s22], [sflag:$0x2] =	stream.indirect.gather [hbm4b:s8+s18], $0x80, s20, s18, $0xb8;
	[tilespmem:$0x19200] =	vst v63  }
0x54: {  	_ =	swait.ge [sflag:s23], $0x2800  }
0x55: {  	[sflag:s23] =	ssyncset.done $0x0  }
0x56: {  	[sflag:s23] =	ssyncadd.s32 $0xFFFFD800  }
0x57: {  	[spmem:s4] =	stream.indirect.scatter.add.f32 [tilespmem:s19], [sflag:$0x3], $0x80, s17, s18, $0xb8;
	[tilespmem:$0x19200] =	vst v63  }
0x58: {  	_ =	swait.ge [sflag:s15], $0x2800  }
0x59: {  	[sflag:s15] =	ssyncset.done $0x0  }
0x5a: {  	[sflag:s15] =	ssyncadd.s32 $0xFFFFD800  }
0x5b: {  	_ =	swait.ge [sflag:s24], $0x2800  }
0x5c: {  	[sflag:s24] =	ssyncset.done $0x0  }
0x5d: {  	[sflag:s24] =	ssyncadd.s32 $0xFFFFD800  }
0x5e: {  	[spmem:s4] =	stream.indirect.scatter.add.f32 [tilespmem:s22], [sflag:$0x3], $0x80, s21, s18, $0xb8;
	[tilespmem:$0x19200] =	vst v63  }
0x5f: {  	_ =	swait.ge [sflag:s15], $0x2800  }
0x60: {  	s26 =	simm.s32 $0x14;
	s29 =	simm.s32 $0x28;
	[sflag:s15] =	ssyncset.done $0x0  }
.LBB2_6:
0x61: {  	s30 =	sadd.s32 s26, s13  }
0x62: {  	[sflag:s15] =	ssyncadd.s32 $0xFFFFD800;
	s31 =	smov.u32 s29;
	s28 =	sadd.s32 $0x14, s29  }
0x63: {  	[tilespmem:s16], [sflag:$0x3] =	stream.linear.gather [hbm4b:s30+s5], $0x50, $0x38;
	[tilespmem:$0x19200] =	vst v63  }
0x64: {  	p1 =	sne.s32 s29, $0x4D8;
	_ =	swait.ge [sflag:s15], $0x50  }
0x65: {  	[sflag:s15] =	ssyncset.done $0x0  }
0x66: {  	s29 =	sadd.s32 s26, s12;
	s26 =	smov.u32 s31;
	[sflag:s15] =	ssyncadd.s32 $0xFFFFFFB0  }
0x67: {  	[tilespmem:s17], [sflag:$0x3] =	stream.linear.gather [hbm4b:s29+s5], $0x50, $0x38;
	[tilespmem:$0x19200] =	vst v63  }
0x68: {  	_ =	swait.ge [sflag:s15], $0x50  }
0x69: {  	[sflag:s15] =	ssyncset.done $0x0  }
0x6a: {  	[sflag:s15] =	ssyncadd.s32 $0xFFFFFFB0  }
0x6b: {  	[tilespmem:s19], [sflag:$0x1] =	stream.indirect.gather [hbm4b:s8+s18], $0x80, s16, s18, $0xb8;
	[tilespmem:$0x19200] =	vst v63  }
0x6c: {  	s30 =	sadd.s32 $0xA, s30  }
0x6d: {  	[tilespmem:s20], [sflag:$0x3] =	stream.linear.gather [hbm4b:s30+s5], $0x50, $0x38;
	[tilespmem:$0x19200] =	vst v63  }
0x6e: {  	_ =	swait.ge [sflag:s15], $0x50  }
0x6f: {  	[sflag:s15] =	ssyncset.done $0x0  }
0x70: {  	s29 =	sadd.s32 $0xA, s29;
	[sflag:s15] =	ssyncadd.s32 $0xFFFFFFB0  }
0x71: {  	[tilespmem:s21], [sflag:$0x3] =	stream.linear.gather [hbm4b:s29+s5], $0x50, $0x38;
	[tilespmem:$0x19200] =	vst v63  }
0x72: {  	_ =	swait.ge [sflag:s15], $0x50  }
0x73: {  	[sflag:s15] =	ssyncset.done $0x0  }
0x74: {  	[sflag:s15] =	ssyncadd.s32 $0xFFFFFFB0  }
0x75: {  	[tilespmem:s22], [sflag:$0x2] =	stream.indirect.gather [hbm4b:s8+s18], $0x80, s20, s18, $0xb8;
	[tilespmem:$0x19200] =	vst v63  }
0x76: {  	_ =	swait.ge [sflag:s23], $0x2800  }
0x77: {  	[sflag:s23] =	ssyncset.done $0x0  }
0x78: {  	[sflag:s23] =	ssyncadd.s32 $0xFFFFD800  }
0x79: {  	[spmem:s4] =	stream.indirect.scatter.add.f32 [tilespmem:s19], [sflag:$0x3], $0x80, s17, s18, $0xb8;
	[tilespmem:$0x19200] =	vst v63  }
0x7a: {  	_ =	swait.ge [sflag:s15], $0x2800  }
0x7b: {  	[sflag:s15] =	ssyncset.done $0x0  }
0x7c: {  	[sflag:s15] =	ssyncadd.s32 $0xFFFFD800  }
0x7d: {  	_ =	swait.ge [sflag:s24], $0x2800  }
.Ltmp3:
0x7e: {  	[sflag:s24] =	ssyncset.done $0x0;
	(pc) =	sbr.rel @p1 .LBB2_6-.Ltmp3, $4  }
0x7f: {  	[sflag:s24] =	ssyncadd.s32 $0xFFFFD800  }
0x80: {  	[spmem:s4] =	stream.indirect.scatter.add.f32 [tilespmem:s22], [sflag:$0x3], $0x80, s21, s18, $0xb8;
	[tilespmem:$0x19200] =	vst v63  }
0x81: {  	_ =	swait.ge [sflag:s15], $0x2800  }
0x82: {  	s29 =	smov.u32 s28;
	[sflag:s15] =	ssyncset.done $0x0  }
.Ltmp4:
0x83: {  	_ = 	snop;
	(pc) =	sbr.rel .LBB2_7-.Ltmp4, $1  }
0x84: {  	_ =	sdelay $0x3  }
.LBB2_2:
0x85: {  	[tilespmem:s16], [sflag:$0x3] =	stream.linear.gather [hbm4b:s26+s5], $0x50, $0x38;
	[tilespmem:$0x19200] =	vst v63  }
0x86: {  	_ =	swait.ge [sflag:s15], $0x50  }
0x87: {  	[sflag:s15] =	ssyncset.done $0x0  }
0x88: {  	s28 =	sadd.s32 $0x0, s12;
	[sflag:s15] =	ssyncadd.s32 $0xFFFFFFB0  }
0x89: {  	[tilespmem:s17], [sflag:$0x3] =	stream.linear.gather [hbm4b:s28+s5], $0x50, $0x38;
	[tilespmem:$0x19200] =	vst v63  }
0x8a: {  	_ =	swait.ge [sflag:s15], $0x50  }
0x8b: {  	[sflag:s15] =	ssyncset.done $0x0  }
0x8c: {  	[sflag:s15] =	ssyncadd.s32 $0xFFFFFFB0  }
0x8d: {  	[tilespmem:s19], [sflag:$0x1] =	stream.indirect.gather [hbm4b:s7+s18], $0x80, s16, s18, $0xb8;
	[tilespmem:$0x19200] =	vst v63  }
0x8e: {  	s30 =	sadd.s32 $0xA, s26  }
0x8f: {  	[tilespmem:s20], [sflag:$0x3] =	stream.linear.gather [hbm4b:s30+s5], $0x50, $0x38;
	[tilespmem:$0x19200] =	vst v63  }
0x90: {  	_ =	swait.ge [sflag:s15], $0x50  }
0x91: {  	[sflag:s15] =	ssyncset.done $0x0  }
0x92: {  	s31 =	sadd.s32 $0xA, s28;
	[sflag:s15] =	ssyncadd.s32 $0xFFFFFFB0  }
0x93: {  	[tilespmem:s21], [sflag:$0x3] =	stream.linear.gather [hbm4b:s31+s5], $0x50, $0x38;
	[tilespmem:$0x19200] =	vst v63  }
0x94: {  	_ =	swait.ge [sflag:s15], $0x50  }
0x95: {  	[sflag:s15] =	ssyncset.done $0x0  }
0x96: {  	[sflag:s15] =	ssyncadd.s32 $0xFFFFFFB0  }
0x97: {  	[tilespmem:s22], [sflag:$0x2] =	stream.indirect.gather [hbm4b:s7+s18], $0x80, s20, s18, $0xb8;
	[tilespmem:$0x19200] =	vst v63  }
0x98: {  	_ =	swait.ge [sflag:s23], $0x2800  }
0x99: {  	[sflag:s23] =	ssyncset.done $0x0  }
0x9a: {  	[sflag:s23] =	ssyncadd.s32 $0xFFFFD800  }
0x9b: {  	[spmem:s4] =	stream.indirect.scatter.add.f32 [tilespmem:s19], [sflag:$0x3], $0x80, s17, s18, $0xb8;
	[tilespmem:$0x19200] =	vst v63  }
0x9c: {  	_ =	swait.ge [sflag:s15], $0x2800  }
0x9d: {  	[sflag:s15] =	ssyncset.done $0x0  }
0x9e: {  	[sflag:s15] =	ssyncadd.s32 $0xFFFFD800  }
0x9f: {  	_ =	swait.ge [sflag:s24], $0x2800  }
0xa0: {  	[sflag:s24] =	ssyncset.done $0x0  }
0xa1: {  	[sflag:s24] =	ssyncadd.s32 $0xFFFFD800  }
0xa2: {  	[spmem:s4] =	stream.indirect.scatter.add.f32 [tilespmem:s22], [sflag:$0x3], $0x80, s21, s18, $0xb8;
	[tilespmem:$0x19200] =	vst v63  }
0xa3: {  	_ =	swait.ge [sflag:s15], $0x2800  }
0xa4: {  	s26 =	simm.s32 $0x14;
	s29 =	simm.s32 $0x28;
	[sflag:s15] =	ssyncset.done $0x0  }
.LBB2_3:
0xa5: {  	s30 =	sadd.s32 s26, s13  }
0xa6: {  	[sflag:s15] =	ssyncadd.s32 $0xFFFFD800;
	s31 =	smov.u32 s29;
	s28 =	sadd.s32 $0x14, s29  }
0xa7: {  	[tilespmem:s16], [sflag:$0x3] =	stream.linear.gather [hbm4b:s30+s5], $0x50, $0x38;
	[tilespmem:$0x19200] =	vst v63  }
0xa8: {  	p1 =	seq.s32 s29, $0x4D8;
	_ =	swait.ge [sflag:s15], $0x50  }
0xa9: {  	[sflag:s15] =	ssyncset.done $0x0  }
0xaa: {  	s29 =	sadd.s32 s26, s12;
	s26 =	smov.u32 s31;
	[sflag:s15] =	ssyncadd.s32 $0xFFFFFFB0  }
0xab: {  	[tilespmem:s17], [sflag:$0x3] =	stream.linear.gather [hbm4b:s29+s5], $0x50, $0x38;
	[tilespmem:$0x19200] =	vst v63  }
0xac: {  	_ =	swait.ge [sflag:s15], $0x50  }
0xad: {  	[sflag:s15] =	ssyncset.done $0x0  }
0xae: {  	[sflag:s15] =	ssyncadd.s32 $0xFFFFFFB0  }
0xaf: {  	[tilespmem:s19], [sflag:$0x1] =	stream.indirect.gather [hbm4b:s7+s18], $0x80, s16, s18, $0xb8;
	[tilespmem:$0x19200] =	vst v63  }
0xb0: {  	s30 =	sadd.s32 $0xA, s30  }
0xb1: {  	[tilespmem:s20], [sflag:$0x3] =	stream.linear.gather [hbm4b:s30+s5], $0x50, $0x38;
	[tilespmem:$0x19200] =	vst v63  }
0xb2: {  	_ =	swait.ge [sflag:s15], $0x50  }
0xb3: {  	[sflag:s15] =	ssyncset.done $0x0  }
0xb4: {  	s29 =	sadd.s32 $0xA, s29;
	[sflag:s15] =	ssyncadd.s32 $0xFFFFFFB0  }
0xb5: {  	[tilespmem:s21], [sflag:$0x3] =	stream.linear.gather [hbm4b:s29+s5], $0x50, $0x38;
	[tilespmem:$0x19200] =	vst v63  }
0xb6: {  	_ =	swait.ge [sflag:s15], $0x50  }
0xb7: {  	[sflag:s15] =	ssyncset.done $0x0  }
0xb8: {  	[sflag:s15] =	ssyncadd.s32 $0xFFFFFFB0  }
0xb9: {  	[tilespmem:s22], [sflag:$0x2] =	stream.indirect.gather [hbm4b:s7+s18], $0x80, s20, s18, $0xb8;
	[tilespmem:$0x19200] =	vst v63  }
0xba: {  	_ =	swait.ge [sflag:s23], $0x2800  }
0xbb: {  	[sflag:s23] =	ssyncset.done $0x0  }
0xbc: {  	[sflag:s23] =	ssyncadd.s32 $0xFFFFD800  }
0xbd: {  	[spmem:s4] =	stream.indirect.scatter.add.f32 [tilespmem:s19], [sflag:$0x3], $0x80, s17, s18, $0xb8;
	[tilespmem:$0x19200] =	vst v63  }
0xbe: {  	_ =	swait.ge [sflag:s15], $0x2800  }
0xbf: {  	[sflag:s15] =	ssyncset.done $0x0  }
0xc0: {  	[sflag:s15] =	ssyncadd.s32 $0xFFFFD800  }
0xc1: {  	_ =	swait.ge [sflag:s24], $0x2800  }
.Ltmp5:
0xc2: {  	[sflag:s24] =	ssyncset.done $0x0;
	(pc) =	sbr.rel @!p1 .LBB2_3-.Ltmp5, $4  }
0xc3: {  	[sflag:s24] =	ssyncadd.s32 $0xFFFFD800  }
0xc4: {  	[spmem:s4] =	stream.indirect.scatter.add.f32 [tilespmem:s22], [sflag:$0x3], $0x80, s21, s18, $0xb8;
	[tilespmem:$0x19200] =	vst v63  }
0xc5: {  	_ =	swait.ge [sflag:s15], $0x2800  }
0xc6: {  	s29 =	smov.u32 s28;
	[sflag:s15] =	ssyncset.done $0x0  }
0xc7: {  	s28 =	sadd.s32 s26, s13;
	[sflag:s15] =	ssyncadd.s32 $0xFFFFD800  }
0xc8: {  	[tilespmem:s16], [sflag:$0x3] =	stream.linear.gather [hbm4b:s28+s5], $0x50, $0x38;
	[tilespmem:$0x19200] =	vst v63  }
0xc9: {  	_ =	swait.ge [sflag:s15], $0x50  }
0xca: {  	[sflag:s15] =	ssyncset.done $0x0  }
0xcb: {  	s31 =	sadd.s32 s26, s12;
	[sflag:s15] =	ssyncadd.s32 $0xFFFFFFB0  }
0xcc: {  	[tilespmem:s17], [sflag:$0x3] =	stream.linear.gather [hbm4b:s31+s5], $0x50, $0x38;
	[tilespmem:$0x19200] =	vst v63  }
0xcd: {  	_ =	swait.ge [sflag:s15], $0x50  }
0xce: {  	[sflag:s15] =	ssyncset.done $0x0  }
0xcf: {  	[sflag:s15] =	ssyncadd.s32 $0xFFFFFFB0  }
0xd0: {  	[tilespmem:s19], [sflag:$0x1] =	stream.indirect.gather [hbm4b:s7+s18], $0x80, s16, s18, $0xb8;
	[tilespmem:$0x19200] =	vst v63  }
0xd1: {  	s28 =	sadd.s32 $0xA, s28  }
0xd2: {  	[tilespmem:s20], [sflag:$0x3] =	stream.linear.gather [hbm4b:s28+s5], $0x50, $0x38;
	[tilespmem:$0x19200] =	vst v63  }
0xd3: {  	_ =	swait.ge [sflag:s15], $0x50  }
0xd4: {  	[sflag:s15] =	ssyncset.done $0x0  }
0xd5: {  	s26 =	sadd.s32 $0xA, s31;
	[sflag:s15] =	ssyncadd.s32 $0xFFFFFFB0  }
0xd6: {  	[tilespmem:s21], [sflag:$0x3] =	stream.linear.gather [hbm4b:s26+s5], $0x50, $0x38;
	[tilespmem:$0x19200] =	vst v63  }
0xd7: {  	_ =	swait.ge [sflag:s15], $0x50  }
0xd8: {  	[sflag:s15] =	ssyncset.done $0x0  }
0xd9: {  	[sflag:s15] =	ssyncadd.s32 $0xFFFFFFB0  }
0xda: {  	[tilespmem:s22], [sflag:$0x2] =	stream.indirect.gather [hbm4b:s7+s18], $0x80, s20, s18, $0xb8;
	[tilespmem:$0x19200] =	vst v63  }
0xdb: {  	_ =	swait.ge [sflag:s23], $0x2800  }
0xdc: {  	[sflag:s23] =	ssyncset.done $0x0  }
0xdd: {  	[sflag:s23] =	ssyncadd.s32 $0xFFFFD800  }
0xde: {  	[spmem:s4] =	stream.indirect.scatter.add.f32 [tilespmem:s19], [sflag:$0x3], $0x80, s17, s18, $0xb8;
	[tilespmem:$0x19200] =	vst v63  }
0xdf: {  	_ =	swait.ge [sflag:s15], $0x2800  }
0xe0: {  	[sflag:s15] =	ssyncset.done $0x0  }
0xe1: {  	[sflag:s15] =	ssyncadd.s32 $0xFFFFD800  }
0xe2: {  	_ =	swait.ge [sflag:s24], $0x2800  }
0xe3: {  	[sflag:s24] =	ssyncset.done $0x0  }
.Ltmp6:
0xe4: {  	[sflag:s24] =	ssyncadd.s32 $0xFFFFD800;
	(pc) =	sbr.rel .LBB2_8-.Ltmp6, $4  }
0xe5: {  	[spmem:s4] =	stream.indirect.scatter.add.f32 [tilespmem:s22], [sflag:$0x3], $0x80, s21, s18, $0xb8;
	[tilespmem:$0x19200] =	vst v63  }
0xe6: {  	_ =	swait.ge [sflag:s15], $0x2800  }
0xe7: {  	[sflag:s15] =	ssyncset.done $0x0  }
0xe8: {  	s26 =	smov.u32 s1;
	[sflag:s15] =	ssyncadd.s32 $0xFFFFD800  }
.LBB2_9:
0xe9: {  	_ =	sfence.sel $0x180000  }
0xea: {  	[bflag:$0x0] =	sbarrier.arrive $0xFFFF  }
0xeb: {  	p0 =	sne.s32 s2, $0x0;
	_ =	strace $0x90000050  }
0xec: {  	s0 =	sadd.s32 @!p0 $0x100000, s0;
	[bflag:$0x2] =	sbarrier.arrive $0xFFFF  }
0xed: {  	[sflag:s0] =	ssyncadd.tile.s32 @!p0 $0x1;
	_ =	shalt  }
.Lfunc_end2:
_tile_overlayer_lowered:
.L_overlay_start_2:
0xee: {  	(tag) =	ssettag $0x2  }
0xef: {  	s0 =	rddreg [dreg:$0x0];
	s2 =	stileid.u32  }
0xf0: {  	s1 =	rddreg [dreg:$0x1];
	p0 =	sne.s32 s2, $0x0  }
0xf1: {  	s3 =	rddreg [dreg:$0x2];
	[bflag:$0x3] =	sbarrier.arrive $0xFFFF;
	s2 =	simm.s32 @!p0 $0x1C03  }
0xf2: {  	[timem:s3], [sflag:s2] =	dma.local @!p0 [hbm:s0], s1  }
0xf3: {  	s0 =	simm.s32 @!p0 $0x3  }
0xf4: {  	_ =	swait.ge @!p0 [sflag:s0], s1  }
0xf5: {  	s1 =	ssub.s32 @!p0 $0x0, s1;
	[sflag:s0] =	ssyncset.done @!p0 $0x0  }
0xf6: {  	[sflag:s0] =	ssyncadd.s32 @!p0 s1  }
0xf7: {  	[bflag:$0x3] =	sbarrier.arrive $0xFFFF  }
0xf8: {  	_ =	shalt  }

// kernel: kernel.18.cloned.1.call-start
scs
__scs_entry_jumppad:
0x0: {  	(pc) =	sbr.rel $0x88, $3  }
0x1: {  	(tag) =	ssettag $0x0;
	lr =	simm.s32 $0x1  }
0x2: {  	[smem:$0x3F7C] =	sst lr;
	_ =	strace $0xD0000000  }
0x3: {  	_ = 	snop  }
0x4: {  	_ = 	snop  }
0x5: {  	_ = 	snop  }
0x6: {  	_ = 	snop  }
0x7: {  	_ = 	snop  }
__scs_overlays_trampoline_lowered:
0x8: {  	[smem:$0x3F8B] =	sst s0  }
0x9: {  	[smem:$0x3F8C] =	sst s1  }
0xa: {  	[smem:$0x3F8D] =	sst s2  }
0xb: {  	[smem:$0x3F8E] =	sst s3  }
0xc: {  	[smem:$0x3F8F] =	sst s4  }
0xd: {  	[smem:$0x3F90] =	sst s5  }
0xe: {  	[smem:$0x3F91] =	sst s6  }
0xf: {  	[smem:$0x3F92] =	sst s7  }
0x10: {  	[smem:$0x3F93] =	sst s8  }
0x11: {  	[smem:$0x3F94] =	sst s9;
	s0 =	simm.s32 @!p0 $0x0  }
0x12: {  	s1 =	sld [smem:$0x3F7A];
	s0 =	simm.s32 @p0 $0x1  }
0x13: {  	[smem:$0x3F95] =	sst s0;
	s0 =	simm.s32 @!p1 $0x0  }
0x14: {  	s2 =	sld [smem:$0x3F79];
	s0 =	simm.s32 @p1 $0x1  }
0x15: {  	[smem:$0x3F96] =	sst s0;
	s0 =	simm.s32 @!p2 $0x0  }
0x16: {  	s3 =	sld [smem:$0x3FDB];
	s0 =	simm.s32 @p2 $0x1  }
0x17: {  	s4 =	simm.s32 $0x1BF5;
	[smem:$0x3F98] =	sst s0  }
0x18: {  	s0 =	sld [smem:$0x3F7B];
	_ =	swait.ge [sflag:s4], $0x0  }
0x19: {  	s7 =	sld [smem:$0x3F7C]  }
0x1a: {  	s8 =	sadd.s32 $0xFFFFE003, lr  }
0x1b: {  	s9 =	sadd.s32 $0xFFFFFEF7, lr;
	s5 =	simm.s32 $0xFFFFFFFF;
	p2 =	slt.u32 s8, $0xFFFFF086  }
0x1c: {  	p1 =	slt.u32 s9, $0xF7A;
	s5 =	simm.s32 @!p2 $0x0  }
0x1d: {  	s5 =	simm.s32 @p1 $0x1;
	p0 =	seq.s32 s7, s2  }
0x1e: {  	s7 =	smul.u32 @!p0 $0xF7A, s2;
	p2 =	seq.s32 @!p0 s5, $0x0  }
0x1f: {  	s9 =	smul.u32 $0xF7A, s1;
	s8 =	simm.s32 @!p0 $0x1BF5;
	p2 =	por !p2, p0  }
0x20: {  	[sflag:s8] =	ssyncset.s32 @!p0 $0xFFFFF086;
	s6 =	sadd.s32 @!p0 s3, s7;
	s7 =	simm.s32 @!p0 $0x108  }
0x21: {  	s3 =	sadd.s32 s3, s9;
	s6 =	sadd.s32 @!p0 $0x88, s6;
	s7 =	simm.s32 @p2 $0x1082  }
0x22: {  	[simem:s7], [sflag:s8] =	dma.local @!p0 [hbm:s6], $0xF7A  }
0x23: {  	s9 =	sor.u32 $0xD0000000, s2;
	s6 =	simm.s32 $0x108;
	_ =	swait.ge @!p0 [sflag:s8], $0x0  }
0x24: {  	s3 =	sadd.s32 $0x88, s3;
	s6 =	simm.s32 @!p1 $0x1082;
	[sflag:s4] =	ssyncset.s32 $0xFFFFF086  }
0x25: {  	[simem:s6], [sflag:s4] =	dma.local [hbm:s3], $0xF7A  }
0x26: {  	[smem:$0x3F7C] =	sst s1;
	(tag) =	ssettag s2;
	_ =	strace s9  }
0x27: {  	s1 =	sld [smem:$0x3F8C]  }
0x28: {  	s2 =	sld [smem:$0x3F8D]  }
0x29: {  	s4 =	sld [smem:$0x3F8F]  }
0x2a: {  	p0 =	seq.s32 s5, $0x0;
	s5 =	sld [smem:$0x3F90]  }
0x2b: {  	s6 =	sld [smem:$0x3F91]  }
0x2c: {  	s7 =	sld [smem:$0x3F92]  }
0x2d: {  	s3 =	simm.s32 $0x108;
	s8 =	sld [smem:$0x3F93]  }
0x2e: {  	s3 =	simm.s32 @!p0 $0x1082;
	s9 =	sld [smem:$0x3F94]  }
0x2f: {  	lr =	sadd.s32 s0, s3;
	s0 =	sld [smem:$0x3F8B]  }
0x30: {  	s3 =	sld [smem:$0x3F8E]  }
0x31: {  	[smem:$0x3F97] =	sst s10  }
0x32: {  	s10 =	sld [smem:$0x3F95];
	_ =	sdelay $0x3  }
0x33: {  	p0 =	seq.s32 s10, $0x1;
	s10 =	sld [smem:$0x3F97];
	_ =	sdelay $0x3  }
0x34: {  	[smem:$0x3F97] =	sst s10  }
0x35: {  	s10 =	sld [smem:$0x3F96];
	_ =	sdelay $0x3  }
0x36: {  	p1 =	seq.s32 s10, $0x1;
	s10 =	sld [smem:$0x3F97];
	_ =	sdelay $0x3  }
0x37: {  	[smem:$0x3F97] =	sst s10  }
0x38: {  	s10 =	sld [smem:$0x3F98]  }
0x39: {  	_ = 	snop;
	(pc) =	sbr.ind lr, $3  }
0x3a: {  	_ = 	snop  }
0x3b: {  	_ = 	snop  }
0x3c: {  	p2 =	seq.s32 s10, $0x1;
	s10 =	sld [smem:$0x3F97]  }
0x3d: {  	_ =	shalt  }
0x3e: {  	_ =	shalt  }
0x3f: {  	_ =	shalt  }
0x40: {  	_ =	shalt  }
0x41: {  	_ =	shalt  }
0x42: {  	_ =	shalt  }
0x43: {  	_ =	shalt  }
0x44: {  	_ =	shalt  }
0x45: {  	_ =	shalt  }
0x46: {  	_ =	shalt  }
0x47: {  	_ =	shalt  }
0x48: {  	_ =	shalt  }
0x49: {  	_ =	shalt  }
0x4a: {  	_ =	shalt  }
0x4b: {  	_ =	shalt  }
0x4c: {  	_ =	shalt  }
0x4d: {  	_ =	shalt  }
0x4e: {  	_ =	shalt  }
0x4f: {  	_ =	shalt  }
0x50: {  	_ =	shalt  }
0x51: {  	_ =	shalt  }
0x52: {  	_ =	shalt  }
0x53: {  	_ =	shalt  }
0x54: {  	_ =	shalt  }
0x55: {  	_ =	shalt  }
0x56: {  	_ =	shalt  }
0x57: {  	_ =	shalt  }
0x58: {  	_ =	shalt  }
0x59: {  	_ =	shalt  }
0x5a: {  	_ =	shalt  }
0x5b: {  	_ =	shalt  }
0x5c: {  	_ =	shalt  }
0x5d: {  	_ =	shalt  }
0x5e: {  	_ =	shalt  }
0x5f: {  	_ =	shalt  }
0x60: {  	_ =	shalt  }
0x61: {  	_ =	shalt  }
0x62: {  	_ =	shalt  }
0x63: {  	_ =	shalt  }
0x64: {  	_ =	shalt  }
0x65: {  	_ =	shalt  }
0x66: {  	_ =	shalt  }
0x67: {  	_ =	shalt  }
0x68: {  	_ =	shalt  }
0x69: {  	_ =	shalt  }
0x6a: {  	_ =	shalt  }
0x6b: {  	_ =	shalt  }
0x6c: {  	_ =	shalt  }
0x6d: {  	_ =	shalt  }
0x6e: {  	_ =	shalt  }
0x6f: {  	_ =	shalt  }
0x70: {  	_ =	shalt  }
0x71: {  	_ =	shalt  }
0x72: {  	_ =	shalt  }
0x73: {  	_ =	shalt  }
0x74: {  	_ =	shalt  }
0x75: {  	_ =	shalt  }
0x76: {  	_ =	shalt  }
0x77: {  	_ =	shalt  }
0x78: {  	_ =	shalt  }
0x79: {  	_ =	shalt  }
0x7a: {  	_ =	shalt  }
0x7b: {  	_ =	shalt  }
0x7c: {  	_ =	shalt  }
0x7d: {  	_ =	shalt  }
0x7e: {  	_ =	shalt  }
0x7f: {  	_ =	shalt  }
0x80: {  	_ =	shalt  }
0x81: {  	_ =	shalt  }
0x82: {  	_ =	shalt  }
0x83: {  	_ =	shalt  }
0x84: {  	_ =	shalt  }
0x85: {  	_ =	shalt  }
0x86: {  	_ =	shalt  }
0x87: {  	_ =	shalt  }
.Lfunc_end0:
.L_simem_size_0:
called_computation.3_lowered:
.L_overlay_start_0:
0x88: {  	s2 =	sld [smem:$0x3FD9]  }
0x89: {  	s3 =	sld [smem:$0x3FFE];
	_ =	sdelay $0x1  }
0x8a: {  	s1 =	srdreg.scid  }
0x8b: {  	s0 =	sand.u32 $0x1, s1  }
0x8c: {  	s17 =	sshll.u32 s0, $0xA;
	s2 =	sadd.s32 s3, s2  }
0x8d: {  	s2 =	sadd.s32 s2, s17  }
0x8e: {  	[smem:$0x3FA3] =	sst s2  }
0x8f: {  	_ = 	snop  }
0x90: {  	(tm) =	ssettm $0x1  }
0x91: {  	s18 =	sld [smem:$0x3FFB];
	_ =	sdelay $0x3  }
0x92: {  	_ =	strace s18  }
0x93: {  	s2 =	sld [smem:$0x3FFC];
	_ =	sdelay $0x3  }
0x94: {  	_ =	strace s2  }
0x95: {  	s2 =	sld [smem:$0x3FFD];
	_ =	sdelay $0x3  }
0x96: {  	_ =	strace s2  }
0x97: {  	_ =	strace $0x8FFFFFFF  }
0x98: {  	s19 =	sld [smem:$0x3FDB];
	_ =	sdelay $0x1  }
0x99: {  	s20 =	simm.s32 $_scs_section_size  }
0x9a: {  	s4 =	simm.s32 $_size__tile_overlayer_lowered;
	s5 =	simm.s32 $_tile_overlayer_lowered  }
0x9b: {  	s6 =	simm.s32 $0x1BFF;
	s21 =	sshll.u32 s5, $0x1;
	s3 =	sadd.s32 s20, s19  }
0x9c: {  	s22 =	simm.s32 $0x0;
	s4 =	sshll.u32 s4, $0x1;
	s5 =	sadd.s32 s21, s3  }
0x9d: {  	[timem:s22], [sflag:s6] =	dma.local [hbm:s5], s4  }
0x9e: {  	_ =	swait.ge [sflag:s6], s4  }
0x9f: {  	s4 =	ssub.s32 $0x0, s4;
	[sflag:s6] =	ssyncset.done $0x0  }
0xa0: {  	[sflag:s6] =	ssyncadd.s32 s4;
	_ =	sdelay $0x1  }
0xa1: {  	s23 =	simm.s32 $0x1B8B  }
0xa2: {  	_ =	swait.ge [sflag:s23], $0x1  }
0xa3: {  	[sflag:s23] =	ssyncset.done $0x0  }
0xa4: {  	[sflag:s23] =	ssyncadd.s32 $0xFFFFFFFF  }
0xa5: {  	s4 =	sld [smem:$0x0]  }
0xa6: {  	s5 =	sand.u32 $0xFFFFFFFE, s1  }
0xa7: {  	p0 =	sne.s32 s1, s5  }
0xa8: {  	s5 =	sshll.u32 @p0 s5, $0xE  }
0xa9: {  	s5 =	sadd.s32 @p0 $0x11B8D, s5;
	s6 =	sshll.u32 @p0 s4, $0x11  }
0xaa: {  	s5 =	sor.u32 @p0 s6, s5  }
0xab: {  	[sflag:s5] =	ssyncadd.remote.s32 @p0 $0x1;
	_ =	sdelay $0x1  }
0xac: {  	s5 =	simm.s32 @p0 $0x1B8D  }
0xad: {  	_ =	swait.eq @p0 [sflag:s5], $0x1  }
0xae: {  	[sflag:s5] =	ssyncadd.s32 @p0 $0xFFFFFFFF  }
0xaf: {  	s6 =	sshll.u32 @!p0 s1, $0xE  }
0xb0: {  	s6 =	sor.u32 @!p0 $0x4000, s6;
	s5 =	simm.s32 @!p0 $0x1B8D  }
0xb1: {  	s4 =	sshll.u32 @!p0 s4, $0x11;
	s6 =	sadd.s32 @!p0 $0x11B8D, s6;
	_ =	swait.eq @!p0 [sflag:s5], $0x1  }
0xb2: {  	s4 =	sor.u32 @!p0 s4, s6;
	[sflag:s5] =	ssyncadd.s32 @!p0 $0xFFFFFFFF  }
0xb3: {  	s25 =	simm.s32 $0x1B8E;
	s24 =	sld [smem:$0x3FFE];
	[sflag:s4] =	ssyncadd.remote.s32 @!p0 $0x1  }
0xb4: {  	s26 =	simm.s32 $execute0_lowered;
	[smem:$0x3FD2] =	sst s25  }
0xb5: {  	s5 =	sshll.u32 s26, $0x1;
	_ =	strace $0x8000004C;
	[dreg:$0x1] =	wrdreg $0xFFFFFFFF  }
0xb6: {  	s28 =	simm.s32 $_size_execute0_lowered;
	s3 =	sadd.s32 s3, s5;
	[dreg:$0x0] =	wrdreg $0x0  }
0xb7: {  	s5 =	sshll.u32 s28, $0x1;
	[dreg:$0x2] =	wrdreg s3  }
0xb8: {  	[dreg:$0x3] =	wrdreg s5  }
0xb9: {  	[dreg:$0x4] =	wrdreg $0xC0  }
0xba: {  	_ =	task [dreg:s22], $0x5FFFF  }
0xbb: {  	[dreg:$0x1] =	wrdreg $0xFFFFFFFF  }
0xbc: {  	[dreg:$0x0] =	wrdreg $0x60  }
0xbd: {  	[dreg:$0x2] =	wrdreg s24  }
0xbe: {  	[dreg:$0x3] =	wrdreg $0x0  }
0xbf: {  	[dreg:$0x4] =	wrdreg $0xB  }
0xc0: {  	_ =	task.clear_ibuf [dreg:s22], $0x5FFFF;
	_ =	strace $0x9000004C  }
0xc1: {  	s29 =	simm.s32 $0xB;
	_ =	strace $0x8000004E  }
0xc2: {  	_ =	swait.ge [sflag:s29], $0x1  }
0xc3: {  	[sflag:s29] =	ssyncadd.s32 $0xFFFFFFFF  }
0xc4: {  	_ =	strace $0x9000004E  }
0xc5: {  	_ =	sfence  }
0xc6: {  	s30 =	sld [smem:$0x0];
	_ =	sdelay $0x2  }
0xc7: {  	s31 =	sshll.u32 s1, $0xD;
	s1 =	sshrl.u32 s1, $0x2  }
0xc8: {  	s4 =	sand.u32 $0x4000, s31;
	s1 =	sadd.s32 s1, s30  }
0xc9: {  	s0 =	sor.u32 s4, s0;
	s1 =	sshll.u32 s1, $0x11  }
0xca: {  	s0 =	sor.u32 s1, s0  }
0xcb: {  	s0 =	sadd.s32 $0x8F2B, s0  }
0xcc: {  	[sflag:s0] =	ssyncadd.remote.s32 $0x1  }
0xcd: {  	_ =	sfence.sel $0xFFFF  }
0xce: {  	[dreg:$0x0] =	wrdreg $0xFFFFFFFF;
	(pc) =	sbr.abs _section_cstart, $3  }
0xcf: {  	[dreg:$0x1] =	wrdreg $0xFFFFFFFF  }
0xd0: {  	_ =	task.clear_ibuf [dreg:s22], $0x2FFFF;
	_ =	strace $0x9FFFFFFF  }
0xd1: {  	(tm) =	ssettm $0x7FFFFFFF  }
tec
execute0_lowered:
.L_overlay_start_1:
0x0: {  	(tag) =	ssettag $0x1  }
0x1: {  	s4 =	rddreg [dreg:$0x0]  }
0x2: {  	s2 =	rddreg [dreg:$0x1]  }
0x3: {  	s0 =	rddreg [dreg:$0x2]  }
0x4: {  	s1 =	stileid.u32;
	s3 =	simm.s32 $0x0;
	s6 =	srdreg.scid  }
0x5: {  	s18 =	simm.s32 $0x16900;
	s19 =	simm.s32 $0x1;
	s20 =	simm.s32 $0x50  }
0x6: {  	s21 =	simm.s32 $0x2;
	s22 =	simm.s32 $0x0;
	s5 =	smul.u32 $0x2800, s1  }
0x7: {  	[smem:$0x7FF] =	sst s3;
	s8 =	sand.u32 $0x1, s6;
	s24 =	smul.u32 $0x50000, s1  }
0x8: {  	s10 =	sadd.s32 $0x1534400, s4;
	s11 =	smul.u32 $0x13B0, s1;
	s12 =	sadd.s32 $0xAA000, s4  }
0x9: {  	s29 =	sshll.u32 s1, $0x6;
	s17 =	smul.u32 $0x13B00, s1;
	_ =	strace $0x8000004D  }
0xa: {  	s7 =	smul.u32 $0x13B00, s8;
	s9 =	ssub.s32 $0x2, s8;
	p0 =	seq.s32 s8, $0x1  }
0xb: {  	s16 =	smul.u32 $0x13B000, s8;
	s13 =	sadd.s32 s5, s4;
	s25 =	sshrl.u32 s9, $0x1  }
0xc: {  	s26 =	sshrl.u32 s24, $0x2;
	s5 =	sor.u32 $0x1C03, s29;
	s9 =	ssub.s32 s9, s25  }
0xd: {  	s11 =	sadd.s32 s11, s7;
	s14 =	sadd.s32 s26, s2;
	s4 =	sadd.s32 $0xFD0400, s13  }
0xe: {  	s28 =	sadd.s32 $0x1360, s11;
	s8 =	smax.u32 s9, $0x1;
	s31 =	sadd.s32 $0x50, s11  }
0xf: {  	s11 =	sshrl.u32 s11, $0x3;
	s30 =	sshrl.u32 s28, $0x3;
	s15 =	sshll.u32 s28, $0x4  }
0x10: {  	s11 =	sadd.s32 s11, s12;
	s6 =	sadd.s32 s12, s30;
	s7 =	sadd.s32 s10, s15  }
0x11: {  	s15 =	simm.s32 $0x7EC00;
	s10 =	sadd.s32 s16, s10;
	s16 =	simm.s32 $0x14080  }
0x12: {  	s15 =	simm.s32 @!p0 $0x56C00;
	s10 =	sadd.s32 s17, s10;
	s17 =	simm.s32 $0x16880  }
0x13: {  	s9 =	sadd.s32 s15, s13;
	s13 =	sshrl.u32 s31, $0x3;
	s15 =	simm.s32 $0x14000  }
0x14: {  	s12 =	sadd.s32 s13, s12;
	s13 =	sshrl.u32 s14, $0x3;
	s14 =	simm.s32 $0x3  }
.LBB2_1:
0x15: {  	[spmem:s13], [sflag:s5] =	dma.local [hbm:s4], $0x2800  }
0x16: {  	_ =	swait.ge [sflag:s14], $0x2800  }
0x17: {  	[sflag:s14] =	ssyncset.done $0x0  }
0x18: {  	[sflag:s14] =	ssyncadd.s32 $0xFFFFD800  }
0x19: {  	s23 =	sadd.s32 $0x0, s11;
	[bflag:$0x0] =	sbarrier.arrive $0xFFFF  }
0x1a: {  	[tilespmem:s15], [sflag:$0x3] =	stream.linear.gather [hbm4b:s23+s3], $0x50, $0x38;
	[tilespmem:$0x19100] =	vst v63  }
0x1b: {  	_ =	swait.ge [sflag:s14], $0x50  }
0x1c: {  	[sflag:s14] =	ssyncset.done $0x0  }
0x1d: {  	[sflag:s14] =	ssyncadd.s32 $0xFFFFFFB0  }
0x1e: {  	[tilespmem:s16], [sflag:$0x1] =	stream.linear.gather [hbm4b:s10+s3], $0x2800, $0x38;
	[tilespmem:$0x19100] =	vst v63  }
0x1f: {  	s30 =	sadd.s32 $0x0, s12  }
0x20: {  	[tilespmem:s17], [sflag:$0x3] =	stream.linear.gather [hbm4b:s30+s3], $0x50, $0x38;
	[tilespmem:$0x19100] =	vst v63  }
0x21: {  	_ =	swait.ge [sflag:s14], $0x50  }
0x22: {  	[sflag:s14] =	ssyncset.done $0x0  }
0x23: {  	s31 =	sadd.s32 $0x500, s10;
	[sflag:s14] =	ssyncadd.s32 $0xFFFFFFB0  }
0x24: {  	[tilespmem:s18], [sflag:$0x2] =	stream.linear.gather [hbm4b:s31+s3], $0x2800, $0x38;
	[tilespmem:$0x19100] =	vst v63  }
0x25: {  	_ =	swait.ge [sflag:s19], $0x2800  }
0x26: {  	[sflag:s19] =	ssyncset.done $0x0  }
0x27: {  	[sflag:s19] =	ssyncadd.s32 $0xFFFFD800  }
0x28: {  	[spmem:s2] =	stream.indirect.scatter.add.f32 [tilespmem:s16], [sflag:$0x3], $0x80, s15, s20, $0xb8;
	[tilespmem:$0x19100] =	vst v63  }
0x29: {  	_ =	swait.ge [sflag:s14], $0x2800  }
0x2a: {  	[sflag:s14] =	ssyncset.done $0x0  }
0x2b: {  	[sflag:s14] =	ssyncadd.s32 $0xFFFFD800  }
0x2c: {  	_ =	swait.ge [sflag:s21], $0x2800  }
0x2d: {  	[sflag:s21] =	ssyncset.done $0x0  }
0x2e: {  	[sflag:s21] =	ssyncadd.s32 $0xFFFFD800  }
0x2f: {  	[spmem:s2] =	stream.indirect.scatter.add.f32 [tilespmem:s18], [sflag:$0x3], $0x80, s17, s20, $0xb8;
	[tilespmem:$0x19100] =	vst v63  }
0x30: {  	s24 =	simm.s32 $0x14;
	_ =	swait.ge [sflag:s14], $0x2800  }
0x31: {  	s25 =	simm.s32 $0x28;
	s23 =	sadd.s32 $0xA00, s10;
	[sflag:s14] =	ssyncset.done $0x0  }
.LBB2_2:
0x32: {  	s26 =	sadd.s32 s24, s11  }
0x33: {  	[sflag:s14] =	ssyncadd.s32 $0xFFFFD800;
	s28 =	smov.u32 s25;
	s29 =	sadd.s32 $0x14, s25  }
0x34: {  	[tilespmem:s15], [sflag:$0x3] =	stream.linear.gather [hbm4b:s26+s3], $0x50, $0x38;
	[tilespmem:$0x19100] =	vst v63  }
0x35: {  	p0 =	sne.s32 s25, $0x258;
	_ =	swait.ge [sflag:s14], $0x50  }
0x36: {  	[sflag:s14] =	ssyncset.done $0x0  }
0x37: {  	[sflag:s14] =	ssyncadd.s32 $0xFFFFFFB0  }
0x38: {  	[tilespmem:s16], [sflag:$0x1] =	stream.linear.gather [hbm4b:s23+s3], $0x2800, $0x38;
	[tilespmem:$0x19100] =	vst v63  }
0x39: {  	s25 =	sadd.s32 s24, s12;
	s24 =	smov.u32 s28  }
0x3a: {  	[tilespmem:s17], [sflag:$0x3] =	stream.linear.gather [hbm4b:s25+s3], $0x50, $0x38;
	[tilespmem:$0x19100] =	vst v63  }
0x3b: {  	_ =	swait.ge [sflag:s14], $0x50  }
0x3c: {  	[sflag:s14] =	ssyncset.done $0x0  }
0x3d: {  	s25 =	sadd.s32 $0x500, s23;
	[sflag:s14] =	ssyncadd.s32 $0xFFFFFFB0  }
0x3e: {  	[tilespmem:s18], [sflag:$0x2] =	stream.linear.gather [hbm4b:s25+s3], $0x2800, $0x38;
	[tilespmem:$0x19100] =	vst v63  }
0x3f: {  	_ =	swait.ge [sflag:s19], $0x2800  }
0x40: {  	[sflag:s19] =	ssyncset.done $0x0  }
0x41: {  	[sflag:s19] =	ssyncadd.s32 $0xFFFFD800  }
0x42: {  	[spmem:s2] =	stream.indirect.scatter.add.f32 [tilespmem:s16], [sflag:$0x3], $0x80, s15, s20, $0xb8;
	[tilespmem:$0x19100] =	vst v63  }
0x43: {  	_ =	swait.ge [sflag:s14], $0x2800  }
0x44: {  	[sflag:s14] =	ssyncset.done $0x0  }
0x45: {  	[sflag:s14] =	ssyncadd.s32 $0xFFFFD800  }
0x46: {  	_ =	swait.ge [sflag:s21], $0x2800  }
.Ltmp0:
0x47: {  	[sflag:s21] =	ssyncset.done $0x0;
	(pc) =	sbr.rel @p0 .LBB2_2-.Ltmp0, $4  }
0x48: {  	[sflag:s21] =	ssyncadd.s32 $0xFFFFD800  }
0x49: {  	[spmem:s2] =	stream.indirect.scatter.add.f32 [tilespmem:s18], [sflag:$0x3], $0x80, s17, s20, $0xb8;
	[tilespmem:$0x19100] =	vst v63  }
0x4a: {  	_ =	swait.ge [sflag:s14], $0x2800  }
0x4b: {  	s23 =	sadd.s32 $0xA00, s23;
	s25 =	smov.u32 s29;
	[sflag:s14] =	ssyncset.done $0x0  }
0x4c: {  	s25 =	sadd.s32 s24, s11;
	[sflag:s14] =	ssyncadd.s32 $0xFFFFD800  }
0x4d: {  	[tilespmem:s15], [sflag:$0x3] =	stream.linear.gather [hbm4b:s25+s3], $0x50, $0x38;
	[tilespmem:$0x19100] =	vst v63  }
0x4e: {  	_ =	swait.ge [sflag:s14], $0x50  }
0x4f: {  	[sflag:s14] =	ssyncset.done $0x0  }
0x50: {  	[sflag:s14] =	ssyncadd.s32 $0xFFFFFFB0  }
0x51: {  	[tilespmem:s16], [sflag:$0x1] =	stream.linear.gather [hbm4b:s23+s3], $0x2800, $0x38;
	[tilespmem:$0x19100] =	vst v63  }
0x52: {  	s30 =	sadd.s32 s24, s12  }
0x53: {  	[tilespmem:s17], [sflag:$0x3] =	stream.linear.gather [hbm4b:s30+s3], $0x50, $0x38;
	[tilespmem:$0x19100] =	vst v63  }
0x54: {  	_ =	swait.ge [sflag:s14], $0x50  }
0x55: {  	[sflag:s14] =	ssyncset.done $0x0  }
0x56: {  	s31 =	sadd.s32 $0x500, s23;
	[sflag:s14] =	ssyncadd.s32 $0xFFFFFFB0  }
0x57: {  	[tilespmem:s18], [sflag:$0x2] =	stream.linear.gather [hbm4b:s31+s3], $0x2800, $0x38;
	[tilespmem:$0x19100] =	vst v63  }
0x58: {  	_ =	swait.ge [sflag:s19], $0x2800  }
0x59: {  	[sflag:s19] =	ssyncset.done $0x0  }
0x5a: {  	[sflag:s19] =	ssyncadd.s32 $0xFFFFD800  }
0x5b: {  	[spmem:s2] =	stream.indirect.scatter.add.f32 [tilespmem:s16], [sflag:$0x3], $0x80, s15, s20, $0xb8;
	[tilespmem:$0x19100] =	vst v63  }
0x5c: {  	_ =	swait.ge [sflag:s14], $0x2800  }
0x5d: {  	[sflag:s14] =	ssyncset.done $0x0  }
0x5e: {  	[sflag:s14] =	ssyncadd.s32 $0xFFFFD800  }
0x5f: {  	_ =	swait.ge [sflag:s21], $0x2800  }
0x60: {  	[sflag:s21] =	ssyncset.done $0x0  }
0x61: {  	[sflag:s21] =	ssyncadd.s32 $0xFFFFD800  }
0x62: {  	[spmem:s2] =	stream.indirect.scatter.add.f32 [tilespmem:s18], [sflag:$0x3], $0x80, s17, s20, $0xb8;
	[tilespmem:$0x19100] =	vst v63  }
0x63: {  	_ =	swait.ge [sflag:s14], $0x2800  }
0x64: {  	[sflag:s14] =	ssyncset.done $0x0  }
0x65: {  	[sflag:s14] =	ssyncadd.s32 $0xFFFFD800  }
0x66: {  	[tilespmem:s15], [sflag:$0x3] =	stream.linear.gather [hbm4b:s6+s3], $0x50, $0x38;
	[tilespmem:$0x19100] =	vst v63  }
0x67: {  	_ =	swait.ge [sflag:s14], $0x50  }
0x68: {  	[sflag:s14] =	ssyncset.done $0x0  }
0x69: {  	[sflag:s14] =	ssyncadd.s32 $0xFFFFFFB0  }
0x6a: {  	[tilespmem:s16], [sflag:$0x3] =	stream.linear.gather [hbm4b:s7+s3], $0x2800, $0x38;
	[tilespmem:$0x19100] =	vst v63  }
0x6b: {  	_ =	swait.ge [sflag:s14], $0x2800  }
0x6c: {  	[sflag:s14] =	ssyncset.done $0x0  }
0x6d: {  	[sflag:s14] =	ssyncadd.s32 $0xFFFFD800  }
0x6e: {  	[spmem:s2] =	stream.indirect.scatter.add.f32 [tilespmem:s16], [sflag:$0x3], $0x80, s15, s20, $0xb8;
	[tilespmem:$0x19100] =	vst v63  }
0x6f: {  	_ =	swait.ge [sflag:s14], $0x2800  }
0x70: {  	s22 =	sadd.s32 $0x1, s22;
	[sflag:s14] =	ssyncset.done $0x0  }
0x71: {  	p0 =	sne.s32 s22, s8;
	[sflag:s14] =	ssyncadd.s32 $0xFFFFD800  }
.Ltmp1:
0x72: {  	[bflag:$0x0] =	sbarrier.arrive $0xFFFF;
	(pc) =	sbr.rel @p0 .LBB2_1-.Ltmp1, $4  }
0x73: {  	[hbm:s9], [sflag:s5] =	dma.local [spmem:s13], $0x2800  }
0x74: {  	_ =	swait.ge [sflag:s14], $0x2800  }
0x75: {  	[sflag:s14] =	ssyncset.done $0x0  }
0x76: {  	[sflag:s14] =	ssyncadd.s32 $0xFFFFD800  }
0x77: {  	_ =	sfence.sel $0x180000  }
0x78: {  	[bflag:$0x0] =	sbarrier.arrive $0xFFFF  }
0x79: {  	p0 =	sne.s32 s1, $0x0;
	_ =	strace $0x9000004D  }
0x7a: {  	s0 =	sadd.s32 @!p0 $0x100000, s0;
	[bflag:$0x2] =	sbarrier.arrive $0xFFFF  }
0x7b: {  	[sflag:s0] =	ssyncadd.tile.s32 @!p0 $0x1;
	_ =	shalt  }
.Lfunc_end2:
_tile_overlayer_lowered:
.L_overlay_start_2:
0x7c: {  	(tag) =	ssettag $0x2  }
0x7d: {  	s0 =	rddreg [dreg:$0x0];
	s2 =	stileid.u32  }
0x7e: {  	s1 =	rddreg [dreg:$0x1];
	p0 =	sne.s32 s2, $0x0  }
0x7f: {  	s3 =	rddreg [dreg:$0x2];
	[bflag:$0x3] =	sbarrier.arrive $0xFFFF;
	s2 =	simm.s32 @!p0 $0x1C03  }
0x80: {  	[timem:s3], [sflag:s2] =	dma.local @!p0 [hbm:s0], s1  }
0x81: {  	s0 =	simm.s32 @!p0 $0x3  }
0x82: {  	_ =	swait.ge @!p0 [sflag:s0], s1  }
0x83: {  	s1 =	ssub.s32 @!p0 $0x0, s1;
	[sflag:s0] =	ssyncset.done @!p0 $0x0  }
0x84: {  	[sflag:s0] =	ssyncadd.s32 @!p0 s1  }
0x85: {  	[bflag:$0x3] =	sbarrier.arrive $0xFFFF  }
0x86: {  	_ =	shalt  }

// kernel: kernel.9.cloned.1.call-start
scs
__scs_entry_jumppad:
0x0: {  	(pc) =	sbr.rel $0x88, $3  }
0x1: {  	(tag) =	ssettag $0x0;
	lr =	simm.s32 $0x1  }
0x2: {  	[smem:$0x3F7C] =	sst lr;
	_ =	strace $0xD0000000  }
0x3: {  	_ = 	snop  }
0x4: {  	_ = 	snop  }
0x5: {  	_ = 	snop  }
0x6: {  	_ = 	snop  }
0x7: {  	_ = 	snop  }
__scs_overlays_trampoline_lowered:
0x8: {  	[smem:$0x3F8B] =	sst s0  }
0x9: {  	[smem:$0x3F8C] =	sst s1  }
0xa: {  	[smem:$0x3F8D] =	sst s2  }
0xb: {  	[smem:$0x3F8E] =	sst s3  }
0xc: {  	[smem:$0x3F8F] =	sst s4  }
0xd: {  	[smem:$0x3F90] =	sst s5  }
0xe: {  	[smem:$0x3F91] =	sst s6  }
0xf: {  	[smem:$0x3F92] =	sst s7  }
0x10: {  	[smem:$0x3F93] =	sst s8  }
0x11: {  	[smem:$0x3F94] =	sst s9;
	s0 =	simm.s32 @!p0 $0x0  }
0x12: {  	s1 =	sld [smem:$0x3F7A];
	s0 =	simm.s32 @p0 $0x1  }
0x13: {  	[smem:$0x3F95] =	sst s0;
	s0 =	simm.s32 @!p1 $0x0  }
0x14: {  	s2 =	sld [smem:$0x3F79];
	s0 =	simm.s32 @p1 $0x1  }
0x15: {  	[smem:$0x3F96] =	sst s0;
	s0 =	simm.s32 @!p2 $0x0  }
0x16: {  	s3 =	sld [smem:$0x3FDB];
	s0 =	simm.s32 @p2 $0x1  }
0x17: {  	s4 =	simm.s32 $0x1BF5;
	[smem:$0x3F98] =	sst s0  }
0x18: {  	s0 =	sld [smem:$0x3F7B];
	_ =	swait.ge [sflag:s4], $0x0  }
0x19: {  	s7 =	sld [smem:$0x3F7C]  }
0x1a: {  	s8 =	sadd.s32 $0xFFFFE003, lr  }
0x1b: {  	s9 =	sadd.s32 $0xFFFFFEF7, lr;
	s5 =	simm.s32 $0xFFFFFFFF;
	p2 =	slt.u32 s8, $0xFFFFF086  }
0x1c: {  	p1 =	slt.u32 s9, $0xF7A;
	s5 =	simm.s32 @!p2 $0x0  }
0x1d: {  	s5 =	simm.s32 @p1 $0x1;
	p0 =	seq.s32 s7, s2  }
0x1e: {  	s7 =	smul.u32 @!p0 $0xF7A, s2;
	p2 =	seq.s32 @!p0 s5, $0x0  }
0x1f: {  	s9 =	smul.u32 $0xF7A, s1;
	s8 =	simm.s32 @!p0 $0x1BF5;
	p2 =	por !p2, p0  }
0x20: {  	[sflag:s8] =	ssyncset.s32 @!p0 $0xFFFFF086;
	s6 =	sadd.s32 @!p0 s3, s7;
	s7 =	simm.s32 @!p0 $0x108  }
0x21: {  	s3 =	sadd.s32 s3, s9;
	s6 =	sadd.s32 @!p0 $0x88, s6;
	s7 =	simm.s32 @p2 $0x1082  }
0x22: {  	[simem:s7], [sflag:s8] =	dma.local @!p0 [hbm:s6], $0xF7A  }
0x23: {  	s9 =	sor.u32 $0xD0000000, s2;
	s6 =	simm.s32 $0x108;
	_ =	swait.ge @!p0 [sflag:s8], $0x0  }
0x24: {  	s3 =	sadd.s32 $0x88, s3;
	s6 =	simm.s32 @!p1 $0x1082;
	[sflag:s4] =	ssyncset.s32 $0xFFFFF086  }
0x25: {  	[simem:s6], [sflag:s4] =	dma.local [hbm:s3], $0xF7A  }
0x26: {  	[smem:$0x3F7C] =	sst s1;
	(tag) =	ssettag s2;
	_ =	strace s9  }
0x27: {  	s1 =	sld [smem:$0x3F8C]  }
0x28: {  	s2 =	sld [smem:$0x3F8D]  }
0x29: {  	s4 =	sld [smem:$0x3F8F]  }
0x2a: {  	p0 =	seq.s32 s5, $0x0;
	s5 =	sld [smem:$0x3F90]  }
0x2b: {  	s6 =	sld [smem:$0x3F91]  }
0x2c: {  	s7 =	sld [smem:$0x3F92]  }
0x2d: {  	s3 =	simm.s32 $0x108;
	s8 =	sld [smem:$0x3F93]  }
0x2e: {  	s3 =	simm.s32 @!p0 $0x1082;
	s9 =	sld [smem:$0x3F94]  }
0x2f: {  	lr =	sadd.s32 s0, s3;
	s0 =	sld [smem:$0x3F8B]  }
0x30: {  	s3 =	sld [smem:$0x3F8E]  }
0x31: {  	[smem:$0x3F97] =	sst s10  }
0x32: {  	s10 =	sld [smem:$0x3F95];
	_ =	sdelay $0x3  }
0x33: {  	p0 =	seq.s32 s10, $0x1;
	s10 =	sld [smem:$0x3F97];
	_ =	sdelay $0x3  }
0x34: {  	[smem:$0x3F97] =	sst s10  }
0x35: {  	s10 =	sld [smem:$0x3F96];
	_ =	sdelay $0x3  }
0x36: {  	p1 =	seq.s32 s10, $0x1;
	s10 =	sld [smem:$0x3F97];
	_ =	sdelay $0x3  }
0x37: {  	[smem:$0x3F97] =	sst s10  }
0x38: {  	s10 =	sld [smem:$0x3F98]  }
0x39: {  	_ = 	snop;
	(pc) =	sbr.ind lr, $3  }
0x3a: {  	_ = 	snop  }
0x3b: {  	_ = 	snop  }
0x3c: {  	p2 =	seq.s32 s10, $0x1;
	s10 =	sld [smem:$0x3F97]  }
0x3d: {  	_ =	shalt  }
0x3e: {  	_ =	shalt  }
0x3f: {  	_ =	shalt  }
0x40: {  	_ =	shalt  }
0x41: {  	_ =	shalt  }
0x42: {  	_ =	shalt  }
0x43: {  	_ =	shalt  }
0x44: {  	_ =	shalt  }
0x45: {  	_ =	shalt  }
0x46: {  	_ =	shalt  }
0x47: {  	_ =	shalt  }
0x48: {  	_ =	shalt  }
0x49: {  	_ =	shalt  }
0x4a: {  	_ =	shalt  }
0x4b: {  	_ =	shalt  }
0x4c: {  	_ =	shalt  }
0x4d: {  	_ =	shalt  }
0x4e: {  	_ =	shalt  }
0x4f: {  	_ =	shalt  }
0x50: {  	_ =	shalt  }
0x51: {  	_ =	shalt  }
0x52: {  	_ =	shalt  }
0x53: {  	_ =	shalt  }
0x54: {  	_ =	shalt  }
0x55: {  	_ =	shalt  }
0x56: {  	_ =	shalt  }
0x57: {  	_ =	shalt  }
0x58: {  	_ =	shalt  }
0x59: {  	_ =	shalt  }
0x5a: {  	_ =	shalt  }
0x5b: {  	_ =	shalt  }
0x5c: {  	_ =	shalt  }
0x5d: {  	_ =	shalt  }
0x5e: {  	_ =	shalt  }
0x5f: {  	_ =	shalt  }
0x60: {  	_ =	shalt  }
0x61: {  	_ =	shalt  }
0x62: {  	_ =	shalt  }
0x63: {  	_ =	shalt  }
0x64: {  	_ =	shalt  }
0x65: {  	_ =	shalt  }
0x66: {  	_ =	shalt  }
0x67: {  	_ =	shalt  }
0x68: {  	_ =	shalt  }
0x69: {  	_ =	shalt  }
0x6a: {  	_ =	shalt  }
0x6b: {  	_ =	shalt  }
0x6c: {  	_ =	shalt  }
0x6d: {  	_ =	shalt  }
0x6e: {  	_ =	shalt  }
0x6f: {  	_ =	shalt  }
0x70: {  	_ =	shalt  }
0x71: {  	_ =	shalt  }
0x72: {  	_ =	shalt  }
0x73: {  	_ =	shalt  }
0x74: {  	_ =	shalt  }
0x75: {  	_ =	shalt  }
0x76: {  	_ =	shalt  }
0x77: {  	_ =	shalt  }
0x78: {  	_ =	shalt  }
0x79: {  	_ =	shalt  }
0x7a: {  	_ =	shalt  }
0x7b: {  	_ =	shalt  }
0x7c: {  	_ =	shalt  }
0x7d: {  	_ =	shalt  }
0x7e: {  	_ =	shalt  }
0x7f: {  	_ =	shalt  }
0x80: {  	_ =	shalt  }
0x81: {  	_ =	shalt  }
0x82: {  	_ =	shalt  }
0x83: {  	_ =	shalt  }
0x84: {  	_ =	shalt  }
0x85: {  	_ =	shalt  }
0x86: {  	_ =	shalt  }
0x87: {  	_ =	shalt  }
.Lfunc_end0:
.L_simem_size_0:
called_computation_lowered:
.L_overlay_start_0:
0x88: {  	s2 =	sld [smem:$0x3FD9]  }
0x89: {  	s3 =	sld [smem:$0x3FFE];
	_ =	sdelay $0x1  }
0x8a: {  	s1 =	srdreg.scid  }
0x8b: {  	s0 =	sand.u32 $0x1, s1  }
0x8c: {  	s17 =	sshll.u32 s0, $0xA;
	s2 =	sadd.s32 s3, s2  }
0x8d: {  	s2 =	sadd.s32 s2, s17  }
0x8e: {  	[smem:$0x3FA3] =	sst s2  }
0x8f: {  	_ = 	snop  }
0x90: {  	(tm) =	ssettm $0x1  }
0x91: {  	s18 =	sld [smem:$0x3FFB];
	_ =	sdelay $0x3  }
0x92: {  	_ =	strace s18  }
0x93: {  	s2 =	sld [smem:$0x3FFC];
	_ =	sdelay $0x3  }
0x94: {  	_ =	strace s2  }
0x95: {  	s2 =	sld [smem:$0x3FFD];
	_ =	sdelay $0x3  }
0x96: {  	_ =	strace s2  }
0x97: {  	_ =	strace $0x8FFFFFFF  }
0x98: {  	s19 =	sld [smem:$0x3FDB];
	_ =	sdelay $0x1  }
0x99: {  	s20 =	simm.s32 $_scs_section_size  }
0x9a: {  	s4 =	simm.s32 $_size__tile_overlayer_lowered;
	s5 =	simm.s32 $_tile_overlayer_lowered  }
0x9b: {  	s6 =	simm.s32 $0x1BFF;
	s21 =	sshll.u32 s5, $0x1;
	s3 =	sadd.s32 s20, s19  }
0x9c: {  	s22 =	simm.s32 $0x0;
	s4 =	sshll.u32 s4, $0x1;
	s5 =	sadd.s32 s21, s3  }
0x9d: {  	[timem:s22], [sflag:s6] =	dma.local [hbm:s5], s4  }
0x9e: {  	_ =	swait.ge [sflag:s6], s4  }
0x9f: {  	s4 =	ssub.s32 $0x0, s4;
	[sflag:s6] =	ssyncset.done $0x0  }
0xa0: {  	[sflag:s6] =	ssyncadd.s32 s4;
	_ =	sdelay $0x1  }
0xa1: {  	s23 =	simm.s32 $0x1B8B  }
0xa2: {  	_ =	swait.ge [sflag:s23], $0x1  }
0xa3: {  	[sflag:s23] =	ssyncset.done $0x0  }
0xa4: {  	[sflag:s23] =	ssyncadd.s32 $0xFFFFFFFF  }
0xa5: {  	s4 =	sld [smem:$0x0]  }
0xa6: {  	s5 =	sand.u32 $0xFFFFFFFE, s1  }
0xa7: {  	p0 =	sne.s32 s1, s5  }
0xa8: {  	s5 =	sshll.u32 @p0 s5, $0xE  }
0xa9: {  	s5 =	sadd.s32 @p0 $0x11B8D, s5;
	s6 =	sshll.u32 @p0 s4, $0x11  }
0xaa: {  	s5 =	sor.u32 @p0 s6, s5  }
0xab: {  	[sflag:s5] =	ssyncadd.remote.s32 @p0 $0x1;
	_ =	sdelay $0x1  }
0xac: {  	s5 =	simm.s32 @p0 $0x1B8D  }
0xad: {  	_ =	swait.eq @p0 [sflag:s5], $0x1  }
0xae: {  	[sflag:s5] =	ssyncadd.s32 @p0 $0xFFFFFFFF  }
0xaf: {  	s6 =	sshll.u32 @!p0 s1, $0xE  }
0xb0: {  	s6 =	sor.u32 @!p0 $0x4000, s6;
	s5 =	simm.s32 @!p0 $0x1B8D  }
0xb1: {  	s4 =	sshll.u32 @!p0 s4, $0x11;
	s6 =	sadd.s32 @!p0 $0x11B8D, s6;
	_ =	swait.eq @!p0 [sflag:s5], $0x1  }
0xb2: {  	s4 =	sor.u32 @!p0 s4, s6;
	[sflag:s5] =	ssyncadd.s32 @!p0 $0xFFFFFFFF  }
0xb3: {  	s25 =	simm.s32 $0x1B8E;
	s24 =	sld [smem:$0x3FFE];
	[sflag:s4] =	ssyncadd.remote.s32 @!p0 $0x1  }
0xb4: {  	s26 =	simm.s32 $execute0_lowered;
	[smem:$0x3FD2] =	sst s25  }
0xb5: {  	s5 =	sshll.u32 s26, $0x1;
	_ =	strace $0x80000049;
	[dreg:$0x1] =	wrdreg $0xFFFFFFFF  }
0xb6: {  	s28 =	simm.s32 $_size_execute0_lowered;
	s3 =	sadd.s32 s3, s5;
	[dreg:$0x0] =	wrdreg $0x0  }
0xb7: {  	s5 =	sshll.u32 s28, $0x1;
	[dreg:$0x2] =	wrdreg s3  }
0xb8: {  	[dreg:$0x3] =	wrdreg s5  }
0xb9: {  	[dreg:$0x4] =	wrdreg $0xC0  }
0xba: {  	_ =	task [dreg:s22], $0x5FFFF  }
0xbb: {  	[dreg:$0x1] =	wrdreg $0xFFFFFFFF  }
0xbc: {  	[dreg:$0x0] =	wrdreg $0x60  }
0xbd: {  	[dreg:$0x2] =	wrdreg s24  }
0xbe: {  	[dreg:$0x3] =	wrdreg $0x0  }
0xbf: {  	[dreg:$0x4] =	wrdreg $0x9  }
0xc0: {  	_ =	task.clear_ibuf [dreg:s22], $0x5FFFF;
	_ =	strace $0x90000049  }
0xc1: {  	s29 =	simm.s32 $0x9;
	_ =	strace $0x8000004B  }
0xc2: {  	_ =	swait.ge [sflag:s29], $0x1  }
0xc3: {  	[sflag:s29] =	ssyncadd.s32 $0xFFFFFFFF  }
0xc4: {  	_ =	strace $0x9000004B  }
0xc5: {  	_ =	sfence  }
0xc6: {  	s30 =	sld [smem:$0x0];
	_ =	sdelay $0x2  }
0xc7: {  	s31 =	sshll.u32 s1, $0xD;
	s1 =	sshrl.u32 s1, $0x2  }
0xc8: {  	s4 =	sand.u32 $0x4000, s31;
	s1 =	sadd.s32 s1, s30  }
0xc9: {  	s0 =	sor.u32 s4, s0;
	s1 =	sshll.u32 s1, $0x11  }
0xca: {  	s0 =	sor.u32 s1, s0  }
0xcb: {  	s0 =	sadd.s32 $0x8F2B, s0  }
0xcc: {  	[sflag:s0] =	ssyncadd.remote.s32 $0x1  }
0xcd: {  	_ =	sfence.sel $0xFFFF  }
0xce: {  	[dreg:$0x0] =	wrdreg $0xFFFFFFFF;
	(pc) =	sbr.abs _section_cstart, $3  }
0xcf: {  	[dreg:$0x1] =	wrdreg $0xFFFFFFFF  }
0xd0: {  	_ =	task.clear_ibuf [dreg:s22], $0x2FFFF;
	_ =	strace $0x9FFFFFFF  }
0xd1: {  	(tm) =	ssettm $0x7FFFFFFF  }
tec
execute0_lowered:
.L_overlay_start_1:
0x0: {  	(tag) =	ssettag $0x1  }
0x1: {  	s8 =	rddreg [dreg:$0x0]  }
0x2: {  	s1 =	rddreg [dreg:$0x1]  }
0x3: {  	s0 =	rddreg [dreg:$0x2];
	s3 =	simm.s32 $0x0  }
0x4: {  	s2 =	stileid.u32;
	s9 =	srdreg.scid;
	s16 =	simm.s32 $0x14000  }
0x5: {  	s17 =	simm.s32 $0x14080;
	s18 =	simm.s32 $0x50;
	s19 =	simm.s32 $0x14100  }
0x6: {  	s20 =	simm.s32 $0x16900;
	s21 =	simm.s32 $0x16980;
	s22 =	simm.s32 $0x16A00  }
0x7: {  	s23 =	simm.s32 $0x1;
	s24 =	simm.s32 $0x2;
	s25 =	simm.s32 $0x0  }
0x8: {  	[smem:$0x7FF] =	sst s3;
	s4 =	sadd.s32 $0xFA9200, s8;
	s7 =	smul.u32 $0x4EC, s2  }
0x9: {  	s5 =	sadd.s32 $0xF82000, s8;
	s6 =	smul.u32 $0x2800, s2;
	s11 =	sand.u32 $0x1, s9  }
0xa: {  	s30 =	smul.u32 $0x50000, s2;
	s15 =	sshll.u32 s2, $0x6;
	_ =	strace $0x8000004A  }
0xb: {  	s12 =	ssub.s32 $0x2, s11;
	p0 =	seq.s32 s11, $0x1;
	s13 =	sadd.s32 s7, s8  }
.Ltmp0:
0xc: {  	s10 =	sadd.s32 s6, s8;
	s7 =	sadd.s32 $0xFF8400, s8;
	(pc) =	sbr.rel .LBB2_1-.Ltmp0, $4  }
0xd: {  	s8 =	sadd.s32 $0x1020400, s8;
	s14 =	sshrl.u32 s12, $0x1;
	s9 =	sshrl.u32 s30, $0x2  }
0xe: {  	s12 =	ssub.s32 s12, s14;
	s31 =	sadd.s32 s9, s1;
	s9 =	sadd.s32 $0xFD0400, s10  }
0xf: {  	s10 =	sor.u32 $0x1C03, s15;
	s15 =	simm.s32 $0x3;
	s11 =	smax.u32 s12, $0x1  }
0x10: {  	s12 =	sadd.s32 $0xF7D000, s13;
	s13 =	sadd.s32 $0xF78000, s13;
	s14 =	sshrl.u32 s31, $0x3  }
.LBB2_7:
0x11: {  	s28 =	sadd.s32 s26, s13;
	[sflag:s15] =	ssyncadd.s32 $0xFFFFD800  }
0x12: {  	[tilespmem:s16], [sflag:$0x3] =	stream.linear.gather [hbm4b:s28+s3], $0x50, $0x38;
	[tilespmem:$0x19200] =	vst v63  }
0x13: {  	_ =	swait.ge [sflag:s15], $0x50  }
0x14: {  	[sflag:s15] =	ssyncset.done $0x0  }
0x15: {  	s31 =	sadd.s32 s26, s12;
	[sflag:s15] =	ssyncadd.s32 $0xFFFFFFB0  }
0x16: {  	[tilespmem:s17], [sflag:$0x3] =	stream.linear.gather [hbm4b:s31+s3], $0x50, $0x38;
	[tilespmem:$0x19200] =	vst v63  }
0x17: {  	_ =	swait.ge [sflag:s15], $0x50  }
0x18: {  	[sflag:s15] =	ssyncset.done $0x0  }
0x19: {  	[sflag:s15] =	ssyncadd.s32 $0xFFFFFFB0  }
0x1a: {  	[tilespmem:s19], [sflag:$0x1] =	stream.indirect.gather [hbm4b:s5+s18], $0x80, s16, s18, $0xb8;
	[tilespmem:$0x19200] =	vst v63  }
0x1b: {  	s28 =	sadd.s32 $0xA, s28  }
0x1c: {  	[tilespmem:s20], [sflag:$0x3] =	stream.linear.gather [hbm4b:s28+s3], $0x50, $0x38;
	[tilespmem:$0x19200] =	vst v63  }
0x1d: {  	_ =	swait.ge [sflag:s15], $0x50  }
0x1e: {  	[sflag:s15] =	ssyncset.done $0x0  }
0x1f: {  	s26 =	sadd.s32 $0xA, s31;
	[sflag:s15] =	ssyncadd.s32 $0xFFFFFFB0  }
0x20: {  	[tilespmem:s21], [sflag:$0x3] =	stream.linear.gather [hbm4b:s26+s3], $0x50, $0x38;
	[tilespmem:$0x19200] =	vst v63  }
0x21: {  	_ =	swait.ge [sflag:s15], $0x50  }
0x22: {  	[sflag:s15] =	ssyncset.done $0x0  }
0x23: {  	[sflag:s15] =	ssyncadd.s32 $0xFFFFFFB0  }
0x24: {  	[tilespmem:s22], [sflag:$0x2] =	stream.indirect.gather [hbm4b:s5+s18], $0x80, s20, s18, $0xb8;
	[tilespmem:$0x19200] =	vst v63  }
0x25: {  	_ =	swait.ge [sflag:s23], $0x2800  }
0x26: {  	[sflag:s23] =	ssyncset.done $0x0  }
0x27: {  	[sflag:s23] =	ssyncadd.s32 $0xFFFFD800  }
0x28: {  	[spmem:s1] =	stream.indirect.scatter.add.f32 [tilespmem:s19], [sflag:$0x3], $0x80, s17, s18, $0xb8;
	[tilespmem:$0x19200] =	vst v63  }
0x29: {  	_ =	swait.ge [sflag:s15], $0x2800  }
0x2a: {  	[sflag:s15] =	ssyncset.done $0x0  }
0x2b: {  	[sflag:s15] =	ssyncadd.s32 $0xFFFFD800  }
0x2c: {  	_ =	swait.ge [sflag:s24], $0x2800  }
0x2d: {  	[sflag:s24] =	ssyncset.done $0x0  }
0x2e: {  	[sflag:s24] =	ssyncadd.s32 $0xFFFFD800  }
0x2f: {  	[spmem:s1] =	stream.indirect.scatter.add.f32 [tilespmem:s22], [sflag:$0x3], $0x80, s21, s18, $0xb8;
	[tilespmem:$0x19200] =	vst v63  }
0x30: {  	_ =	swait.ge [sflag:s15], $0x2800  }
0x31: {  	[sflag:s15] =	ssyncset.done $0x0  }
0x32: {  	s26 =	smov.u32 s8;
	[sflag:s15] =	ssyncadd.s32 $0xFFFFD800  }
.LBB2_8:
0x33: {  	s25 =	sadd.s32 $0x1, s25  }
0x34: {  	p1 =	sne.s32 s25, s11  }
.Ltmp1:
0x35: {  	s26 =	sadd.s32 s26, s6;
	[bflag:$0x0] =	sbarrier.arrive $0xFFFF;
	(pc) =	sbr.rel @!p1 .LBB2_9-.Ltmp1, $4  }
0x36: {  	[hbm:s26], [sflag:s10] =	dma.local [spmem:s14], $0x2800  }
0x37: {  	_ =	swait.ge [sflag:s15], $0x2800  }
0x38: {  	[sflag:s15] =	ssyncset.done $0x0  }
0x39: {  	[sflag:s15] =	ssyncadd.s32 $0xFFFFD800  }
.LBB2_1:
0x3a: {  	[spmem:s14], [sflag:s10] =	dma.local [hbm:s9], $0x2800  }
.Ltmp2:
0x3b: {  	_ =	swait.ge [sflag:s15], $0x2800;
	(pc) =	sbr.rel @!p0 .LBB2_2-.Ltmp2, $4  }
0x3c: {  	[sflag:s15] =	ssyncset.done $0x0  }
0x3d: {  	[sflag:s15] =	ssyncadd.s32 $0xFFFFD800  }
0x3e: {  	[bflag:$0x0] =	sbarrier.arrive $0xFFFF  }
0x3f: {  	s26 =	sadd.s32 $0x0, s13  }
0x40: {  	[tilespmem:s16], [sflag:$0x3] =	stream.linear.gather [hbm4b:s26+s3], $0x50, $0x38;
	[tilespmem:$0x19200] =	vst v63  }
0x41: {  	_ =	swait.ge [sflag:s15], $0x50  }
0x42: {  	[sflag:s15] =	ssyncset.done $0x0  }
0x43: {  	s28 =	sadd.s32 $0x0, s12;
	[sflag:s15] =	ssyncadd.s32 $0xFFFFFFB0  }
0x44: {  	[tilespmem:s17], [sflag:$0x3] =	stream.linear.gather [hbm4b:s28+s3], $0x50, $0x38;
	[tilespmem:$0x19200] =	vst v63  }
0x45: {  	_ =	swait.ge [sflag:s15], $0x50  }
0x46: {  	[sflag:s15] =	ssyncset.done $0x0  }
0x47: {  	[sflag:s15] =	ssyncadd.s32 $0xFFFFFFB0  }
0x48: {  	[tilespmem:s19], [sflag:$0x1] =	stream.indirect.gather [hbm4b:s5+s18], $0x80, s16, s18, $0xb8;
	[tilespmem:$0x19200] =	vst v63  }
0x49: {  	s30 =	sadd.s32 $0xA, s26  }
0x4a: {  	[tilespmem:s20], [sflag:$0x3] =	stream.linear.gather [hbm4b:s30+s3], $0x50, $0x38;
	[tilespmem:$0x19200] =	vst v63  }
0x4b: {  	_ =	swait.ge [sflag:s15], $0x50  }
0x4c: {  	[sflag:s15] =	ssyncset.done $0x0  }
0x4d: {  	s31 =	sadd.s32 $0xA, s28;
	[sflag:s15] =	ssyncadd.s32 $0xFFFFFFB0  }
0x4e: {  	[tilespmem:s21], [sflag:$0x3] =	stream.linear.gather [hbm4b:s31+s3], $0x50, $0x38;
	[tilespmem:$0x19200] =	vst v63  }
0x4f: {  	_ =	swait.ge [sflag:s15], $0x50  }
0x50: {  	[sflag:s15] =	ssyncset.done $0x0  }
0x51: {  	[sflag:s15] =	ssyncadd.s32 $0xFFFFFFB0  }
0x52: {  	[tilespmem:s22], [sflag:$0x2] =	stream.indirect.gather [hbm4b:s5+s18], $0x80, s20, s18, $0xb8;
	[tilespmem:$0x19200] =	vst v63  }
0x53: {  	_ =	swait.ge [sflag:s23], $0x2800  }
0x54: {  	[sflag:s23] =	ssyncset.done $0x0  }
0x55: {  	[sflag:s23] =	ssyncadd.s32 $0xFFFFD800  }
0x56: {  	[spmem:s1] =	stream.indirect.scatter.add.f32 [tilespmem:s19], [sflag:$0x3], $0x80, s17, s18, $0xb8;
	[tilespmem:$0x19200] =	vst v63  }
0x57: {  	_ =	swait.ge [sflag:s15], $0x2800  }
0x58: {  	[sflag:s15] =	ssyncset.done $0x0  }
0x59: {  	[sflag:s15] =	ssyncadd.s32 $0xFFFFD800  }
0x5a: {  	_ =	swait.ge [sflag:s24], $0x2800  }
0x5b: {  	[sflag:s24] =	ssyncset.done $0x0  }
0x5c: {  	[sflag:s24] =	ssyncadd.s32 $0xFFFFD800  }
0x5d: {  	[spmem:s1] =	stream.indirect.scatter.add.f32 [tilespmem:s22], [sflag:$0x3], $0x80, s21, s18, $0xb8;
	[tilespmem:$0x19200] =	vst v63  }
0x5e: {  	_ =	swait.ge [sflag:s15], $0x2800  }
0x5f: {  	s26 =	simm.s32 $0x14;
	s29 =	simm.s32 $0x28;
	[sflag:s15] =	ssyncset.done $0x0  }
.LBB2_6:
0x60: {  	s30 =	sadd.s32 s26, s13  }
0x61: {  	[sflag:s15] =	ssyncadd.s32 $0xFFFFD800;
	s31 =	smov.u32 s29;
	s28 =	sadd.s32 $0x14, s29  }
0x62: {  	[tilespmem:s16], [sflag:$0x3] =	stream.linear.gather [hbm4b:s30+s3], $0x50, $0x38;
	[tilespmem:$0x19200] =	vst v63  }
0x63: {  	p1 =	sne.s32 s29, $0x4D8;
	_ =	swait.ge [sflag:s15], $0x50  }
0x64: {  	[sflag:s15] =	ssyncset.done $0x0  }
0x65: {  	s29 =	sadd.s32 s26, s12;
	s26 =	smov.u32 s31;
	[sflag:s15] =	ssyncadd.s32 $0xFFFFFFB0  }
0x66: {  	[tilespmem:s17], [sflag:$0x3] =	stream.linear.gather [hbm4b:s29+s3], $0x50, $0x38;
	[tilespmem:$0x19200] =	vst v63  }
0x67: {  	_ =	swait.ge [sflag:s15], $0x50  }
0x68: {  	[sflag:s15] =	ssyncset.done $0x0  }
0x69: {  	[sflag:s15] =	ssyncadd.s32 $0xFFFFFFB0  }
0x6a: {  	[tilespmem:s19], [sflag:$0x1] =	stream.indirect.gather [hbm4b:s5+s18], $0x80, s16, s18, $0xb8;
	[tilespmem:$0x19200] =	vst v63  }
0x6b: {  	s30 =	sadd.s32 $0xA, s30  }
0x6c: {  	[tilespmem:s20], [sflag:$0x3] =	stream.linear.gather [hbm4b:s30+s3], $0x50, $0x38;
	[tilespmem:$0x19200] =	vst v63  }
0x6d: {  	_ =	swait.ge [sflag:s15], $0x50  }
0x6e: {  	[sflag:s15] =	ssyncset.done $0x0  }
0x6f: {  	s29 =	sadd.s32 $0xA, s29;
	[sflag:s15] =	ssyncadd.s32 $0xFFFFFFB0  }
0x70: {  	[tilespmem:s21], [sflag:$0x3] =	stream.linear.gather [hbm4b:s29+s3], $0x50, $0x38;
	[tilespmem:$0x19200] =	vst v63  }
0x71: {  	_ =	swait.ge [sflag:s15], $0x50  }
0x72: {  	[sflag:s15] =	ssyncset.done $0x0  }
0x73: {  	[sflag:s15] =	ssyncadd.s32 $0xFFFFFFB0  }
0x74: {  	[tilespmem:s22], [sflag:$0x2] =	stream.indirect.gather [hbm4b:s5+s18], $0x80, s20, s18, $0xb8;
	[tilespmem:$0x19200] =	vst v63  }
0x75: {  	_ =	swait.ge [sflag:s23], $0x2800  }
0x76: {  	[sflag:s23] =	ssyncset.done $0x0  }
0x77: {  	[sflag:s23] =	ssyncadd.s32 $0xFFFFD800  }
0x78: {  	[spmem:s1] =	stream.indirect.scatter.add.f32 [tilespmem:s19], [sflag:$0x3], $0x80, s17, s18, $0xb8;
	[tilespmem:$0x19200] =	vst v63  }
0x79: {  	_ =	swait.ge [sflag:s15], $0x2800  }
0x7a: {  	[sflag:s15] =	ssyncset.done $0x0  }
0x7b: {  	[sflag:s15] =	ssyncadd.s32 $0xFFFFD800  }
0x7c: {  	_ =	swait.ge [sflag:s24], $0x2800  }
.Ltmp3:
0x7d: {  	[sflag:s24] =	ssyncset.done $0x0;
	(pc) =	sbr.rel @p1 .LBB2_6-.Ltmp3, $4  }
0x7e: {  	[sflag:s24] =	ssyncadd.s32 $0xFFFFD800  }
0x7f: {  	[spmem:s1] =	stream.indirect.scatter.add.f32 [tilespmem:s22], [sflag:$0x3], $0x80, s21, s18, $0xb8;
	[tilespmem:$0x19200] =	vst v63  }
0x80: {  	_ =	swait.ge [sflag:s15], $0x2800  }
0x81: {  	s29 =	smov.u32 s28;
	[sflag:s15] =	ssyncset.done $0x0  }
.Ltmp4:
0x82: {  	_ = 	snop;
	(pc) =	sbr.rel .LBB2_7-.Ltmp4, $1  }
0x83: {  	_ =	sdelay $0x3  }
.LBB2_2:
0x84: {  	[tilespmem:s16], [sflag:$0x3] =	stream.linear.gather [hbm4b:s26+s3], $0x50, $0x38;
	[tilespmem:$0x19200] =	vst v63  }
0x85: {  	_ =	swait.ge [sflag:s15], $0x50  }
0x86: {  	[sflag:s15] =	ssyncset.done $0x0  }
0x87: {  	s28 =	sadd.s32 $0x0, s12;
	[sflag:s15] =	ssyncadd.s32 $0xFFFFFFB0  }
0x88: {  	[tilespmem:s17], [sflag:$0x3] =	stream.linear.gather [hbm4b:s28+s3], $0x50, $0x38;
	[tilespmem:$0x19200] =	vst v63  }
0x89: {  	_ =	swait.ge [sflag:s15], $0x50  }
0x8a: {  	[sflag:s15] =	ssyncset.done $0x0  }
0x8b: {  	[sflag:s15] =	ssyncadd.s32 $0xFFFFFFB0  }
0x8c: {  	[tilespmem:s19], [sflag:$0x1] =	stream.indirect.gather [hbm4b:s4+s18], $0x80, s16, s18, $0xb8;
	[tilespmem:$0x19200] =	vst v63  }
0x8d: {  	s30 =	sadd.s32 $0xA, s26  }
0x8e: {  	[tilespmem:s20], [sflag:$0x3] =	stream.linear.gather [hbm4b:s30+s3], $0x50, $0x38;
	[tilespmem:$0x19200] =	vst v63  }
0x8f: {  	_ =	swait.ge [sflag:s15], $0x50  }
0x90: {  	[sflag:s15] =	ssyncset.done $0x0  }
0x91: {  	s31 =	sadd.s32 $0xA, s28;
	[sflag:s15] =	ssyncadd.s32 $0xFFFFFFB0  }
0x92: {  	[tilespmem:s21], [sflag:$0x3] =	stream.linear.gather [hbm4b:s31+s3], $0x50, $0x38;
	[tilespmem:$0x19200] =	vst v63  }
0x93: {  	_ =	swait.ge [sflag:s15], $0x50  }
0x94: {  	[sflag:s15] =	ssyncset.done $0x0  }
0x95: {  	[sflag:s15] =	ssyncadd.s32 $0xFFFFFFB0  }
0x96: {  	[tilespmem:s22], [sflag:$0x2] =	stream.indirect.gather [hbm4b:s4+s18], $0x80, s20, s18, $0xb8;
	[tilespmem:$0x19200] =	vst v63  }
0x97: {  	_ =	swait.ge [sflag:s23], $0x2800  }
0x98: {  	[sflag:s23] =	ssyncset.done $0x0  }
0x99: {  	[sflag:s23] =	ssyncadd.s32 $0xFFFFD800  }
0x9a: {  	[spmem:s1] =	stream.indirect.scatter.add.f32 [tilespmem:s19], [sflag:$0x3], $0x80, s17, s18, $0xb8;
	[tilespmem:$0x19200] =	vst v63  }
0x9b: {  	_ =	swait.ge [sflag:s15], $0x2800  }
0x9c: {  	[sflag:s15] =	ssyncset.done $0x0  }
0x9d: {  	[sflag:s15] =	ssyncadd.s32 $0xFFFFD800  }
0x9e: {  	_ =	swait.ge [sflag:s24], $0x2800  }
0x9f: {  	[sflag:s24] =	ssyncset.done $0x0  }
0xa0: {  	[sflag:s24] =	ssyncadd.s32 $0xFFFFD800  }
0xa1: {  	[spmem:s1] =	stream.indirect.scatter.add.f32 [tilespmem:s22], [sflag:$0x3], $0x80, s21, s18, $0xb8;
	[tilespmem:$0x19200] =	vst v63  }
0xa2: {  	_ =	swait.ge [sflag:s15], $0x2800  }
0xa3: {  	s26 =	simm.s32 $0x14;
	s29 =	simm.s32 $0x28;
	[sflag:s15] =	ssyncset.done $0x0  }
.LBB2_3:
0xa4: {  	s30 =	sadd.s32 s26, s13  }
0xa5: {  	[sflag:s15] =	ssyncadd.s32 $0xFFFFD800;
	s31 =	smov.u32 s29;
	s28 =	sadd.s32 $0x14, s29  }
0xa6: {  	[tilespmem:s16], [sflag:$0x3] =	stream.linear.gather [hbm4b:s30+s3], $0x50, $0x38;
	[tilespmem:$0x19200] =	vst v63  }
0xa7: {  	p1 =	seq.s32 s29, $0x4D8;
	_ =	swait.ge [sflag:s15], $0x50  }
0xa8: {  	[sflag:s15] =	ssyncset.done $0x0  }
0xa9: {  	s29 =	sadd.s32 s26, s12;
	s26 =	smov.u32 s31;
	[sflag:s15] =	ssyncadd.s32 $0xFFFFFFB0  }
0xaa: {  	[tilespmem:s17], [sflag:$0x3] =	stream.linear.gather [hbm4b:s29+s3], $0x50, $0x38;
	[tilespmem:$0x19200] =	vst v63  }
0xab: {  	_ =	swait.ge [sflag:s15], $0x50  }
0xac: {  	[sflag:s15] =	ssyncset.done $0x0  }
0xad: {  	[sflag:s15] =	ssyncadd.s32 $0xFFFFFFB0  }
0xae: {  	[tilespmem:s19], [sflag:$0x1] =	stream.indirect.gather [hbm4b:s4+s18], $0x80, s16, s18, $0xb8;
	[tilespmem:$0x19200] =	vst v63  }
0xaf: {  	s30 =	sadd.s32 $0xA, s30  }
0xb0: {  	[tilespmem:s20], [sflag:$0x3] =	stream.linear.gather [hbm4b:s30+s3], $0x50, $0x38;
	[tilespmem:$0x19200] =	vst v63  }
0xb1: {  	_ =	swait.ge [sflag:s15], $0x50  }
0xb2: {  	[sflag:s15] =	ssyncset.done $0x0  }
0xb3: {  	s29 =	sadd.s32 $0xA, s29;
	[sflag:s15] =	ssyncadd.s32 $0xFFFFFFB0  }
0xb4: {  	[tilespmem:s21], [sflag:$0x3] =	stream.linear.gather [hbm4b:s29+s3], $0x50, $0x38;
	[tilespmem:$0x19200] =	vst v63  }
0xb5: {  	_ =	swait.ge [sflag:s15], $0x50  }
0xb6: {  	[sflag:s15] =	ssyncset.done $0x0  }
0xb7: {  	[sflag:s15] =	ssyncadd.s32 $0xFFFFFFB0  }
0xb8: {  	[tilespmem:s22], [sflag:$0x2] =	stream.indirect.gather [hbm4b:s4+s18], $0x80, s20, s18, $0xb8;
	[tilespmem:$0x19200] =	vst v63  }
0xb9: {  	_ =	swait.ge [sflag:s23], $0x2800  }
0xba: {  	[sflag:s23] =	ssyncset.done $0x0  }
0xbb: {  	[sflag:s23] =	ssyncadd.s32 $0xFFFFD800  }
0xbc: {  	[spmem:s1] =	stream.indirect.scatter.add.f32 [tilespmem:s19], [sflag:$0x3], $0x80, s17, s18, $0xb8;
	[tilespmem:$0x19200] =	vst v63  }
0xbd: {  	_ =	swait.ge [sflag:s15], $0x2800  }
0xbe: {  	[sflag:s15] =	ssyncset.done $0x0  }
0xbf: {  	[sflag:s15] =	ssyncadd.s32 $0xFFFFD800  }
0xc0: {  	_ =	swait.ge [sflag:s24], $0x2800  }
.Ltmp5:
0xc1: {  	[sflag:s24] =	ssyncset.done $0x0;
	(pc) =	sbr.rel @!p1 .LBB2_3-.Ltmp5, $4  }
0xc2: {  	[sflag:s24] =	ssyncadd.s32 $0xFFFFD800  }
0xc3: {  	[spmem:s1] =	stream.indirect.scatter.add.f32 [tilespmem:s22], [sflag:$0x3], $0x80, s21, s18, $0xb8;
	[tilespmem:$0x19200] =	vst v63  }
0xc4: {  	_ =	swait.ge [sflag:s15], $0x2800  }
0xc5: {  	s29 =	smov.u32 s28;
	[sflag:s15] =	ssyncset.done $0x0  }
0xc6: {  	s28 =	sadd.s32 s26, s13;
	[sflag:s15] =	ssyncadd.s32 $0xFFFFD800  }
0xc7: {  	[tilespmem:s16], [sflag:$0x3] =	stream.linear.gather [hbm4b:s28+s3], $0x50, $0x38;
	[tilespmem:$0x19200] =	vst v63  }
0xc8: {  	_ =	swait.ge [sflag:s15], $0x50  }
0xc9: {  	[sflag:s15] =	ssyncset.done $0x0  }
0xca: {  	s31 =	sadd.s32 s26, s12;
	[sflag:s15] =	ssyncadd.s32 $0xFFFFFFB0  }
0xcb: {  	[tilespmem:s17], [sflag:$0x3] =	stream.linear.gather [hbm4b:s31+s3], $0x50, $0x38;
	[tilespmem:$0x19200] =	vst v63  }
0xcc: {  	_ =	swait.ge [sflag:s15], $0x50  }
0xcd: {  	[sflag:s15] =	ssyncset.done $0x0  }
0xce: {  	[sflag:s15] =	ssyncadd.s32 $0xFFFFFFB0  }
0xcf: {  	[tilespmem:s19], [sflag:$0x1] =	stream.indirect.gather [hbm4b:s4+s18], $0x80, s16, s18, $0xb8;
	[tilespmem:$0x19200] =	vst v63  }
0xd0: {  	s28 =	sadd.s32 $0xA, s28  }
0xd1: {  	[tilespmem:s20], [sflag:$0x3] =	stream.linear.gather [hbm4b:s28+s3], $0x50, $0x38;
	[tilespmem:$0x19200] =	vst v63  }
0xd2: {  	_ =	swait.ge [sflag:s15], $0x50  }
0xd3: {  	[sflag:s15] =	ssyncset.done $0x0  }
0xd4: {  	s26 =	sadd.s32 $0xA, s31;
	[sflag:s15] =	ssyncadd.s32 $0xFFFFFFB0  }
0xd5: {  	[tilespmem:s21], [sflag:$0x3] =	stream.linear.gather [hbm4b:s26+s3], $0x50, $0x38;
	[tilespmem:$0x19200] =	vst v63  }
0xd6: {  	_ =	swait.ge [sflag:s15], $0x50  }
0xd7: {  	[sflag:s15] =	ssyncset.done $0x0  }
0xd8: {  	[sflag:s15] =	ssyncadd.s32 $0xFFFFFFB0  }
0xd9: {  	[tilespmem:s22], [sflag:$0x2] =	stream.indirect.gather [hbm4b:s4+s18], $0x80, s20, s18, $0xb8;
	[tilespmem:$0x19200] =	vst v63  }
0xda: {  	_ =	swait.ge [sflag:s23], $0x2800  }
0xdb: {  	[sflag:s23] =	ssyncset.done $0x0  }
0xdc: {  	[sflag:s23] =	ssyncadd.s32 $0xFFFFD800  }
0xdd: {  	[spmem:s1] =	stream.indirect.scatter.add.f32 [tilespmem:s19], [sflag:$0x3], $0x80, s17, s18, $0xb8;
	[tilespmem:$0x19200] =	vst v63  }
0xde: {  	_ =	swait.ge [sflag:s15], $0x2800  }
0xdf: {  	[sflag:s15] =	ssyncset.done $0x0  }
0xe0: {  	[sflag:s15] =	ssyncadd.s32 $0xFFFFD800  }
0xe1: {  	_ =	swait.ge [sflag:s24], $0x2800  }
0xe2: {  	[sflag:s24] =	ssyncset.done $0x0  }
.Ltmp6:
0xe3: {  	[sflag:s24] =	ssyncadd.s32 $0xFFFFD800;
	(pc) =	sbr.rel .LBB2_8-.Ltmp6, $4  }
0xe4: {  	[spmem:s1] =	stream.indirect.scatter.add.f32 [tilespmem:s22], [sflag:$0x3], $0x80, s21, s18, $0xb8;
	[tilespmem:$0x19200] =	vst v63  }
0xe5: {  	_ =	swait.ge [sflag:s15], $0x2800  }
0xe6: {  	[sflag:s15] =	ssyncset.done $0x0  }
0xe7: {  	s26 =	smov.u32 s7;
	[sflag:s15] =	ssyncadd.s32 $0xFFFFD800  }
.LBB2_9:
0xe8: {  	_ =	sfence.sel $0x180000  }
0xe9: {  	[bflag:$0x0] =	sbarrier.arrive $0xFFFF  }
0xea: {  	p0 =	sne.s32 s2, $0x0;
	_ =	strace $0x9000004A  }
0xeb: {  	s0 =	sadd.s32 @!p0 $0x100000, s0;
	[bflag:$0x2] =	sbarrier.arrive $0xFFFF  }
0xec: {  	[sflag:s0] =	ssyncadd.tile.s32 @!p0 $0x1;
	_ =	shalt  }
.Lfunc_end2:
_tile_overlayer_lowered:
.L_overlay_start_2:
0xed: {  	(tag) =	ssettag $0x2  }
0xee: {  	s0 =	rddreg [dreg:$0x0];
	s2 =	stileid.u32  }
0xef: {  	s1 =	rddreg [dreg:$0x1];
	p0 =	sne.s32 s2, $0x0  }
0xf0: {  	s3 =	rddreg [dreg:$0x2];
	[bflag:$0x3] =	sbarrier.arrive $0xFFFF;
	s2 =	simm.s32 @!p0 $0x1C03  }
0xf1: {  	[timem:s3], [sflag:s2] =	dma.local @!p0 [hbm:s0], s1  }
0xf2: {  	s0 =	simm.s32 @!p0 $0x3  }
0xf3: {  	_ =	swait.ge @!p0 [sflag:s0], s1  }
0xf4: {  	s1 =	ssub.s32 @!p0 $0x0, s1;
	[sflag:s0] =	ssyncset.done @!p0 $0x0  }
0xf5: {  	[sflag:s0] =	ssyncadd.s32 @!p0 s1  }
0xf6: {  	[bflag:$0x3] =	sbarrier.arrive $0xFFFF  }
0xf7: {  	_ =	shalt  }

</sc_bundles>
